<compile_context>
chip_gen: v7x
topology: tpu7x:2x2x1
jax: 0.10.2.dev20260603
libtpu: 0.0.44.dev20260713+nightly
codegen_flags: <defaults>
</compile_context>

<pallas_src>
import jax
import jax.numpy as jnp
from jax.experimental import pallas as pl
from jax.experimental.pallas import tpu as pltpu
from jax.experimental.pallas import tpu_sc as plsc

_VOCAB = 100000
_EMBED = 64
_BATCH = 1024
_CTX = 20

_NW = 32
_IPW = _BATCH // _NW
_RPAD = 24
_NLANE = 16

_VT = 2048
_NV = (_VOCAB + _VT - 1) // _VT
_VTAIL = _VOCAB - (_NV - 1) * _VT
_NSPLIT = 8
_RCHUNK = _VT // _NSPLIT
_TSPLIT = 4
_TCHUNK = _VTAIL // _TSPLIT


def _sc_gather_mean(table, inputs):
    mesh = plsc.VectorSubcoreMesh(core_axis_name="c", subcore_axis_name="s")

    @pl.kernel(out_type=jax.ShapeDtypeStruct((_BATCH, _EMBED), table.dtype),
               mesh=mesh,
               compiler_params=pltpu.CompilerParams(use_tc_tiling_on_sc=False),
               scratch_types=[
                   pltpu.VMEM((_IPW, _CTX), jnp.int32),
                   pltpu.VMEM((_IPW * _RPAD, _EMBED), jnp.float32),
                   pltpu.VMEM((_IPW, _EMBED), jnp.float32),
                   pltpu.SemaphoreType.DMA,
               ])
    def gather_kernel(table_hbm, idx_hbm, out_hbm, idx_v, rows_v, emb_v, sem):
        wid = jax.lax.axis_index("s") * 2 + jax.lax.axis_index("c")
        base = wid * _IPW
        pltpu.sync_copy(idx_hbm.at[pl.ds(base, _IPW), :], idx_v)
        copies = []
        for i in range(_IPW):
            copies.append(pltpu.async_copy(
                table_hbm.at[idx_v.at[i]],
                rows_v.at[pl.ds(i * _RPAD, _CTX)],
                sem,
            ))
        for cp in copies:
            cp.wait()

        @pl.loop(0, _IPW)
        def _(i):
            for l in range(_EMBED // _NLANE):
                sl = pl.ds(l * _NLANE, _NLANE)
                acc = rows_v[i * _RPAD, sl]
                for c in range(1, _CTX):
                    acc = acc + rows_v[i * _RPAD + c, sl]
                emb_v[i, sl] = acc * (1.0 / _CTX)

        pltpu.sync_copy(emb_v, out_hbm.at[pl.ds(base, _IPW)])

    return gather_kernel(table, inputs)


_NBUF = 3


def _project_body(emb_ref, wt_ref, b_ref, out_hbm, out_buf, embt, sems):
    j = pl.program_id(0)
    cur = jax.lax.rem(j, _NBUF)
    base = j * _VT

    @pl.when(j == 0)
    def _():
        embt[...] = emb_ref[...].astype(jnp.bfloat16).T

    @pl.when(j >= _NBUF)
    def _():
        for k in range(_NSPLIT):
            pltpu.make_async_copy(
                out_buf.at[cur, pl.ds(k * _RCHUNK, _RCHUNK), :],
                out_hbm.at[pl.ds(k * _RCHUNK, _RCHUNK), :],
                sems.at[cur, k],
            ).wait()

    out_buf[cur] = jax.lax.dot_general(
        wt_ref[...].astype(jnp.bfloat16), embt[...],
        dimension_numbers=(((0,), (0,)), ((), ())),
        preferred_element_type=jnp.float32,
    ) + b_ref[...].reshape(1, _VT).T

    @pl.when(j < _NV - 1)
    def _():
        for k in range(_NSPLIT):
            pltpu.make_async_copy(
                out_buf.at[cur, pl.ds(k * _RCHUNK, _RCHUNK), :],
                out_hbm.at[pl.ds(base + k * _RCHUNK, _RCHUNK), :],
                sems.at[cur, k],
            ).start()

    @pl.when(j == _NV - 1)
    def _():
        for k in range(_TSPLIT):
            pltpu.make_async_copy(
                out_buf.at[cur, pl.ds(k * _TCHUNK, _TCHUNK), :],
                out_hbm.at[pl.ds(base + k * _TCHUNK, _TCHUNK), :],
                sems.at[cur, k],
            ).start()
        for d in range(1, _NBUF):
            prev = jax.lax.rem(j + _NBUF - d, _NBUF)
            for k in range(_NSPLIT):
                pltpu.make_async_copy(
                    out_buf.at[prev, pl.ds(k * _RCHUNK, _RCHUNK), :],
                    out_hbm.at[pl.ds(k * _RCHUNK, _RCHUNK), :],
                    sems.at[prev, k],
                ).wait()
        for k in range(_TSPLIT):
            pltpu.make_async_copy(
                out_buf.at[cur, pl.ds(k * _TCHUNK, _TCHUNK), :],
                out_hbm.at[pl.ds(k * _TCHUNK, _TCHUNK), :],
                sems.at[cur, k],
            ).wait()


def _project_t(emb, WT, b2):
    return pl.pallas_call(
        _project_body,
        grid=(_NV,),
        in_specs=[
            pl.BlockSpec((_BATCH, _EMBED), lambda j: (0, 0)),
            pl.BlockSpec((_EMBED, _VT), lambda j: (0, j)),
            pl.BlockSpec((1, 1, _VT), lambda j: (j, 0, 0)),
        ],
        out_specs=pl.BlockSpec(memory_space=pl.ANY),
        out_shape=jax.ShapeDtypeStruct((_VOCAB, _BATCH), jnp.float32),
        scratch_shapes=[
            pltpu.VMEM((_NBUF, _VT, _BATCH), jnp.float32),
            pltpu.VMEM((_EMBED, _BATCH), jnp.bfloat16),
            pltpu.SemaphoreType.DMA((_NBUF, _NSPLIT)),
        ],
        compiler_params=pltpu.CompilerParams(
            dimension_semantics=("arbitrary",)),
    )(emb, WT, b2)


def kernel(inputs, table, W, b):
    emb = _sc_gather_mean(table, inputs.astype(jnp.int32))
    b_pad = jnp.pad(b, (0, _NV * _VT - _VOCAB)).reshape(_NV, 1, _VT)
    logits_t = _project_t(emb, W.T, b_pad)
    return logits_t.T

# --- scband reference (transcript-rebuilt; emitter-appended) ---
"""Pipeline reference for scband-cbow-2370821948056 (READ-ONLY COPY).

The authoritative reference and input builder live on the scoring server;
editing this copy changes nothing except your own understanding.
"""

import jax, jax.numpy as jnp
import numpy as np

VOCAB = 100000
EMBED = 64
BATCH = 1024
CTX = 20

def setup_inputs(seed: int = 0) -> dict:
    key = jax.random.key(seed)
    k1, k2, k3, k4 = jax.random.split(key, 4)
    inputs = jax.random.randint(k1, (BATCH, CTX), 0, VOCAB, dtype=jnp.int64) if jax.config.jax_enable_x64 else jax.random.randint(k1, (BATCH, CTX), 0, VOCAB, dtype=jnp.int32)
    table = jax.random.normal(k2, (VOCAB, EMBED), dtype=jnp.float32)
    W = jax.random.normal(k3, (VOCAB, EMBED), dtype=jnp.float32) * (1.0 / np.sqrt(EMBED))
    b = jax.random.normal(k4, (VOCAB,), dtype=jnp.float32) * 0.01
    return {"inputs": inputs, "table": table, "W": W, "b": b}

def reference(inputs, table, W, b):
    # embeddings = self.embeddings(inputs).mean(1).squeeze(1)
    emb = jnp.take(table, inputs, axis=0)            # [B, CTX, EMBED] gather
    emb = jnp.mean(emb, axis=1)                       # [B, EMBED]; squeeze(1) is a no-op since EMBED != 1
    # return self.linear(embeddings)
    logits = emb @ W.T + b                            # [B, VOCAB]
    return logits

if __name__ == "__main__":
    import jax
    _d = setup_inputs()
    print(jax.jit(kernel)(*tuple(_d.values())))

</pallas_src>

<mosaic_0001>
#map = affine_map<(d0, d1) -> (0, 0)>
module attributes {stable_mosaic.version = 14 : i64} {
  func.func @gather_kernel(%arg0: i32, %arg1: i32, %arg2: memref<100000x64xf32, #tpu.memory_space<hbm>>, %arg3: memref<1024x20xi32, #tpu.memory_space<hbm>>, %arg4: memref<1024x64xf32, #tpu.memory_space<hbm>>, %arg5: memref<32x20xi32, #tpu.memory_space<vmem>>, %arg6: memref<768x64xf32, #tpu.memory_space<vmem>>, %arg7: memref<32x64xf32, #tpu.memory_space<vmem>>, %arg8: memref<!tpu.dma_semaphore, #tpu.memory_space<semaphore_mem>>) attributes {dimension_semantics = [#tpu.dimension_semantics<core_parallel>, #tpu.dimension_semantics<subcore_parallel>], iteration_bounds = array<i64: 2, 16>, scalar_prefetch = 0 : i64, scratch_operands = 4 : i64, tpu.core_type = #tpu.core_type<sc_vector_subcore>, window_params = [{transform_indices = #map}, {transform_indices = #map}, {transform_indices = #map}]} {
    %mul3A = arith.constant 2 : i32
    %mul3A_0 = arith.muli %arg1, %mul3A : i32
    %add3A = arith.addi %mul3A_0, %arg0 : i32
    %mul3A_1 = arith.constant 32 : i32
    %mul3A_2 = arith.muli %add3A, %mul3A_1 : i32
    "tpu.region"() ({
      %run_scoped3A = tpu.sem_alloc : memref<!tpu.dma_semaphore, #tpu.memory_space<semaphore_mem>>
      %dma_start3A_645 = arith.constant 0 : i32
      %dma_start3A_646 = tpu.memref_slice %arg3[%mul3A_2, %dma_start3A_645] : memref<1024x20xi32, #tpu.memory_space<hbm>> -> memref<32x20xi32, #tpu.memory_space<hbm>>
      %dma_start3A_647 = arith.constant 0 : i32
      %dma_start3A_648 = tpu.memref_slice %arg3[%mul3A_2, %dma_start3A_647] : memref<1024x20xi32, #tpu.memory_space<hbm>> -> memref<32x20xi32, #tpu.memory_space<hbm>>
      tpu.enqueue_dma source(%dma_start3A_648 : memref<32x20xi32, #tpu.memory_space<hbm>>) target(%arg5 : memref<32x20xi32, #tpu.memory_space<vmem>>) target_semaphore(%run_scoped3A : memref<!tpu.dma_semaphore, #tpu.memory_space<semaphore_mem>>)
      %dma_wait3A_649 = arith.constant 0 : i32
      %dma_wait3A_650 = tpu.memref_slice %arg3[%mul3A_2, %dma_wait3A_649] : memref<1024x20xi32, #tpu.memory_space<hbm>> -> memref<32x20xi32, #tpu.memory_space<hbm>>
      %dma_wait3A_651 = arith.constant 0 : i32
      %dma_wait3A_652 = tpu.memref_slice %arg3[%mul3A_2, %dma_wait3A_651] : memref<1024x20xi32, #tpu.memory_space<hbm>> -> memref<32x20xi32, #tpu.memory_space<hbm>>
      tpu.wait_dma2 semaphore(%run_scoped3A : memref<!tpu.dma_semaphore, #tpu.memory_space<semaphore_mem>>) src(%dma_wait3A_652 : memref<32x20xi32, #tpu.memory_space<hbm>>) dst(%arg5 : memref<32x20xi32, #tpu.memory_space<vmem>>)
      tpu.yield
    }) : () -> ()
    %dma_start3A = arith.constant 0 : i32
    %dma_start3A_3 = arith.constant 0 : i32
    %dma_start3A_4 = arith.constant 0 : i32
    %dma_start3A_5 = tpu.memref_slice %arg6[%dma_start3A_3, %dma_start3A_4] : memref<768x64xf32, #tpu.memory_space<vmem>> -> memref<20x64xf32, #tpu.memory_space<vmem>>
    %dma_start3A_6 = arith.constant 0 : i32
    %dma_start3A_7 = tpu.memref_slice %arg5[%dma_start3A, %dma_start3A_6] : memref<32x20xi32, #tpu.memory_space<vmem>> -> memref<1x20xi32, #tpu.memory_space<vmem>>
    %dma_start3A_8 = tpu.memref_squeeze %dma_start3A_7 : memref<1x20xi32, #tpu.memory_space<vmem>> -> memref<20xi32, #tpu.memory_space<vmem>>
    %dma_start3A_9 = arith.constant 0 : i32
    %dma_start3A_10 = arith.constant 0 : i32
    %dma_start3A_11 = tpu.memref_slice %arg2[%dma_start3A_9, %dma_start3A_10] : memref<100000x64xf32, #tpu.memory_space<hbm>> -> memref<100000x64xf32, #tpu.memory_space<hbm>>
    tpu.enqueue_indirect_dma source(%dma_start3A_11 : memref<100000x64xf32, #tpu.memory_space<hbm>>) target(%dma_start3A_5 : memref<20x64xf32, #tpu.memory_space<vmem>>) offsets(%dma_start3A_8 : memref<20xi32, #tpu.memory_space<vmem>>) semaphore(%arg8 : memref<!tpu.dma_semaphore, #tpu.memory_space<semaphore_mem>>)
    %dma_start3A_12 = arith.constant 1 : i32
    %dma_start3A_13 = arith.constant 24 : i32
    %dma_start3A_14 = arith.constant 0 : i32
    %dma_start3A_15 = tpu.memref_slice %arg6[%dma_start3A_13, %dma_start3A_14] : memref<768x64xf32, #tpu.memory_space<vmem>> -> memref<20x64xf32, #tpu.memory_space<vmem>>
    %dma_start3A_16 = arith.constant 0 : i32
    %dma_start3A_17 = tpu.memref_slice %arg5[%dma_start3A_12, %dma_start3A_16] : memref<32x20xi32, #tpu.memory_space<vmem>> -> memref<1x20xi32, #tpu.memory_space<vmem>>
    %dma_start3A_18 = tpu.memref_squeeze %dma_start3A_17 : memref<1x20xi32, #tpu.memory_space<vmem>> -> memref<20xi32, #tpu.memory_space<vmem>>
    %dma_start3A_19 = arith.constant 0 : i32
    %dma_start3A_20 = arith.constant 0 : i32
    %dma_start3A_21 = tpu.memref_slice %arg2[%dma_start3A_19, %dma_start3A_20] : memref<100000x64xf32, #tpu.memory_space<hbm>> -> memref<100000x64xf32, #tpu.memory_space<hbm>>
    tpu.enqueue_indirect_dma source(%dma_start3A_21 : memref<100000x64xf32, #tpu.memory_space<hbm>>) target(%dma_start3A_15 : memref<20x64xf32, #tpu.memory_space<vmem>>) offsets(%dma_start3A_18 : memref<20xi32, #tpu.memory_space<vmem>>) semaphore(%arg8 : memref<!tpu.dma_semaphore, #tpu.memory_space<semaphore_mem>>)
    %dma_start3A_22 = arith.constant 2 : i32
    %dma_start3A_23 = arith.constant 48 : i32
    %dma_start3A_24 = arith.constant 0 : i32
    %dma_start3A_25 = tpu.memref_slice %arg6[%dma_start3A_23, %dma_start3A_24] : memref<768x64xf32, #tpu.memory_space<vmem>> -> memref<20x64xf32, #tpu.memory_space<vmem>>
    %dma_start3A_26 = arith.constant 0 : i32
    %dma_start3A_27 = tpu.memref_slice %arg5[%dma_start3A_22, %dma_start3A_26] : memref<32x20xi32, #tpu.memory_space<vmem>> -> memref<1x20xi32, #tpu.memory_space<vmem>>
    %dma_start3A_28 = tpu.memref_squeeze %dma_start3A_27 : memref<1x20xi32, #tpu.memory_space<vmem>> -> memref<20xi32, #tpu.memory_space<vmem>>
    %dma_start3A_29 = arith.constant 0 : i32
    %dma_start3A_30 = arith.constant 0 : i32
    %dma_start3A_31 = tpu.memref_slice %arg2[%dma_start3A_29, %dma_start3A_30] : memref<100000x64xf32, #tpu.memory_space<hbm>> -> memref<100000x64xf32, #tpu.memory_space<hbm>>
    tpu.enqueue_indirect_dma source(%dma_start3A_31 : memref<100000x64xf32, #tpu.memory_space<hbm>>) target(%dma_start3A_25 : memref<20x64xf32, #tpu.memory_space<vmem>>) offsets(%dma_start3A_28 : memref<20xi32, #tpu.memory_space<vmem>>) semaphore(%arg8 : memref<!tpu.dma_semaphore, #tpu.memory_space<semaphore_mem>>)
    %dma_start3A_32 = arith.constant 3 : i32
    %dma_start3A_33 = arith.constant 72 : i32
    %dma_start3A_34 = arith.constant 0 : i32
    %dma_start3A_35 = tpu.memref_slice %arg6[%dma_start3A_33, %dma_start3A_34] : memref<768x64xf32, #tpu.memory_space<vmem>> -> memref<20x64xf32, #tpu.memory_space<vmem>>
    %dma_start3A_36 = arith.constant 0 : i32
    %dma_start3A_37 = tpu.memref_slice %arg5[%dma_start3A_32, %dma_start3A_36] : memref<32x20xi32, #tpu.memory_space<vmem>> -> memref<1x20xi32, #tpu.memory_space<vmem>>
    %dma_start3A_38 = tpu.memref_squeeze %dma_start3A_37 : memref<1x20xi32, #tpu.memory_space<vmem>> -> memref<20xi32, #tpu.memory_space<vmem>>
    %dma_start3A_39 = arith.constant 0 : i32
    %dma_start3A_40 = arith.constant 0 : i32
    %dma_start3A_41 = tpu.memref_slice %arg2[%dma_start3A_39, %dma_start3A_40] : memref<100000x64xf32, #tpu.memory_space<hbm>> -> memref<100000x64xf32, #tpu.memory_space<hbm>>
    tpu.enqueue_indirect_dma source(%dma_start3A_41 : memref<100000x64xf32, #tpu.memory_space<hbm>>) target(%dma_start3A_35 : memref<20x64xf32, #tpu.memory_space<vmem>>) offsets(%dma_start3A_38 : memref<20xi32, #tpu.memory_space<vmem>>) semaphore(%arg8 : memref<!tpu.dma_semaphore, #tpu.memory_space<semaphore_mem>>)
    %dma_start3A_42 = arith.constant 4 : i32
    %dma_start3A_43 = arith.constant 96 : i32
    %dma_start3A_44 = arith.constant 0 : i32
    %dma_start3A_45 = tpu.memref_slice %arg6[%dma_start3A_43, %dma_start3A_44] : memref<768x64xf32, #tpu.memory_space<vmem>> -> memref<20x64xf32, #tpu.memory_space<vmem>>
    %dma_start3A_46 = arith.constant 0 : i32
    %dma_start3A_47 = tpu.memref_slice %arg5[%dma_start3A_42, %dma_start3A_46] : memref<32x20xi32, #tpu.memory_space<vmem>> -> memref<1x20xi32, #tpu.memory_space<vmem>>
    %dma_start3A_48 = tpu.memref_squeeze %dma_start3A_47 : memref<1x20xi32, #tpu.memory_space<vmem>> -> memref<20xi32, #tpu.memory_space<vmem>>
    %dma_start3A_49 = arith.constant 0 : i32
    %dma_start3A_50 = arith.constant 0 : i32
    %dma_start3A_51 = tpu.memref_slice %arg2[%dma_start3A_49, %dma_start3A_50] : memref<100000x64xf32, #tpu.memory_space<hbm>> -> memref<100000x64xf32, #tpu.memory_space<hbm>>
    tpu.enqueue_indirect_dma source(%dma_start3A_51 : memref<100000x64xf32, #tpu.memory_space<hbm>>) target(%dma_start3A_45 : memref<20x64xf32, #tpu.memory_space<vmem>>) offsets(%dma_start3A_48 : memref<20xi32, #tpu.memory_space<vmem>>) semaphore(%arg8 : memref<!tpu.dma_semaphore, #tpu.memory_space<semaphore_mem>>)
    %dma_start3A_52 = arith.constant 5 : i32
    %dma_start3A_53 = arith.constant 120 : i32
    %dma_start3A_54 = arith.constant 0 : i32
    %dma_start3A_55 = tpu.memref_slice %arg6[%dma_start3A_53, %dma_start3A_54] : memref<768x64xf32, #tpu.memory_space<vmem>> -> memref<20x64xf32, #tpu.memory_space<vmem>>
    %dma_start3A_56 = arith.constant 0 : i32
    %dma_start3A_57 = tpu.memref_slice %arg5[%dma_start3A_52, %dma_start3A_56] : memref<32x20xi32, #tpu.memory_space<vmem>> -> memref<1x20xi32, #tpu.memory_space<vmem>>
    %dma_start3A_58 = tpu.memref_squeeze %dma_start3A_57 : memref<1x20xi32, #tpu.memory_space<vmem>> -> memref<20xi32, #tpu.memory_space<vmem>>
    %dma_start3A_59 = arith.constant 0 : i32
    %dma_start3A_60 = arith.constant 0 : i32
    %dma_start3A_61 = tpu.memref_slice %arg2[%dma_start3A_59, %dma_start3A_60] : memref<100000x64xf32, #tpu.memory_space<hbm>> -> memref<100000x64xf32, #tpu.memory_space<hbm>>
    tpu.enqueue_indirect_dma source(%dma_start3A_61 : memref<100000x64xf32, #tpu.memory_space<hbm>>) target(%dma_start3A_55 : memref<20x64xf32, #tpu.memory_space<vmem>>) offsets(%dma_start3A_58 : memref<20xi32, #tpu.memory_space<vmem>>) semaphore(%arg8 : memref<!tpu.dma_semaphore, #tpu.memory_space<semaphore_mem>>)
    %dma_start3A_62 = arith.constant 6 : i32
    %dma_start3A_63 = arith.constant 144 : i32
    %dma_start3A_64 = arith.constant 0 : i32
    %dma_start3A_65 = tpu.memref_slice %arg6[%dma_start3A_63, %dma_start3A_64] : memref<768x64xf32, #tpu.memory_space<vmem>> -> memref<20x64xf32, #tpu.memory_space<vmem>>
    %dma_start3A_66 = arith.constant 0 : i32
    %dma_start3A_67 = tpu.memref_slice %arg5[%dma_start3A_62, %dma_start3A_66] : memref<32x20xi32, #tpu.memory_space<vmem>> -> memref<1x20xi32, #tpu.memory_space<vmem>>
    %dma_start3A_68 = tpu.memref_squeeze %dma_start3A_67 : memref<1x20xi32, #tpu.memory_space<vmem>> -> memref<20xi32, #tpu.memory_space<vmem>>
    %dma_start3A_69 = arith.constant 0 : i32
    %dma_start3A_70 = arith.constant 0 : i32
    %dma_start3A_71 = tpu.memref_slice %arg2[%dma_start3A_69, %dma_start3A_70] : memref<100000x64xf32, #tpu.memory_space<hbm>> -> memref<100000x64xf32, #tpu.memory_space<hbm>>
    tpu.enqueue_indirect_dma source(%dma_start3A_71 : memref<100000x64xf32, #tpu.memory_space<hbm>>) target(%dma_start3A_65 : memref<20x64xf32, #tpu.memory_space<vmem>>) offsets(%dma_start3A_68 : memref<20xi32, #tpu.memory_space<vmem>>) semaphore(%arg8 : memref<!tpu.dma_semaphore, #tpu.memory_space<semaphore_mem>>)
    %dma_start3A_72 = arith.constant 7 : i32
    %dma_start3A_73 = arith.constant 168 : i32
    %dma_start3A_74 = arith.constant 0 : i32
    %dma_start3A_75 = tpu.memref_slice %arg6[%dma_start3A_73, %dma_start3A_74] : memref<768x64xf32, #tpu.memory_space<vmem>> -> memref<20x64xf32, #tpu.memory_space<vmem>>
    %dma_start3A_76 = arith.constant 0 : i32
    %dma_start3A_77 = tpu.memref_slice %arg5[%dma_start3A_72, %dma_start3A_76] : memref<32x20xi32, #tpu.memory_space<vmem>> -> memref<1x20xi32, #tpu.memory_space<vmem>>
    %dma_start3A_78 = tpu.memref_squeeze %dma_start3A_77 : memref<1x20xi32, #tpu.memory_space<vmem>> -> memref<20xi32, #tpu.memory_space<vmem>>
    %dma_start3A_79 = arith.constant 0 : i32
    %dma_start3A_80 = arith.constant 0 : i32
    %dma_start3A_81 = tpu.memref_slice %arg2[%dma_start3A_79, %dma_start3A_80] : memref<100000x64xf32, #tpu.memory_space<hbm>> -> memref<100000x64xf32, #tpu.memory_space<hbm>>
    tpu.enqueue_indirect_dma source(%dma_start3A_81 : memref<100000x64xf32, #tpu.memory_space<hbm>>) target(%dma_start3A_75 : memref<20x64xf32, #tpu.memory_space<vmem>>) offsets(%dma_start3A_78 : memref<20xi32, #tpu.memory_space<vmem>>) semaphore(%arg8 : memref<!tpu.dma_semaphore, #tpu.memory_space<semaphore_mem>>)
    %dma_start3A_82 = arith.constant 8 : i32
    %dma_start3A_83 = arith.constant 192 : i32
    %dma_start3A_84 = arith.constant 0 : i32
    %dma_start3A_85 = tpu.memref_slice %arg6[%dma_start3A_83, %dma_start3A_84] : memref<768x64xf32, #tpu.memory_space<vmem>> -> memref<20x64xf32, #tpu.memory_space<vmem>>
    %dma_start3A_86 = arith.constant 0 : i32
    %dma_start3A_87 = tpu.memref_slice %arg5[%dma_start3A_82, %dma_start3A_86] : memref<32x20xi32, #tpu.memory_space<vmem>> -> memref<1x20xi32, #tpu.memory_space<vmem>>
    %dma_start3A_88 = tpu.memref_squeeze %dma_start3A_87 : memref<1x20xi32, #tpu.memory_space<vmem>> -> memref<20xi32, #tpu.memory_space<vmem>>
    %dma_start3A_89 = arith.constant 0 : i32
    %dma_start3A_90 = arith.constant 0 : i32
    %dma_start3A_91 = tpu.memref_slice %arg2[%dma_start3A_89, %dma_start3A_90] : memref<100000x64xf32, #tpu.memory_space<hbm>> -> memref<100000x64xf32, #tpu.memory_space<hbm>>
    tpu.enqueue_indirect_dma source(%dma_start3A_91 : memref<100000x64xf32, #tpu.memory_space<hbm>>) target(%dma_start3A_85 : memref<20x64xf32, #tpu.memory_space<vmem>>) offsets(%dma_start3A_88 : memref<20xi32, #tpu.memory_space<vmem>>) semaphore(%arg8 : memref<!tpu.dma_semaphore, #tpu.memory_space<semaphore_mem>>)
    %dma_start3A_92 = arith.constant 9 : i32
    %dma_start3A_93 = arith.constant 216 : i32
    %dma_start3A_94 = arith.constant 0 : i32
    %dma_start3A_95 = tpu.memref_slice %arg6[%dma_start3A_93, %dma_start3A_94] : memref<768x64xf32, #tpu.memory_space<vmem>> -> memref<20x64xf32, #tpu.memory_space<vmem>>
    %dma_start3A_96 = arith.constant 0 : i32
    %dma_start3A_97 = tpu.memref_slice %arg5[%dma_start3A_92, %dma_start3A_96] : memref<32x20xi32, #tpu.memory_space<vmem>> -> memref<1x20xi32, #tpu.memory_space<vmem>>
    %dma_start3A_98 = tpu.memref_squeeze %dma_start3A_97 : memref<1x20xi32, #tpu.memory_space<vmem>> -> memref<20xi32, #tpu.memory_space<vmem>>
    %dma_start3A_99 = arith.constant 0 : i32
    %dma_start3A_100 = arith.constant 0 : i32
    %dma_start3A_101 = tpu.memref_slice %arg2[%dma_start3A_99, %dma_start3A_100] : memref<100000x64xf32, #tpu.memory_space<hbm>> -> memref<100000x64xf32, #tpu.memory_space<hbm>>
    tpu.enqueue_indirect_dma source(%dma_start3A_101 : memref<100000x64xf32, #tpu.memory_space<hbm>>) target(%dma_start3A_95 : memref<20x64xf32, #tpu.memory_space<vmem>>) offsets(%dma_start3A_98 : memref<20xi32, #tpu.memory_space<vmem>>) semaphore(%arg8 : memref<!tpu.dma_semaphore, #tpu.memory_space<semaphore_mem>>)
    %dma_start3A_102 = arith.constant 10 : i32
    %dma_start3A_103 = arith.constant 240 : i32
    %dma_start3A_104 = arith.constant 0 : i32
    %dma_start3A_105 = tpu.memref_slice %arg6[%dma_start3A_103, %dma_start3A_104] : memref<768x64xf32, #tpu.memory_space<vmem>> -> memref<20x64xf32, #tpu.memory_space<vmem>>
    %dma_start3A_106 = arith.constant 0 : i32
    %dma_start3A_107 = tpu.memref_slice %arg5[%dma_start3A_102, %dma_start3A_106] : memref<32x20xi32, #tpu.memory_space<vmem>> -> memref<1x20xi32, #tpu.memory_space<vmem>>
    %dma_start3A_108 = tpu.memref_squeeze %dma_start3A_107 : memref<1x20xi32, #tpu.memory_space<vmem>> -> memref<20xi32, #tpu.memory_space<vmem>>
    %dma_start3A_109 = arith.constant 0 : i32
    %dma_start3A_110 = arith.constant 0 : i32
    %dma_start3A_111 = tpu.memref_slice %arg2[%dma_start3A_109, %dma_start3A_110] : memref<100000x64xf32, #tpu.memory_space<hbm>> -> memref<100000x64xf32, #tpu.memory_space<hbm>>
    tpu.enqueue_indirect_dma source(%dma_start3A_111 : memref<100000x64xf32, #tpu.memory_space<hbm>>) target(%dma_start3A_105 : memref<20x64xf32, #tpu.memory_space<vmem>>) offsets(%dma_start3A_108 : memref<20xi32, #tpu.memory_space<vmem>>) semaphore(%arg8 : memref<!tpu.dma_semaphore, #tpu.memory_space<semaphore_mem>>)
    %dma_start3A_112 = arith.constant 11 : i32
    %dma_start3A_113 = arith.constant 264 : i32
    %dma_start3A_114 = arith.constant 0 : i32
    %dma_start3A_115 = tpu.memref_slice %arg6[%dma_start3A_113, %dma_start3A_114] : memref<768x64xf32, #tpu.memory_space<vmem>> -> memref<20x64xf32, #tpu.memory_space<vmem>>
    %dma_start3A_116 = arith.constant 0 : i32
    %dma_start3A_117 = tpu.memref_slice %arg5[%dma_start3A_112, %dma_start3A_116] : memref<32x20xi32, #tpu.memory_space<vmem>> -> memref<1x20xi32, #tpu.memory_space<vmem>>
    %dma_start3A_118 = tpu.memref_squeeze %dma_start3A_117 : memref<1x20xi32, #tpu.memory_space<vmem>> -> memref<20xi32, #tpu.memory_space<vmem>>
    %dma_start3A_119 = arith.constant 0 : i32
    %dma_start3A_120 = arith.constant 0 : i32
    %dma_start3A_121 = tpu.memref_slice %arg2[%dma_start3A_119, %dma_start3A_120] : memref<100000x64xf32, #tpu.memory_space<hbm>> -> memref<100000x64xf32, #tpu.memory_space<hbm>>
    tpu.enqueue_indirect_dma source(%dma_start3A_121 : memref<100000x64xf32, #tpu.memory_space<hbm>>) target(%dma_start3A_115 : memref<20x64xf32, #tpu.memory_space<vmem>>) offsets(%dma_start3A_118 : memref<20xi32, #tpu.memory_space<vmem>>) semaphore(%arg8 : memref<!tpu.dma_semaphore, #tpu.memory_space<semaphore_mem>>)
    %dma_start3A_122 = arith.constant 12 : i32
    %dma_start3A_123 = arith.constant 288 : i32
    %dma_start3A_124 = arith.constant 0 : i32
    %dma_start3A_125 = tpu.memref_slice %arg6[%dma_start3A_123, %dma_start3A_124] : memref<768x64xf32, #tpu.memory_space<vmem>> -> memref<20x64xf32, #tpu.memory_space<vmem>>
    %dma_start3A_126 = arith.constant 0 : i32
    %dma_start3A_127 = tpu.memref_slice %arg5[%dma_start3A_122, %dma_start3A_126] : memref<32x20xi32, #tpu.memory_space<vmem>> -> memref<1x20xi32, #tpu.memory_space<vmem>>
    %dma_start3A_128 = tpu.memref_squeeze %dma_start3A_127 : memref<1x20xi32, #tpu.memory_space<vmem>> -> memref<20xi32, #tpu.memory_space<vmem>>
    %dma_start3A_129 = arith.constant 0 : i32
    %dma_start3A_130 = arith.constant 0 : i32
    %dma_start3A_131 = tpu.memref_slice %arg2[%dma_start3A_129, %dma_start3A_130] : memref<100000x64xf32, #tpu.memory_space<hbm>> -> memref<100000x64xf32, #tpu.memory_space<hbm>>
    tpu.enqueue_indirect_dma source(%dma_start3A_131 : memref<100000x64xf32, #tpu.memory_space<hbm>>) target(%dma_start3A_125 : memref<20x64xf32, #tpu.memory_space<vmem>>) offsets(%dma_start3A_128 : memref<20xi32, #tpu.memory_space<vmem>>) semaphore(%arg8 : memref<!tpu.dma_semaphore, #tpu.memory_space<semaphore_mem>>)
    %dma_start3A_132 = arith.constant 13 : i32
    %dma_start3A_133 = arith.constant 312 : i32
    %dma_start3A_134 = arith.constant 0 : i32
    %dma_start3A_135 = tpu.memref_slice %arg6[%dma_start3A_133, %dma_start3A_134] : memref<768x64xf32, #tpu.memory_space<vmem>> -> memref<20x64xf32, #tpu.memory_space<vmem>>
    %dma_start3A_136 = arith.constant 0 : i32
    %dma_start3A_137 = tpu.memref_slice %arg5[%dma_start3A_132, %dma_start3A_136] : memref<32x20xi32, #tpu.memory_space<vmem>> -> memref<1x20xi32, #tpu.memory_space<vmem>>
    %dma_start3A_138 = tpu.memref_squeeze %dma_start3A_137 : memref<1x20xi32, #tpu.memory_space<vmem>> -> memref<20xi32, #tpu.memory_space<vmem>>
    %dma_start3A_139 = arith.constant 0 : i32
    %dma_start3A_140 = arith.constant 0 : i32
    %dma_start3A_141 = tpu.memref_slice %arg2[%dma_start3A_139, %dma_start3A_140] : memref<100000x64xf32, #tpu.memory_space<hbm>> -> memref<100000x64xf32, #tpu.memory_space<hbm>>
    tpu.enqueue_indirect_dma source(%dma_start3A_141 : memref<100000x64xf32, #tpu.memory_space<hbm>>) target(%dma_start3A_135 : memref<20x64xf32, #tpu.memory_space<vmem>>) offsets(%dma_start3A_138 : memref<20xi32, #tpu.memory_space<vmem>>) semaphore(%arg8 : memref<!tpu.dma_semaphore, #tpu.memory_space<semaphore_mem>>)
    %dma_start3A_142 = arith.constant 14 : i32
    %dma_start3A_143 = arith.constant 336 : i32
    %dma_start3A_144 = arith.constant 0 : i32
    %dma_start3A_145 = tpu.memref_slice %arg6[%dma_start3A_143, %dma_start3A_144] : memref<768x64xf32, #tpu.memory_space<vmem>> -> memref<20x64xf32, #tpu.memory_space<vmem>>
    %dma_start3A_146 = arith.constant 0 : i32
    %dma_start3A_147 = tpu.memref_slice %arg5[%dma_start3A_142, %dma_start3A_146] : memref<32x20xi32, #tpu.memory_space<vmem>> -> memref<1x20xi32, #tpu.memory_space<vmem>>
    %dma_start3A_148 = tpu.memref_squeeze %dma_start3A_147 : memref<1x20xi32, #tpu.memory_space<vmem>> -> memref<20xi32, #tpu.memory_space<vmem>>
    %dma_start3A_149 = arith.constant 0 : i32
    %dma_start3A_150 = arith.constant 0 : i32
    %dma_start3A_151 = tpu.memref_slice %arg2[%dma_start3A_149, %dma_start3A_150] : memref<100000x64xf32, #tpu.memory_space<hbm>> -> memref<100000x64xf32, #tpu.memory_space<hbm>>
    tpu.enqueue_indirect_dma source(%dma_start3A_151 : memref<100000x64xf32, #tpu.memory_space<hbm>>) target(%dma_start3A_145 : memref<20x64xf32, #tpu.memory_space<vmem>>) offsets(%dma_start3A_148 : memref<20xi32, #tpu.memory_space<vmem>>) semaphore(%arg8 : memref<!tpu.dma_semaphore, #tpu.memory_space<semaphore_mem>>)
    %dma_start3A_152 = arith.constant 15 : i32
    %dma_start3A_153 = arith.constant 360 : i32
    %dma_start3A_154 = arith.constant 0 : i32
    %dma_start3A_155 = tpu.memref_slice %arg6[%dma_start3A_153, %dma_start3A_154] : memref<768x64xf32, #tpu.memory_space<vmem>> -> memref<20x64xf32, #tpu.memory_space<vmem>>
    %dma_start3A_156 = arith.constant 0 : i32
    %dma_start3A_157 = tpu.memref_slice %arg5[%dma_start3A_152, %dma_start3A_156] : memref<32x20xi32, #tpu.memory_space<vmem>> -> memref<1x20xi32, #tpu.memory_space<vmem>>
    %dma_start3A_158 = tpu.memref_squeeze %dma_start3A_157 : memref<1x20xi32, #tpu.memory_space<vmem>> -> memref<20xi32, #tpu.memory_space<vmem>>
    %dma_start3A_159 = arith.constant 0 : i32
    %dma_start3A_160 = arith.constant 0 : i32
    %dma_start3A_161 = tpu.memref_slice %arg2[%dma_start3A_159, %dma_start3A_160] : memref<100000x64xf32, #tpu.memory_space<hbm>> -> memref<100000x64xf32, #tpu.memory_space<hbm>>
    tpu.enqueue_indirect_dma source(%dma_start3A_161 : memref<100000x64xf32, #tpu.memory_space<hbm>>) target(%dma_start3A_155 : memref<20x64xf32, #tpu.memory_space<vmem>>) offsets(%dma_start3A_158 : memref<20xi32, #tpu.memory_space<vmem>>) semaphore(%arg8 : memref<!tpu.dma_semaphore, #tpu.memory_space<semaphore_mem>>)
    %dma_start3A_162 = arith.constant 16 : i32
    %dma_start3A_163 = arith.constant 384 : i32
    %dma_start3A_164 = arith.constant 0 : i32
    %dma_start3A_165 = tpu.memref_slice %arg6[%dma_start3A_163, %dma_start3A_164] : memref<768x64xf32, #tpu.memory_space<vmem>> -> memref<20x64xf32, #tpu.memory_space<vmem>>
    %dma_start3A_166 = arith.constant 0 : i32
    %dma_start3A_167 = tpu.memref_slice %arg5[%dma_start3A_162, %dma_start3A_166] : memref<32x20xi32, #tpu.memory_space<vmem>> -> memref<1x20xi32, #tpu.memory_space<vmem>>
    %dma_start3A_168 = tpu.memref_squeeze %dma_start3A_167 : memref<1x20xi32, #tpu.memory_space<vmem>> -> memref<20xi32, #tpu.memory_space<vmem>>
    %dma_start3A_169 = arith.constant 0 : i32
    %dma_start3A_170 = arith.constant 0 : i32
    %dma_start3A_171 = tpu.memref_slice %arg2[%dma_start3A_169, %dma_start3A_170] : memref<100000x64xf32, #tpu.memory_space<hbm>> -> memref<100000x64xf32, #tpu.memory_space<hbm>>
    tpu.enqueue_indirect_dma source(%dma_start3A_171 : memref<100000x64xf32, #tpu.memory_space<hbm>>) target(%dma_start3A_165 : memref<20x64xf32, #tpu.memory_space<vmem>>) offsets(%dma_start3A_168 : memref<20xi32, #tpu.memory_space<vmem>>) semaphore(%arg8 : memref<!tpu.dma_semaphore, #tpu.memory_space<semaphore_mem>>)
    %dma_start3A_172 = arith.constant 17 : i32
    %dma_start3A_173 = arith.constant 408 : i32
    %dma_start3A_174 = arith.constant 0 : i32
    %dma_start3A_175 = tpu.memref_slice %arg6[%dma_start3A_173, %dma_start3A_174] : memref<768x64xf32, #tpu.memory_space<vmem>> -> memref<20x64xf32, #tpu.memory_space<vmem>>
    %dma_start3A_176 = arith.constant 0 : i32
    %dma_start3A_177 = tpu.memref_slice %arg5[%dma_start3A_172, %dma_start3A_176] : memref<32x20xi32, #tpu.memory_space<vmem>> -> memref<1x20xi32, #tpu.memory_space<vmem>>
    %dma_start3A_178 = tpu.memref_squeeze %dma_start3A_177 : memref<1x20xi32, #tpu.memory_space<vmem>> -> memref<20xi32, #tpu.memory_space<vmem>>
    %dma_start3A_179 = arith.constant 0 : i32
    %dma_start3A_180 = arith.constant 0 : i32
    %dma_start3A_181 = tpu.memref_slice %arg2[%dma_start3A_179, %dma_start3A_180] : memref<100000x64xf32, #tpu.memory_space<hbm>> -> memref<100000x64xf32, #tpu.memory_space<hbm>>
    tpu.enqueue_indirect_dma source(%dma_start3A_181 : memref<100000x64xf32, #tpu.memory_space<hbm>>) target(%dma_start3A_175 : memref<20x64xf32, #tpu.memory_space<vmem>>) offsets(%dma_start3A_178 : memref<20xi32, #tpu.memory_space<vmem>>) semaphore(%arg8 : memref<!tpu.dma_semaphore, #tpu.memory_space<semaphore_mem>>)
    %dma_start3A_182 = arith.constant 18 : i32
    %dma_start3A_183 = arith.constant 432 : i32
    %dma_start3A_184 = arith.constant 0 : i32
    %dma_start3A_185 = tpu.memref_slice %arg6[%dma_start3A_183, %dma_start3A_184] : memref<768x64xf32, #tpu.memory_space<vmem>> -> memref<20x64xf32, #tpu.memory_space<vmem>>
    %dma_start3A_186 = arith.constant 0 : i32
    %dma_start3A_187 = tpu.memref_slice %arg5[%dma_start3A_182, %dma_start3A_186] : memref<32x20xi32, #tpu.memory_space<vmem>> -> memref<1x20xi32, #tpu.memory_space<vmem>>
    %dma_start3A_188 = tpu.memref_squeeze %dma_start3A_187 : memref<1x20xi32, #tpu.memory_space<vmem>> -> memref<20xi32, #tpu.memory_space<vmem>>
    %dma_start3A_189 = arith.constant 0 : i32
    %dma_start3A_190 = arith.constant 0 : i32
    %dma_start3A_191 = tpu.memref_slice %arg2[%dma_start3A_189, %dma_start3A_190] : memref<100000x64xf32, #tpu.memory_space<hbm>> -> memref<100000x64xf32, #tpu.memory_space<hbm>>
    tpu.enqueue_indirect_dma source(%dma_start3A_191 : memref<100000x64xf32, #tpu.memory_space<hbm>>) target(%dma_start3A_185 : memref<20x64xf32, #tpu.memory_space<vmem>>) offsets(%dma_start3A_188 : memref<20xi32, #tpu.memory_space<vmem>>) semaphore(%arg8 : memref<!tpu.dma_semaphore, #tpu.memory_space<semaphore_mem>>)
    %dma_start3A_192 = arith.constant 19 : i32
    %dma_start3A_193 = arith.constant 456 : i32
    %dma_start3A_194 = arith.constant 0 : i32
    %dma_start3A_195 = tpu.memref_slice %arg6[%dma_start3A_193, %dma_start3A_194] : memref<768x64xf32, #tpu.memory_space<vmem>> -> memref<20x64xf32, #tpu.memory_space<vmem>>
    %dma_start3A_196 = arith.constant 0 : i32
    %dma_start3A_197 = tpu.memref_slice %arg5[%dma_start3A_192, %dma_start3A_196] : memref<32x20xi32, #tpu.memory_space<vmem>> -> memref<1x20xi32, #tpu.memory_space<vmem>>
    %dma_start3A_198 = tpu.memref_squeeze %dma_start3A_197 : memref<1x20xi32, #tpu.memory_space<vmem>> -> memref<20xi32, #tpu.memory_space<vmem>>
    %dma_start3A_199 = arith.constant 0 : i32
    %dma_start3A_200 = arith.constant 0 : i32
    %dma_start3A_201 = tpu.memref_slice %arg2[%dma_start3A_199, %dma_start3A_200] : memref<100000x64xf32, #tpu.memory_space<hbm>> -> memref<100000x64xf32, #tpu.memory_space<hbm>>
    tpu.enqueue_indirect_dma source(%dma_start3A_201 : memref<100000x64xf32, #tpu.memory_space<hbm>>) target(%dma_start3A_195 : memref<20x64xf32, #tpu.memory_space<vmem>>) offsets(%dma_start3A_198 : memref<20xi32, #tpu.memory_space<vmem>>) semaphore(%arg8 : memref<!tpu.dma_semaphore, #tpu.memory_space<semaphore_mem>>)
    %dma_start3A_202 = arith.constant 20 : i32
    %dma_start3A_203 = arith.constant 480 : i32
    %dma_start3A_204 = arith.constant 0 : i32
    %dma_start3A_205 = tpu.memref_slice %arg6[%dma_start3A_203, %dma_start3A_204] : memref<768x64xf32, #tpu.memory_space<vmem>> -> memref<20x64xf32, #tpu.memory_space<vmem>>
    %dma_start3A_206 = arith.constant 0 : i32
    %dma_start3A_207 = tpu.memref_slice %arg5[%dma_start3A_202, %dma_start3A_206] : memref<32x20xi32, #tpu.memory_space<vmem>> -> memref<1x20xi32, #tpu.memory_space<vmem>>
    %dma_start3A_208 = tpu.memref_squeeze %dma_start3A_207 : memref<1x20xi32, #tpu.memory_space<vmem>> -> memref<20xi32, #tpu.memory_space<vmem>>
    %dma_start3A_209 = arith.constant 0 : i32
    %dma_start3A_210 = arith.constant 0 : i32
    %dma_start3A_211 = tpu.memref_slice %arg2[%dma_start3A_209, %dma_start3A_210] : memref<100000x64xf32, #tpu.memory_space<hbm>> -> memref<100000x64xf32, #tpu.memory_space<hbm>>
    tpu.enqueue_indirect_dma source(%dma_start3A_211 : memref<100000x64xf32, #tpu.memory_space<hbm>>) target(%dma_start3A_205 : memref<20x64xf32, #tpu.memory_space<vmem>>) offsets(%dma_start3A_208 : memref<20xi32, #tpu.memory_space<vmem>>) semaphore(%arg8 : memref<!tpu.dma_semaphore, #tpu.memory_space<semaphore_mem>>)
    %dma_start3A_212 = arith.constant 21 : i32
    %dma_start3A_213 = arith.constant 504 : i32
    %dma_start3A_214 = arith.constant 0 : i32
    %dma_start3A_215 = tpu.memref_slice %arg6[%dma_start3A_213, %dma_start3A_214] : memref<768x64xf32, #tpu.memory_space<vmem>> -> memref<20x64xf32, #tpu.memory_space<vmem>>
    %dma_start3A_216 = arith.constant 0 : i32
    %dma_start3A_217 = tpu.memref_slice %arg5[%dma_start3A_212, %dma_start3A_216] : memref<32x20xi32, #tpu.memory_space<vmem>> -> memref<1x20xi32, #tpu.memory_space<vmem>>
    %dma_start3A_218 = tpu.memref_squeeze %dma_start3A_217 : memref<1x20xi32, #tpu.memory_space<vmem>> -> memref<20xi32, #tpu.memory_space<vmem>>
    %dma_start3A_219 = arith.constant 0 : i32
    %dma_start3A_220 = arith.constant 0 : i32
    %dma_start3A_221 = tpu.memref_slice %arg2[%dma_start3A_219, %dma_start3A_220] : memref<100000x64xf32, #tpu.memory_space<hbm>> -> memref<100000x64xf32, #tpu.memory_space<hbm>>
    tpu.enqueue_indirect_dma source(%dma_start3A_221 : memref<100000x64xf32, #tpu.memory_space<hbm>>) target(%dma_start3A_215 : memref<20x64xf32, #tpu.memory_space<vmem>>) offsets(%dma_start3A_218 : memref<20xi32, #tpu.memory_space<vmem>>) semaphore(%arg8 : memref<!tpu.dma_semaphore, #tpu.memory_space<semaphore_mem>>)
    %dma_start3A_222 = arith.constant 22 : i32
    %dma_start3A_223 = arith.constant 528 : i32
    %dma_start3A_224 = arith.constant 0 : i32
    %dma_start3A_225 = tpu.memref_slice %arg6[%dma_start3A_223, %dma_start3A_224] : memref<768x64xf32, #tpu.memory_space<vmem>> -> memref<20x64xf32, #tpu.memory_space<vmem>>
    %dma_start3A_226 = arith.constant 0 : i32
    %dma_start3A_227 = tpu.memref_slice %arg5[%dma_start3A_222, %dma_start3A_226] : memref<32x20xi32, #tpu.memory_space<vmem>> -> memref<1x20xi32, #tpu.memory_space<vmem>>
    %dma_start3A_228 = tpu.memref_squeeze %dma_start3A_227 : memref<1x20xi32, #tpu.memory_space<vmem>> -> memref<20xi32, #tpu.memory_space<vmem>>
    %dma_start3A_229 = arith.constant 0 : i32
    %dma_start3A_230 = arith.constant 0 : i32
    %dma_start3A_231 = tpu.memref_slice %arg2[%dma_start3A_229, %dma_start3A_230] : memref<100000x64xf32, #tpu.memory_space<hbm>> -> memref<100000x64xf32, #tpu.memory_space<hbm>>
    tpu.enqueue_indirect_dma source(%dma_start3A_231 : memref<100000x64xf32, #tpu.memory_space<hbm>>) target(%dma_start3A_225 : memref<20x64xf32, #tpu.memory_space<vmem>>) offsets(%dma_start3A_228 : memref<20xi32, #tpu.memory_space<vmem>>) semaphore(%arg8 : memref<!tpu.dma_semaphore, #tpu.memory_space<semaphore_mem>>)
    %dma_start3A_232 = arith.constant 23 : i32
    %dma_start3A_233 = arith.constant 552 : i32
    %dma_start3A_234 = arith.constant 0 : i32
    %dma_start3A_235 = tpu.memref_slice %arg6[%dma_start3A_233, %dma_start3A_234] : memref<768x64xf32, #tpu.memory_space<vmem>> -> memref<20x64xf32, #tpu.memory_space<vmem>>
    %dma_start3A_236 = arith.constant 0 : i32
    %dma_start3A_237 = tpu.memref_slice %arg5[%dma_start3A_232, %dma_start3A_236] : memref<32x20xi32, #tpu.memory_space<vmem>> -> memref<1x20xi32, #tpu.memory_space<vmem>>
    %dma_start3A_238 = tpu.memref_squeeze %dma_start3A_237 : memref<1x20xi32, #tpu.memory_space<vmem>> -> memref<20xi32, #tpu.memory_space<vmem>>
    %dma_start3A_239 = arith.constant 0 : i32
    %dma_start3A_240 = arith.constant 0 : i32
    %dma_start3A_241 = tpu.memref_slice %arg2[%dma_start3A_239, %dma_start3A_240] : memref<100000x64xf32, #tpu.memory_space<hbm>> -> memref<100000x64xf32, #tpu.memory_space<hbm>>
    tpu.enqueue_indirect_dma source(%dma_start3A_241 : memref<100000x64xf32, #tpu.memory_space<hbm>>) target(%dma_start3A_235 : memref<20x64xf32, #tpu.memory_space<vmem>>) offsets(%dma_start3A_238 : memref<20xi32, #tpu.memory_space<vmem>>) semaphore(%arg8 : memref<!tpu.dma_semaphore, #tpu.memory_space<semaphore_mem>>)
    %dma_start3A_242 = arith.constant 24 : i32
    %dma_start3A_243 = arith.constant 576 : i32
    %dma_start3A_244 = arith.constant 0 : i32
    %dma_start3A_245 = tpu.memref_slice %arg6[%dma_start3A_243, %dma_start3A_244] : memref<768x64xf32, #tpu.memory_space<vmem>> -> memref<20x64xf32, #tpu.memory_space<vmem>>
    %dma_start3A_246 = arith.constant 0 : i32
    %dma_start3A_247 = tpu.memref_slice %arg5[%dma_start3A_242, %dma_start3A_246] : memref<32x20xi32, #tpu.memory_space<vmem>> -> memref<1x20xi32, #tpu.memory_space<vmem>>
    %dma_start3A_248 = tpu.memref_squeeze %dma_start3A_247 : memref<1x20xi32, #tpu.memory_space<vmem>> -> memref<20xi32, #tpu.memory_space<vmem>>
    %dma_start3A_249 = arith.constant 0 : i32
    %dma_start3A_250 = arith.constant 0 : i32
    %dma_start3A_251 = tpu.memref_slice %arg2[%dma_start3A_249, %dma_start3A_250] : memref<100000x64xf32, #tpu.memory_space<hbm>> -> memref<100000x64xf32, #tpu.memory_space<hbm>>
    tpu.enqueue_indirect_dma source(%dma_start3A_251 : memref<100000x64xf32, #tpu.memory_space<hbm>>) target(%dma_start3A_245 : memref<20x64xf32, #tpu.memory_space<vmem>>) offsets(%dma_start3A_248 : memref<20xi32, #tpu.memory_space<vmem>>) semaphore(%arg8 : memref<!tpu.dma_semaphore, #tpu.memory_space<semaphore_mem>>)
    %dma_start3A_252 = arith.constant 25 : i32
    %dma_start3A_253 = arith.constant 600 : i32
    %dma_start3A_254 = arith.constant 0 : i32
    %dma_start3A_255 = tpu.memref_slice %arg6[%dma_start3A_253, %dma_start3A_254] : memref<768x64xf32, #tpu.memory_space<vmem>> -> memref<20x64xf32, #tpu.memory_space<vmem>>
    %dma_start3A_256 = arith.constant 0 : i32
    %dma_start3A_257 = tpu.memref_slice %arg5[%dma_start3A_252, %dma_start3A_256] : memref<32x20xi32, #tpu.memory_space<vmem>> -> memref<1x20xi32, #tpu.memory_space<vmem>>
    %dma_start3A_258 = tpu.memref_squeeze %dma_start3A_257 : memref<1x20xi32, #tpu.memory_space<vmem>> -> memref<20xi32, #tpu.memory_space<vmem>>
    %dma_start3A_259 = arith.constant 0 : i32
    %dma_start3A_260 = arith.constant 0 : i32
    %dma_start3A_261 = tpu.memref_slice %arg2[%dma_start3A_259, %dma_start3A_260] : memref<100000x64xf32, #tpu.memory_space<hbm>> -> memref<100000x64xf32, #tpu.memory_space<hbm>>
    tpu.enqueue_indirect_dma source(%dma_start3A_261 : memref<100000x64xf32, #tpu.memory_space<hbm>>) target(%dma_start3A_255 : memref<20x64xf32, #tpu.memory_space<vmem>>) offsets(%dma_start3A_258 : memref<20xi32, #tpu.memory_space<vmem>>) semaphore(%arg8 : memref<!tpu.dma_semaphore, #tpu.memory_space<semaphore_mem>>)
    %dma_start3A_262 = arith.constant 26 : i32
    %dma_start3A_263 = arith.constant 624 : i32
    %dma_start3A_264 = arith.constant 0 : i32
    %dma_start3A_265 = tpu.memref_slice %arg6[%dma_start3A_263, %dma_start3A_264] : memref<768x64xf32, #tpu.memory_space<vmem>> -> memref<20x64xf32, #tpu.memory_space<vmem>>
    %dma_start3A_266 = arith.constant 0 : i32
    %dma_start3A_267 = tpu.memref_slice %arg5[%dma_start3A_262, %dma_start3A_266] : memref<32x20xi32, #tpu.memory_space<vmem>> -> memref<1x20xi32, #tpu.memory_space<vmem>>
    %dma_start3A_268 = tpu.memref_squeeze %dma_start3A_267 : memref<1x20xi32, #tpu.memory_space<vmem>> -> memref<20xi32, #tpu.memory_space<vmem>>
    %dma_start3A_269 = arith.constant 0 : i32
    %dma_start3A_270 = arith.constant 0 : i32
    %dma_start3A_271 = tpu.memref_slice %arg2[%dma_start3A_269, %dma_start3A_270] : memref<100000x64xf32, #tpu.memory_space<hbm>> -> memref<100000x64xf32, #tpu.memory_space<hbm>>
    tpu.enqueue_indirect_dma source(%dma_start3A_271 : memref<100000x64xf32, #tpu.memory_space<hbm>>) target(%dma_start3A_265 : memref<20x64xf32, #tpu.memory_space<vmem>>) offsets(%dma_start3A_268 : memref<20xi32, #tpu.memory_space<vmem>>) semaphore(%arg8 : memref<!tpu.dma_semaphore, #tpu.memory_space<semaphore_mem>>)
    %dma_start3A_272 = arith.constant 27 : i32
    %dma_start3A_273 = arith.constant 648 : i32
    %dma_start3A_274 = arith.constant 0 : i32
    %dma_start3A_275 = tpu.memref_slice %arg6[%dma_start3A_273, %dma_start3A_274] : memref<768x64xf32, #tpu.memory_space<vmem>> -> memref<20x64xf32, #tpu.memory_space<vmem>>
    %dma_start3A_276 = arith.constant 0 : i32
    %dma_start3A_277 = tpu.memref_slice %arg5[%dma_start3A_272, %dma_start3A_276] : memref<32x20xi32, #tpu.memory_space<vmem>> -> memref<1x20xi32, #tpu.memory_space<vmem>>
    %dma_start3A_278 = tpu.memref_squeeze %dma_start3A_277 : memref<1x20xi32, #tpu.memory_space<vmem>> -> memref<20xi32, #tpu.memory_space<vmem>>
    %dma_start3A_279 = arith.constant 0 : i32
    %dma_start3A_280 = arith.constant 0 : i32
    %dma_start3A_281 = tpu.memref_slice %arg2[%dma_start3A_279, %dma_start3A_280] : memref<100000x64xf32, #tpu.memory_space<hbm>> -> memref<100000x64xf32, #tpu.memory_space<hbm>>
    tpu.enqueue_indirect_dma source(%dma_start3A_281 : memref<100000x64xf32, #tpu.memory_space<hbm>>) target(%dma_start3A_275 : memref<20x64xf32, #tpu.memory_space<vmem>>) offsets(%dma_start3A_278 : memref<20xi32, #tpu.memory_space<vmem>>) semaphore(%arg8 : memref<!tpu.dma_semaphore, #tpu.memory_space<semaphore_mem>>)
    %dma_start3A_282 = arith.constant 28 : i32
    %dma_start3A_283 = arith.constant 672 : i32
    %dma_start3A_284 = arith.constant 0 : i32
    %dma_start3A_285 = tpu.memref_slice %arg6[%dma_start3A_283, %dma_start3A_284] : memref<768x64xf32, #tpu.memory_space<vmem>> -> memref<20x64xf32, #tpu.memory_space<vmem>>
    %dma_start3A_286 = arith.constant 0 : i32
    %dma_start3A_287 = tpu.memref_slice %arg5[%dma_start3A_282, %dma_start3A_286] : memref<32x20xi32, #tpu.memory_space<vmem>> -> memref<1x20xi32, #tpu.memory_space<vmem>>
    %dma_start3A_288 = tpu.memref_squeeze %dma_start3A_287 : memref<1x20xi32, #tpu.memory_space<vmem>> -> memref<20xi32, #tpu.memory_space<vmem>>
    %dma_start3A_289 = arith.constant 0 : i32
    %dma_start3A_290 = arith.constant 0 : i32
    %dma_start3A_291 = tpu.memref_slice %arg2[%dma_start3A_289, %dma_start3A_290] : memref<100000x64xf32, #tpu.memory_space<hbm>> -> memref<100000x64xf32, #tpu.memory_space<hbm>>
    tpu.enqueue_indirect_dma source(%dma_start3A_291 : memref<100000x64xf32, #tpu.memory_space<hbm>>) target(%dma_start3A_285 : memref<20x64xf32, #tpu.memory_space<vmem>>) offsets(%dma_start3A_288 : memref<20xi32, #tpu.memory_space<vmem>>) semaphore(%arg8 : memref<!tpu.dma_semaphore, #tpu.memory_space<semaphore_mem>>)
    %dma_start3A_292 = arith.constant 29 : i32
    %dma_start3A_293 = arith.constant 696 : i32
    %dma_start3A_294 = arith.constant 0 : i32
    %dma_start3A_295 = tpu.memref_slice %arg6[%dma_start3A_293, %dma_start3A_294] : memref<768x64xf32, #tpu.memory_space<vmem>> -> memref<20x64xf32, #tpu.memory_space<vmem>>
    %dma_start3A_296 = arith.constant 0 : i32
    %dma_start3A_297 = tpu.memref_slice %arg5[%dma_start3A_292, %dma_start3A_296] : memref<32x20xi32, #tpu.memory_space<vmem>> -> memref<1x20xi32, #tpu.memory_space<vmem>>
    %dma_start3A_298 = tpu.memref_squeeze %dma_start3A_297 : memref<1x20xi32, #tpu.memory_space<vmem>> -> memref<20xi32, #tpu.memory_space<vmem>>
    %dma_start3A_299 = arith.constant 0 : i32
    %dma_start3A_300 = arith.constant 0 : i32
    %dma_start3A_301 = tpu.memref_slice %arg2[%dma_start3A_299, %dma_start3A_300] : memref<100000x64xf32, #tpu.memory_space<hbm>> -> memref<100000x64xf32, #tpu.memory_space<hbm>>
    tpu.enqueue_indirect_dma source(%dma_start3A_301 : memref<100000x64xf32, #tpu.memory_space<hbm>>) target(%dma_start3A_295 : memref<20x64xf32, #tpu.memory_space<vmem>>) offsets(%dma_start3A_298 : memref<20xi32, #tpu.memory_space<vmem>>) semaphore(%arg8 : memref<!tpu.dma_semaphore, #tpu.memory_space<semaphore_mem>>)
    %dma_start3A_302 = arith.constant 30 : i32
    %dma_start3A_303 = arith.constant 720 : i32
    %dma_start3A_304 = arith.constant 0 : i32
    %dma_start3A_305 = tpu.memref_slice %arg6[%dma_start3A_303, %dma_start3A_304] : memref<768x64xf32, #tpu.memory_space<vmem>> -> memref<20x64xf32, #tpu.memory_space<vmem>>
    %dma_start3A_306 = arith.constant 0 : i32
    %dma_start3A_307 = tpu.memref_slice %arg5[%dma_start3A_302, %dma_start3A_306] : memref<32x20xi32, #tpu.memory_space<vmem>> -> memref<1x20xi32, #tpu.memory_space<vmem>>
    %dma_start3A_308 = tpu.memref_squeeze %dma_start3A_307 : memref<1x20xi32, #tpu.memory_space<vmem>> -> memref<20xi32, #tpu.memory_space<vmem>>
    %dma_start3A_309 = arith.constant 0 : i32
    %dma_start3A_310 = arith.constant 0 : i32
    %dma_start3A_311 = tpu.memref_slice %arg2[%dma_start3A_309, %dma_start3A_310] : memref<100000x64xf32, #tpu.memory_space<hbm>> -> memref<100000x64xf32, #tpu.memory_space<hbm>>
    tpu.enqueue_indirect_dma source(%dma_start3A_311 : memref<100000x64xf32, #tpu.memory_space<hbm>>) target(%dma_start3A_305 : memref<20x64xf32, #tpu.memory_space<vmem>>) offsets(%dma_start3A_308 : memref<20xi32, #tpu.memory_space<vmem>>) semaphore(%arg8 : memref<!tpu.dma_semaphore, #tpu.memory_space<semaphore_mem>>)
    %dma_start3A_312 = arith.constant 31 : i32
    %dma_start3A_313 = arith.constant 744 : i32
    %dma_start3A_314 = arith.constant 0 : i32
    %dma_start3A_315 = tpu.memref_slice %arg6[%dma_start3A_313, %dma_start3A_314] : memref<768x64xf32, #tpu.memory_space<vmem>> -> memref<20x64xf32, #tpu.memory_space<vmem>>
    %dma_start3A_316 = arith.constant 0 : i32
    %dma_start3A_317 = tpu.memref_slice %arg5[%dma_start3A_312, %dma_start3A_316] : memref<32x20xi32, #tpu.memory_space<vmem>> -> memref<1x20xi32, #tpu.memory_space<vmem>>
    %dma_start3A_318 = tpu.memref_squeeze %dma_start3A_317 : memref<1x20xi32, #tpu.memory_space<vmem>> -> memref<20xi32, #tpu.memory_space<vmem>>
    %dma_start3A_319 = arith.constant 0 : i32
    %dma_start3A_320 = arith.constant 0 : i32
    %dma_start3A_321 = tpu.memref_slice %arg2[%dma_start3A_319, %dma_start3A_320] : memref<100000x64xf32, #tpu.memory_space<hbm>> -> memref<100000x64xf32, #tpu.memory_space<hbm>>
    tpu.enqueue_indirect_dma source(%dma_start3A_321 : memref<100000x64xf32, #tpu.memory_space<hbm>>) target(%dma_start3A_315 : memref<20x64xf32, #tpu.memory_space<vmem>>) offsets(%dma_start3A_318 : memref<20xi32, #tpu.memory_space<vmem>>) semaphore(%arg8 : memref<!tpu.dma_semaphore, #tpu.memory_space<semaphore_mem>>)
    %dma_wait3A = arith.constant 0 : i32
    %dma_wait3A_322 = arith.constant 0 : i32
    %dma_wait3A_323 = arith.constant 0 : i32
    %dma_wait3A_324 = tpu.memref_slice %arg6[%dma_wait3A_322, %dma_wait3A_323] : memref<768x64xf32, #tpu.memory_space<vmem>> -> memref<20x64xf32, #tpu.memory_space<vmem>>
    %dma_wait3A_325 = arith.constant 0 : i32
    %dma_wait3A_326 = tpu.memref_slice %arg5[%dma_wait3A, %dma_wait3A_325] : memref<32x20xi32, #tpu.memory_space<vmem>> -> memref<1x20xi32, #tpu.memory_space<vmem>>
    %dma_wait3A_327 = tpu.memref_squeeze %dma_wait3A_326 : memref<1x20xi32, #tpu.memory_space<vmem>> -> memref<20xi32, #tpu.memory_space<vmem>>
    %dma_wait3A_328 = arith.constant 0 : i32
    %dma_wait3A_329 = arith.constant 0 : i32
    %dma_wait3A_330 = tpu.memref_slice %arg2[%dma_wait3A_328, %dma_wait3A_329] : memref<100000x64xf32, #tpu.memory_space<hbm>> -> memref<100000x64xf32, #tpu.memory_space<hbm>>
    tpu.wait_indirect_dma semaphore(%arg8 : memref<!tpu.dma_semaphore, #tpu.memory_space<semaphore_mem>>) src(%dma_wait3A_330 : memref<100000x64xf32, #tpu.memory_space<hbm>>) dst(%dma_wait3A_324 : memref<20x64xf32, #tpu.memory_space<vmem>>)
    %dma_wait3A_331 = arith.constant 1 : i32
    %dma_wait3A_332 = arith.constant 24 : i32
    %dma_wait3A_333 = arith.constant 0 : i32
    %dma_wait3A_334 = tpu.memref_slice %arg6[%dma_wait3A_332, %dma_wait3A_333] : memref<768x64xf32, #tpu.memory_space<vmem>> -> memref<20x64xf32, #tpu.memory_space<vmem>>
    %dma_wait3A_335 = arith.constant 0 : i32
    %dma_wait3A_336 = tpu.memref_slice %arg5[%dma_wait3A_331, %dma_wait3A_335] : memref<32x20xi32, #tpu.memory_space<vmem>> -> memref<1x20xi32, #tpu.memory_space<vmem>>
    %dma_wait3A_337 = tpu.memref_squeeze %dma_wait3A_336 : memref<1x20xi32, #tpu.memory_space<vmem>> -> memref<20xi32, #tpu.memory_space<vmem>>
    %dma_wait3A_338 = arith.constant 0 : i32
    %dma_wait3A_339 = arith.constant 0 : i32
    %dma_wait3A_340 = tpu.memref_slice %arg2[%dma_wait3A_338, %dma_wait3A_339] : memref<100000x64xf32, #tpu.memory_space<hbm>> -> memref<100000x64xf32, #tpu.memory_space<hbm>>
    tpu.wait_indirect_dma semaphore(%arg8 : memref<!tpu.dma_semaphore, #tpu.memory_space<semaphore_mem>>) src(%dma_wait3A_340 : memref<100000x64xf32, #tpu.memory_space<hbm>>) dst(%dma_wait3A_334 : memref<20x64xf32, #tpu.memory_space<vmem>>)
    %dma_wait3A_341 = arith.constant 2 : i32
    %dma_wait3A_342 = arith.constant 48 : i32
    %dma_wait3A_343 = arith.constant 0 : i32
    %dma_wait3A_344 = tpu.memref_slice %arg6[%dma_wait3A_342, %dma_wait3A_343] : memref<768x64xf32, #tpu.memory_space<vmem>> -> memref<20x64xf32, #tpu.memory_space<vmem>>
    %dma_wait3A_345 = arith.constant 0 : i32
    %dma_wait3A_346 = tpu.memref_slice %arg5[%dma_wait3A_341, %dma_wait3A_345] : memref<32x20xi32, #tpu.memory_space<vmem>> -> memref<1x20xi32, #tpu.memory_space<vmem>>
    %dma_wait3A_347 = tpu.memref_squeeze %dma_wait3A_346 : memref<1x20xi32, #tpu.memory_space<vmem>> -> memref<20xi32, #tpu.memory_space<vmem>>
    %dma_wait3A_348 = arith.constant 0 : i32
    %dma_wait3A_349 = arith.constant 0 : i32
    %dma_wait3A_350 = tpu.memref_slice %arg2[%dma_wait3A_348, %dma_wait3A_349] : memref<100000x64xf32, #tpu.memory_space<hbm>> -> memref<100000x64xf32, #tpu.memory_space<hbm>>
    tpu.wait_indirect_dma semaphore(%arg8 : memref<!tpu.dma_semaphore, #tpu.memory_space<semaphore_mem>>) src(%dma_wait3A_350 : memref<100000x64xf32, #tpu.memory_space<hbm>>) dst(%dma_wait3A_344 : memref<20x64xf32, #tpu.memory_space<vmem>>)
    %dma_wait3A_351 = arith.constant 3 : i32
    %dma_wait3A_352 = arith.constant 72 : i32
    %dma_wait3A_353 = arith.constant 0 : i32
    %dma_wait3A_354 = tpu.memref_slice %arg6[%dma_wait3A_352, %dma_wait3A_353] : memref<768x64xf32, #tpu.memory_space<vmem>> -> memref<20x64xf32, #tpu.memory_space<vmem>>
    %dma_wait3A_355 = arith.constant 0 : i32
    %dma_wait3A_356 = tpu.memref_slice %arg5[%dma_wait3A_351, %dma_wait3A_355] : memref<32x20xi32, #tpu.memory_space<vmem>> -> memref<1x20xi32, #tpu.memory_space<vmem>>
    %dma_wait3A_357 = tpu.memref_squeeze %dma_wait3A_356 : memref<1x20xi32, #tpu.memory_space<vmem>> -> memref<20xi32, #tpu.memory_space<vmem>>
    %dma_wait3A_358 = arith.constant 0 : i32
    %dma_wait3A_359 = arith.constant 0 : i32
    %dma_wait3A_360 = tpu.memref_slice %arg2[%dma_wait3A_358, %dma_wait3A_359] : memref<100000x64xf32, #tpu.memory_space<hbm>> -> memref<100000x64xf32, #tpu.memory_space<hbm>>
    tpu.wait_indirect_dma semaphore(%arg8 : memref<!tpu.dma_semaphore, #tpu.memory_space<semaphore_mem>>) src(%dma_wait3A_360 : memref<100000x64xf32, #tpu.memory_space<hbm>>) dst(%dma_wait3A_354 : memref<20x64xf32, #tpu.memory_space<vmem>>)
    %dma_wait3A_361 = arith.constant 4 : i32
    %dma_wait3A_362 = arith.constant 96 : i32
    %dma_wait3A_363 = arith.constant 0 : i32
    %dma_wait3A_364 = tpu.memref_slice %arg6[%dma_wait3A_362, %dma_wait3A_363] : memref<768x64xf32, #tpu.memory_space<vmem>> -> memref<20x64xf32, #tpu.memory_space<vmem>>
    %dma_wait3A_365 = arith.constant 0 : i32
    %dma_wait3A_366 = tpu.memref_slice %arg5[%dma_wait3A_361, %dma_wait3A_365] : memref<32x20xi32, #tpu.memory_space<vmem>> -> memref<1x20xi32, #tpu.memory_space<vmem>>
    %dma_wait3A_367 = tpu.memref_squeeze %dma_wait3A_366 : memref<1x20xi32, #tpu.memory_space<vmem>> -> memref<20xi32, #tpu.memory_space<vmem>>
    %dma_wait3A_368 = arith.constant 0 : i32
    %dma_wait3A_369 = arith.constant 0 : i32
    %dma_wait3A_370 = tpu.memref_slice %arg2[%dma_wait3A_368, %dma_wait3A_369] : memref<100000x64xf32, #tpu.memory_space<hbm>> -> memref<100000x64xf32, #tpu.memory_space<hbm>>
    tpu.wait_indirect_dma semaphore(%arg8 : memref<!tpu.dma_semaphore, #tpu.memory_space<semaphore_mem>>) src(%dma_wait3A_370 : memref<100000x64xf32, #tpu.memory_space<hbm>>) dst(%dma_wait3A_364 : memref<20x64xf32, #tpu.memory_space<vmem>>)
    %dma_wait3A_371 = arith.constant 5 : i32
    %dma_wait3A_372 = arith.constant 120 : i32
    %dma_wait3A_373 = arith.constant 0 : i32
    %dma_wait3A_374 = tpu.memref_slice %arg6[%dma_wait3A_372, %dma_wait3A_373] : memref<768x64xf32, #tpu.memory_space<vmem>> -> memref<20x64xf32, #tpu.memory_space<vmem>>
    %dma_wait3A_375 = arith.constant 0 : i32
    %dma_wait3A_376 = tpu.memref_slice %arg5[%dma_wait3A_371, %dma_wait3A_375] : memref<32x20xi32, #tpu.memory_space<vmem>> -> memref<1x20xi32, #tpu.memory_space<vmem>>
    %dma_wait3A_377 = tpu.memref_squeeze %dma_wait3A_376 : memref<1x20xi32, #tpu.memory_space<vmem>> -> memref<20xi32, #tpu.memory_space<vmem>>
    %dma_wait3A_378 = arith.constant 0 : i32
    %dma_wait3A_379 = arith.constant 0 : i32
    %dma_wait3A_380 = tpu.memref_slice %arg2[%dma_wait3A_378, %dma_wait3A_379] : memref<100000x64xf32, #tpu.memory_space<hbm>> -> memref<100000x64xf32, #tpu.memory_space<hbm>>
    tpu.wait_indirect_dma semaphore(%arg8 : memref<!tpu.dma_semaphore, #tpu.memory_space<semaphore_mem>>) src(%dma_wait3A_380 : memref<100000x64xf32, #tpu.memory_space<hbm>>) dst(%dma_wait3A_374 : memref<20x64xf32, #tpu.memory_space<vmem>>)
    %dma_wait3A_381 = arith.constant 6 : i32
    %dma_wait3A_382 = arith.constant 144 : i32
    %dma_wait3A_383 = arith.constant 0 : i32
    %dma_wait3A_384 = tpu.memref_slice %arg6[%dma_wait3A_382, %dma_wait3A_383] : memref<768x64xf32, #tpu.memory_space<vmem>> -> memref<20x64xf32, #tpu.memory_space<vmem>>
    %dma_wait3A_385 = arith.constant 0 : i32
    %dma_wait3A_386 = tpu.memref_slice %arg5[%dma_wait3A_381, %dma_wait3A_385] : memref<32x20xi32, #tpu.memory_space<vmem>> -> memref<1x20xi32, #tpu.memory_space<vmem>>
    %dma_wait3A_387 = tpu.memref_squeeze %dma_wait3A_386 : memref<1x20xi32, #tpu.memory_space<vmem>> -> memref<20xi32, #tpu.memory_space<vmem>>
    %dma_wait3A_388 = arith.constant 0 : i32
    %dma_wait3A_389 = arith.constant 0 : i32
    %dma_wait3A_390 = tpu.memref_slice %arg2[%dma_wait3A_388, %dma_wait3A_389] : memref<100000x64xf32, #tpu.memory_space<hbm>> -> memref<100000x64xf32, #tpu.memory_space<hbm>>
    tpu.wait_indirect_dma semaphore(%arg8 : memref<!tpu.dma_semaphore, #tpu.memory_space<semaphore_mem>>) src(%dma_wait3A_390 : memref<100000x64xf32, #tpu.memory_space<hbm>>) dst(%dma_wait3A_384 : memref<20x64xf32, #tpu.memory_space<vmem>>)
    %dma_wait3A_391 = arith.constant 7 : i32
    %dma_wait3A_392 = arith.constant 168 : i32
    %dma_wait3A_393 = arith.constant 0 : i32
    %dma_wait3A_394 = tpu.memref_slice %arg6[%dma_wait3A_392, %dma_wait3A_393] : memref<768x64xf32, #tpu.memory_space<vmem>> -> memref<20x64xf32, #tpu.memory_space<vmem>>
    %dma_wait3A_395 = arith.constant 0 : i32
    %dma_wait3A_396 = tpu.memref_slice %arg5[%dma_wait3A_391, %dma_wait3A_395] : memref<32x20xi32, #tpu.memory_space<vmem>> -> memref<1x20xi32, #tpu.memory_space<vmem>>
    %dma_wait3A_397 = tpu.memref_squeeze %dma_wait3A_396 : memref<1x20xi32, #tpu.memory_space<vmem>> -> memref<20xi32, #tpu.memory_space<vmem>>
    %dma_wait3A_398 = arith.constant 0 : i32
    %dma_wait3A_399 = arith.constant 0 : i32
    %dma_wait3A_400 = tpu.memref_slice %arg2[%dma_wait3A_398, %dma_wait3A_399] : memref<100000x64xf32, #tpu.memory_space<hbm>> -> memref<100000x64xf32, #tpu.memory_space<hbm>>
    tpu.wait_indirect_dma semaphore(%arg8 : memref<!tpu.dma_semaphore, #tpu.memory_space<semaphore_mem>>) src(%dma_wait3A_400 : memref<100000x64xf32, #tpu.memory_space<hbm>>) dst(%dma_wait3A_394 : memref<20x64xf32, #tpu.memory_space<vmem>>)
    %dma_wait3A_401 = arith.constant 8 : i32
    %dma_wait3A_402 = arith.constant 192 : i32
    %dma_wait3A_403 = arith.constant 0 : i32
    %dma_wait3A_404 = tpu.memref_slice %arg6[%dma_wait3A_402, %dma_wait3A_403] : memref<768x64xf32, #tpu.memory_space<vmem>> -> memref<20x64xf32, #tpu.memory_space<vmem>>
    %dma_wait3A_405 = arith.constant 0 : i32
    %dma_wait3A_406 = tpu.memref_slice %arg5[%dma_wait3A_401, %dma_wait3A_405] : memref<32x20xi32, #tpu.memory_space<vmem>> -> memref<1x20xi32, #tpu.memory_space<vmem>>
    %dma_wait3A_407 = tpu.memref_squeeze %dma_wait3A_406 : memref<1x20xi32, #tpu.memory_space<vmem>> -> memref<20xi32, #tpu.memory_space<vmem>>
    %dma_wait3A_408 = arith.constant 0 : i32
    %dma_wait3A_409 = arith.constant 0 : i32
    %dma_wait3A_410 = tpu.memref_slice %arg2[%dma_wait3A_408, %dma_wait3A_409] : memref<100000x64xf32, #tpu.memory_space<hbm>> -> memref<100000x64xf32, #tpu.memory_space<hbm>>
    tpu.wait_indirect_dma semaphore(%arg8 : memref<!tpu.dma_semaphore, #tpu.memory_space<semaphore_mem>>) src(%dma_wait3A_410 : memref<100000x64xf32, #tpu.memory_space<hbm>>) dst(%dma_wait3A_404 : memref<20x64xf32, #tpu.memory_space<vmem>>)
    %dma_wait3A_411 = arith.constant 9 : i32
    %dma_wait3A_412 = arith.constant 216 : i32
    %dma_wait3A_413 = arith.constant 0 : i32
    %dma_wait3A_414 = tpu.memref_slice %arg6[%dma_wait3A_412, %dma_wait3A_413] : memref<768x64xf32, #tpu.memory_space<vmem>> -> memref<20x64xf32, #tpu.memory_space<vmem>>
    %dma_wait3A_415 = arith.constant 0 : i32
    %dma_wait3A_416 = tpu.memref_slice %arg5[%dma_wait3A_411, %dma_wait3A_415] : memref<32x20xi32, #tpu.memory_space<vmem>> -> memref<1x20xi32, #tpu.memory_space<vmem>>
    %dma_wait3A_417 = tpu.memref_squeeze %dma_wait3A_416 : memref<1x20xi32, #tpu.memory_space<vmem>> -> memref<20xi32, #tpu.memory_space<vmem>>
    %dma_wait3A_418 = arith.constant 0 : i32
    %dma_wait3A_419 = arith.constant 0 : i32
    %dma_wait3A_420 = tpu.memref_slice %arg2[%dma_wait3A_418, %dma_wait3A_419] : memref<100000x64xf32, #tpu.memory_space<hbm>> -> memref<100000x64xf32, #tpu.memory_space<hbm>>
    tpu.wait_indirect_dma semaphore(%arg8 : memref<!tpu.dma_semaphore, #tpu.memory_space<semaphore_mem>>) src(%dma_wait3A_420 : memref<100000x64xf32, #tpu.memory_space<hbm>>) dst(%dma_wait3A_414 : memref<20x64xf32, #tpu.memory_space<vmem>>)
    %dma_wait3A_421 = arith.constant 10 : i32
    %dma_wait3A_422 = arith.constant 240 : i32
    %dma_wait3A_423 = arith.constant 0 : i32
    %dma_wait3A_424 = tpu.memref_slice %arg6[%dma_wait3A_422, %dma_wait3A_423] : memref<768x64xf32, #tpu.memory_space<vmem>> -> memref<20x64xf32, #tpu.memory_space<vmem>>
    %dma_wait3A_425 = arith.constant 0 : i32
    %dma_wait3A_426 = tpu.memref_slice %arg5[%dma_wait3A_421, %dma_wait3A_425] : memref<32x20xi32, #tpu.memory_space<vmem>> -> memref<1x20xi32, #tpu.memory_space<vmem>>
    %dma_wait3A_427 = tpu.memref_squeeze %dma_wait3A_426 : memref<1x20xi32, #tpu.memory_space<vmem>> -> memref<20xi32, #tpu.memory_space<vmem>>
    %dma_wait3A_428 = arith.constant 0 : i32
    %dma_wait3A_429 = arith.constant 0 : i32
    %dma_wait3A_430 = tpu.memref_slice %arg2[%dma_wait3A_428, %dma_wait3A_429] : memref<100000x64xf32, #tpu.memory_space<hbm>> -> memref<100000x64xf32, #tpu.memory_space<hbm>>
    tpu.wait_indirect_dma semaphore(%arg8 : memref<!tpu.dma_semaphore, #tpu.memory_space<semaphore_mem>>) src(%dma_wait3A_430 : memref<100000x64xf32, #tpu.memory_space<hbm>>) dst(%dma_wait3A_424 : memref<20x64xf32, #tpu.memory_space<vmem>>)
    %dma_wait3A_431 = arith.constant 11 : i32
    %dma_wait3A_432 = arith.constant 264 : i32
    %dma_wait3A_433 = arith.constant 0 : i32
    %dma_wait3A_434 = tpu.memref_slice %arg6[%dma_wait3A_432, %dma_wait3A_433] : memref<768x64xf32, #tpu.memory_space<vmem>> -> memref<20x64xf32, #tpu.memory_space<vmem>>
    %dma_wait3A_435 = arith.constant 0 : i32
    %dma_wait3A_436 = tpu.memref_slice %arg5[%dma_wait3A_431, %dma_wait3A_435] : memref<32x20xi32, #tpu.memory_space<vmem>> -> memref<1x20xi32, #tpu.memory_space<vmem>>
    %dma_wait3A_437 = tpu.memref_squeeze %dma_wait3A_436 : memref<1x20xi32, #tpu.memory_space<vmem>> -> memref<20xi32, #tpu.memory_space<vmem>>
    %dma_wait3A_438 = arith.constant 0 : i32
    %dma_wait3A_439 = arith.constant 0 : i32
    %dma_wait3A_440 = tpu.memref_slice %arg2[%dma_wait3A_438, %dma_wait3A_439] : memref<100000x64xf32, #tpu.memory_space<hbm>> -> memref<100000x64xf32, #tpu.memory_space<hbm>>
    tpu.wait_indirect_dma semaphore(%arg8 : memref<!tpu.dma_semaphore, #tpu.memory_space<semaphore_mem>>) src(%dma_wait3A_440 : memref<100000x64xf32, #tpu.memory_space<hbm>>) dst(%dma_wait3A_434 : memref<20x64xf32, #tpu.memory_space<vmem>>)
    %dma_wait3A_441 = arith.constant 12 : i32
    %dma_wait3A_442 = arith.constant 288 : i32
    %dma_wait3A_443 = arith.constant 0 : i32
    %dma_wait3A_444 = tpu.memref_slice %arg6[%dma_wait3A_442, %dma_wait3A_443] : memref<768x64xf32, #tpu.memory_space<vmem>> -> memref<20x64xf32, #tpu.memory_space<vmem>>
    %dma_wait3A_445 = arith.constant 0 : i32
    %dma_wait3A_446 = tpu.memref_slice %arg5[%dma_wait3A_441, %dma_wait3A_445] : memref<32x20xi32, #tpu.memory_space<vmem>> -> memref<1x20xi32, #tpu.memory_space<vmem>>
    %dma_wait3A_447 = tpu.memref_squeeze %dma_wait3A_446 : memref<1x20xi32, #tpu.memory_space<vmem>> -> memref<20xi32, #tpu.memory_space<vmem>>
    %dma_wait3A_448 = arith.constant 0 : i32
    %dma_wait3A_449 = arith.constant 0 : i32
    %dma_wait3A_450 = tpu.memref_slice %arg2[%dma_wait3A_448, %dma_wait3A_449] : memref<100000x64xf32, #tpu.memory_space<hbm>> -> memref<100000x64xf32, #tpu.memory_space<hbm>>
    tpu.wait_indirect_dma semaphore(%arg8 : memref<!tpu.dma_semaphore, #tpu.memory_space<semaphore_mem>>) src(%dma_wait3A_450 : memref<100000x64xf32, #tpu.memory_space<hbm>>) dst(%dma_wait3A_444 : memref<20x64xf32, #tpu.memory_space<vmem>>)
    %dma_wait3A_451 = arith.constant 13 : i32
    %dma_wait3A_452 = arith.constant 312 : i32
    %dma_wait3A_453 = arith.constant 0 : i32
    %dma_wait3A_454 = tpu.memref_slice %arg6[%dma_wait3A_452, %dma_wait3A_453] : memref<768x64xf32, #tpu.memory_space<vmem>> -> memref<20x64xf32, #tpu.memory_space<vmem>>
    %dma_wait3A_455 = arith.constant 0 : i32
    %dma_wait3A_456 = tpu.memref_slice %arg5[%dma_wait3A_451, %dma_wait3A_455] : memref<32x20xi32, #tpu.memory_space<vmem>> -> memref<1x20xi32, #tpu.memory_space<vmem>>
    %dma_wait3A_457 = tpu.memref_squeeze %dma_wait3A_456 : memref<1x20xi32, #tpu.memory_space<vmem>> -> memref<20xi32, #tpu.memory_space<vmem>>
    %dma_wait3A_458 = arith.constant 0 : i32
    %dma_wait3A_459 = arith.constant 0 : i32
    %dma_wait3A_460 = tpu.memref_slice %arg2[%dma_wait3A_458, %dma_wait3A_459] : memref<100000x64xf32, #tpu.memory_space<hbm>> -> memref<100000x64xf32, #tpu.memory_space<hbm>>
    tpu.wait_indirect_dma semaphore(%arg8 : memref<!tpu.dma_semaphore, #tpu.memory_space<semaphore_mem>>) src(%dma_wait3A_460 : memref<100000x64xf32, #tpu.memory_space<hbm>>) dst(%dma_wait3A_454 : memref<20x64xf32, #tpu.memory_space<vmem>>)
    %dma_wait3A_461 = arith.constant 14 : i32
    %dma_wait3A_462 = arith.constant 336 : i32
    %dma_wait3A_463 = arith.constant 0 : i32
    %dma_wait3A_464 = tpu.memref_slice %arg6[%dma_wait3A_462, %dma_wait3A_463] : memref<768x64xf32, #tpu.memory_space<vmem>> -> memref<20x64xf32, #tpu.memory_space<vmem>>
    %dma_wait3A_465 = arith.constant 0 : i32
    %dma_wait3A_466 = tpu.memref_slice %arg5[%dma_wait3A_461, %dma_wait3A_465] : memref<32x20xi32, #tpu.memory_space<vmem>> -> memref<1x20xi32, #tpu.memory_space<vmem>>
    %dma_wait3A_467 = tpu.memref_squeeze %dma_wait3A_466 : memref<1x20xi32, #tpu.memory_space<vmem>> -> memref<20xi32, #tpu.memory_space<vmem>>
    %dma_wait3A_468 = arith.constant 0 : i32
    %dma_wait3A_469 = arith.constant 0 : i32
    %dma_wait3A_470 = tpu.memref_slice %arg2[%dma_wait3A_468, %dma_wait3A_469] : memref<100000x64xf32, #tpu.memory_space<hbm>> -> memref<100000x64xf32, #tpu.memory_space<hbm>>
    tpu.wait_indirect_dma semaphore(%arg8 : memref<!tpu.dma_semaphore, #tpu.memory_space<semaphore_mem>>) src(%dma_wait3A_470 : memref<100000x64xf32, #tpu.memory_space<hbm>>) dst(%dma_wait3A_464 : memref<20x64xf32, #tpu.memory_space<vmem>>)
    %dma_wait3A_471 = arith.constant 15 : i32
    %dma_wait3A_472 = arith.constant 360 : i32
    %dma_wait3A_473 = arith.constant 0 : i32
    %dma_wait3A_474 = tpu.memref_slice %arg6[%dma_wait3A_472, %dma_wait3A_473] : memref<768x64xf32, #tpu.memory_space<vmem>> -> memref<20x64xf32, #tpu.memory_space<vmem>>
    %dma_wait3A_475 = arith.constant 0 : i32
    %dma_wait3A_476 = tpu.memref_slice %arg5[%dma_wait3A_471, %dma_wait3A_475] : memref<32x20xi32, #tpu.memory_space<vmem>> -> memref<1x20xi32, #tpu.memory_space<vmem>>
    %dma_wait3A_477 = tpu.memref_squeeze %dma_wait3A_476 : memref<1x20xi32, #tpu.memory_space<vmem>> -> memref<20xi32, #tpu.memory_space<vmem>>
    %dma_wait3A_478 = arith.constant 0 : i32
    %dma_wait3A_479 = arith.constant 0 : i32
    %dma_wait3A_480 = tpu.memref_slice %arg2[%dma_wait3A_478, %dma_wait3A_479] : memref<100000x64xf32, #tpu.memory_space<hbm>> -> memref<100000x64xf32, #tpu.memory_space<hbm>>
    tpu.wait_indirect_dma semaphore(%arg8 : memref<!tpu.dma_semaphore, #tpu.memory_space<semaphore_mem>>) src(%dma_wait3A_480 : memref<100000x64xf32, #tpu.memory_space<hbm>>) dst(%dma_wait3A_474 : memref<20x64xf32, #tpu.memory_space<vmem>>)
    %dma_wait3A_481 = arith.constant 16 : i32
    %dma_wait3A_482 = arith.constant 384 : i32
    %dma_wait3A_483 = arith.constant 0 : i32
    %dma_wait3A_484 = tpu.memref_slice %arg6[%dma_wait3A_482, %dma_wait3A_483] : memref<768x64xf32, #tpu.memory_space<vmem>> -> memref<20x64xf32, #tpu.memory_space<vmem>>
    %dma_wait3A_485 = arith.constant 0 : i32
    %dma_wait3A_486 = tpu.memref_slice %arg5[%dma_wait3A_481, %dma_wait3A_485] : memref<32x20xi32, #tpu.memory_space<vmem>> -> memref<1x20xi32, #tpu.memory_space<vmem>>
    %dma_wait3A_487 = tpu.memref_squeeze %dma_wait3A_486 : memref<1x20xi32, #tpu.memory_space<vmem>> -> memref<20xi32, #tpu.memory_space<vmem>>
    %dma_wait3A_488 = arith.constant 0 : i32
    %dma_wait3A_489 = arith.constant 0 : i32
    %dma_wait3A_490 = tpu.memref_slice %arg2[%dma_wait3A_488, %dma_wait3A_489] : memref<100000x64xf32, #tpu.memory_space<hbm>> -> memref<100000x64xf32, #tpu.memory_space<hbm>>
    tpu.wait_indirect_dma semaphore(%arg8 : memref<!tpu.dma_semaphore, #tpu.memory_space<semaphore_mem>>) src(%dma_wait3A_490 : memref<100000x64xf32, #tpu.memory_space<hbm>>) dst(%dma_wait3A_484 : memref<20x64xf32, #tpu.memory_space<vmem>>)
    %dma_wait3A_491 = arith.constant 17 : i32
    %dma_wait3A_492 = arith.constant 408 : i32
    %dma_wait3A_493 = arith.constant 0 : i32
    %dma_wait3A_494 = tpu.memref_slice %arg6[%dma_wait3A_492, %dma_wait3A_493] : memref<768x64xf32, #tpu.memory_space<vmem>> -> memref<20x64xf32, #tpu.memory_space<vmem>>
    %dma_wait3A_495 = arith.constant 0 : i32
    %dma_wait3A_496 = tpu.memref_slice %arg5[%dma_wait3A_491, %dma_wait3A_495] : memref<32x20xi32, #tpu.memory_space<vmem>> -> memref<1x20xi32, #tpu.memory_space<vmem>>
    %dma_wait3A_497 = tpu.memref_squeeze %dma_wait3A_496 : memref<1x20xi32, #tpu.memory_space<vmem>> -> memref<20xi32, #tpu.memory_space<vmem>>
    %dma_wait3A_498 = arith.constant 0 : i32
    %dma_wait3A_499 = arith.constant 0 : i32
    %dma_wait3A_500 = tpu.memref_slice %arg2[%dma_wait3A_498, %dma_wait3A_499] : memref<100000x64xf32, #tpu.memory_space<hbm>> -> memref<100000x64xf32, #tpu.memory_space<hbm>>
    tpu.wait_indirect_dma semaphore(%arg8 : memref<!tpu.dma_semaphore, #tpu.memory_space<semaphore_mem>>) src(%dma_wait3A_500 : memref<100000x64xf32, #tpu.memory_space<hbm>>) dst(%dma_wait3A_494 : memref<20x64xf32, #tpu.memory_space<vmem>>)
    %dma_wait3A_501 = arith.constant 18 : i32
    %dma_wait3A_502 = arith.constant 432 : i32
    %dma_wait3A_503 = arith.constant 0 : i32
    %dma_wait3A_504 = tpu.memref_slice %arg6[%dma_wait3A_502, %dma_wait3A_503] : memref<768x64xf32, #tpu.memory_space<vmem>> -> memref<20x64xf32, #tpu.memory_space<vmem>>
    %dma_wait3A_505 = arith.constant 0 : i32
    %dma_wait3A_506 = tpu.memref_slice %arg5[%dma_wait3A_501, %dma_wait3A_505] : memref<32x20xi32, #tpu.memory_space<vmem>> -> memref<1x20xi32, #tpu.memory_space<vmem>>
    %dma_wait3A_507 = tpu.memref_squeeze %dma_wait3A_506 : memref<1x20xi32, #tpu.memory_space<vmem>> -> memref<20xi32, #tpu.memory_space<vmem>>
    %dma_wait3A_508 = arith.constant 0 : i32
    %dma_wait3A_509 = arith.constant 0 : i32
    %dma_wait3A_510 = tpu.memref_slice %arg2[%dma_wait3A_508, %dma_wait3A_509] : memref<100000x64xf32, #tpu.memory_space<hbm>> -> memref<100000x64xf32, #tpu.memory_space<hbm>>
    tpu.wait_indirect_dma semaphore(%arg8 : memref<!tpu.dma_semaphore, #tpu.memory_space<semaphore_mem>>) src(%dma_wait3A_510 : memref<100000x64xf32, #tpu.memory_space<hbm>>) dst(%dma_wait3A_504 : memref<20x64xf32, #tpu.memory_space<vmem>>)
    %dma_wait3A_511 = arith.constant 19 : i32
    %dma_wait3A_512 = arith.constant 456 : i32
    %dma_wait3A_513 = arith.constant 0 : i32
    %dma_wait3A_514 = tpu.memref_slice %arg6[%dma_wait3A_512, %dma_wait3A_513] : memref<768x64xf32, #tpu.memory_space<vmem>> -> memref<20x64xf32, #tpu.memory_space<vmem>>
    %dma_wait3A_515 = arith.constant 0 : i32
    %dma_wait3A_516 = tpu.memref_slice %arg5[%dma_wait3A_511, %dma_wait3A_515] : memref<32x20xi32, #tpu.memory_space<vmem>> -> memref<1x20xi32, #tpu.memory_space<vmem>>
    %dma_wait3A_517 = tpu.memref_squeeze %dma_wait3A_516 : memref<1x20xi32, #tpu.memory_space<vmem>> -> memref<20xi32, #tpu.memory_space<vmem>>
    %dma_wait3A_518 = arith.constant 0 : i32
    %dma_wait3A_519 = arith.constant 0 : i32
    %dma_wait3A_520 = tpu.memref_slice %arg2[%dma_wait3A_518, %dma_wait3A_519] : memref<100000x64xf32, #tpu.memory_space<hbm>> -> memref<100000x64xf32, #tpu.memory_space<hbm>>
    tpu.wait_indirect_dma semaphore(%arg8 : memref<!tpu.dma_semaphore, #tpu.memory_space<semaphore_mem>>) src(%dma_wait3A_520 : memref<100000x64xf32, #tpu.memory_space<hbm>>) dst(%dma_wait3A_514 : memref<20x64xf32, #tpu.memory_space<vmem>>)
    %dma_wait3A_521 = arith.constant 20 : i32
    %dma_wait3A_522 = arith.constant 480 : i32
    %dma_wait3A_523 = arith.constant 0 : i32
    %dma_wait3A_524 = tpu.memref_slice %arg6[%dma_wait3A_522, %dma_wait3A_523] : memref<768x64xf32, #tpu.memory_space<vmem>> -> memref<20x64xf32, #tpu.memory_space<vmem>>
    %dma_wait3A_525 = arith.constant 0 : i32
    %dma_wait3A_526 = tpu.memref_slice %arg5[%dma_wait3A_521, %dma_wait3A_525] : memref<32x20xi32, #tpu.memory_space<vmem>> -> memref<1x20xi32, #tpu.memory_space<vmem>>
    %dma_wait3A_527 = tpu.memref_squeeze %dma_wait3A_526 : memref<1x20xi32, #tpu.memory_space<vmem>> -> memref<20xi32, #tpu.memory_space<vmem>>
    %dma_wait3A_528 = arith.constant 0 : i32
    %dma_wait3A_529 = arith.constant 0 : i32
    %dma_wait3A_530 = tpu.memref_slice %arg2[%dma_wait3A_528, %dma_wait3A_529] : memref<100000x64xf32, #tpu.memory_space<hbm>> -> memref<100000x64xf32, #tpu.memory_space<hbm>>
    tpu.wait_indirect_dma semaphore(%arg8 : memref<!tpu.dma_semaphore, #tpu.memory_space<semaphore_mem>>) src(%dma_wait3A_530 : memref<100000x64xf32, #tpu.memory_space<hbm>>) dst(%dma_wait3A_524 : memref<20x64xf32, #tpu.memory_space<vmem>>)
    %dma_wait3A_531 = arith.constant 21 : i32
    %dma_wait3A_532 = arith.constant 504 : i32
    %dma_wait3A_533 = arith.constant 0 : i32
    %dma_wait3A_534 = tpu.memref_slice %arg6[%dma_wait3A_532, %dma_wait3A_533] : memref<768x64xf32, #tpu.memory_space<vmem>> -> memref<20x64xf32, #tpu.memory_space<vmem>>
    %dma_wait3A_535 = arith.constant 0 : i32
    %dma_wait3A_536 = tpu.memref_slice %arg5[%dma_wait3A_531, %dma_wait3A_535] : memref<32x20xi32, #tpu.memory_space<vmem>> -> memref<1x20xi32, #tpu.memory_space<vmem>>
    %dma_wait3A_537 = tpu.memref_squeeze %dma_wait3A_536 : memref<1x20xi32, #tpu.memory_space<vmem>> -> memref<20xi32, #tpu.memory_space<vmem>>
    %dma_wait3A_538 = arith.constant 0 : i32
    %dma_wait3A_539 = arith.constant 0 : i32
    %dma_wait3A_540 = tpu.memref_slice %arg2[%dma_wait3A_538, %dma_wait3A_539] : memref<100000x64xf32, #tpu.memory_space<hbm>> -> memref<100000x64xf32, #tpu.memory_space<hbm>>
    tpu.wait_indirect_dma semaphore(%arg8 : memref<!tpu.dma_semaphore, #tpu.memory_space<semaphore_mem>>) src(%dma_wait3A_540 : memref<100000x64xf32, #tpu.memory_space<hbm>>) dst(%dma_wait3A_534 : memref<20x64xf32, #tpu.memory_space<vmem>>)
    %dma_wait3A_541 = arith.constant 22 : i32
    %dma_wait3A_542 = arith.constant 528 : i32
    %dma_wait3A_543 = arith.constant 0 : i32
    %dma_wait3A_544 = tpu.memref_slice %arg6[%dma_wait3A_542, %dma_wait3A_543] : memref<768x64xf32, #tpu.memory_space<vmem>> -> memref<20x64xf32, #tpu.memory_space<vmem>>
    %dma_wait3A_545 = arith.constant 0 : i32
    %dma_wait3A_546 = tpu.memref_slice %arg5[%dma_wait3A_541, %dma_wait3A_545] : memref<32x20xi32, #tpu.memory_space<vmem>> -> memref<1x20xi32, #tpu.memory_space<vmem>>
    %dma_wait3A_547 = tpu.memref_squeeze %dma_wait3A_546 : memref<1x20xi32, #tpu.memory_space<vmem>> -> memref<20xi32, #tpu.memory_space<vmem>>
    %dma_wait3A_548 = arith.constant 0 : i32
    %dma_wait3A_549 = arith.constant 0 : i32
    %dma_wait3A_550 = tpu.memref_slice %arg2[%dma_wait3A_548, %dma_wait3A_549] : memref<100000x64xf32, #tpu.memory_space<hbm>> -> memref<100000x64xf32, #tpu.memory_space<hbm>>
    tpu.wait_indirect_dma semaphore(%arg8 : memref<!tpu.dma_semaphore, #tpu.memory_space<semaphore_mem>>) src(%dma_wait3A_550 : memref<100000x64xf32, #tpu.memory_space<hbm>>) dst(%dma_wait3A_544 : memref<20x64xf32, #tpu.memory_space<vmem>>)
    %dma_wait3A_551 = arith.constant 23 : i32
    %dma_wait3A_552 = arith.constant 552 : i32
    %dma_wait3A_553 = arith.constant 0 : i32
    %dma_wait3A_554 = tpu.memref_slice %arg6[%dma_wait3A_552, %dma_wait3A_553] : memref<768x64xf32, #tpu.memory_space<vmem>> -> memref<20x64xf32, #tpu.memory_space<vmem>>
    %dma_wait3A_555 = arith.constant 0 : i32
    %dma_wait3A_556 = tpu.memref_slice %arg5[%dma_wait3A_551, %dma_wait3A_555] : memref<32x20xi32, #tpu.memory_space<vmem>> -> memref<1x20xi32, #tpu.memory_space<vmem>>
    %dma_wait3A_557 = tpu.memref_squeeze %dma_wait3A_556 : memref<1x20xi32, #tpu.memory_space<vmem>> -> memref<20xi32, #tpu.memory_space<vmem>>
    %dma_wait3A_558 = arith.constant 0 : i32
    %dma_wait3A_559 = arith.constant 0 : i32
    %dma_wait3A_560 = tpu.memref_slice %arg2[%dma_wait3A_558, %dma_wait3A_559] : memref<100000x64xf32, #tpu.memory_space<hbm>> -> memref<100000x64xf32, #tpu.memory_space<hbm>>
    tpu.wait_indirect_dma semaphore(%arg8 : memref<!tpu.dma_semaphore, #tpu.memory_space<semaphore_mem>>) src(%dma_wait3A_560 : memref<100000x64xf32, #tpu.memory_space<hbm>>) dst(%dma_wait3A_554 : memref<20x64xf32, #tpu.memory_space<vmem>>)
    %dma_wait3A_561 = arith.constant 24 : i32
    %dma_wait3A_562 = arith.constant 576 : i32
    %dma_wait3A_563 = arith.constant 0 : i32
    %dma_wait3A_564 = tpu.memref_slice %arg6[%dma_wait3A_562, %dma_wait3A_563] : memref<768x64xf32, #tpu.memory_space<vmem>> -> memref<20x64xf32, #tpu.memory_space<vmem>>
    %dma_wait3A_565 = arith.constant 0 : i32
    %dma_wait3A_566 = tpu.memref_slice %arg5[%dma_wait3A_561, %dma_wait3A_565] : memref<32x20xi32, #tpu.memory_space<vmem>> -> memref<1x20xi32, #tpu.memory_space<vmem>>
    %dma_wait3A_567 = tpu.memref_squeeze %dma_wait3A_566 : memref<1x20xi32, #tpu.memory_space<vmem>> -> memref<20xi32, #tpu.memory_space<vmem>>
    %dma_wait3A_568 = arith.constant 0 : i32
    %dma_wait3A_569 = arith.constant 0 : i32
    %dma_wait3A_570 = tpu.memref_slice %arg2[%dma_wait3A_568, %dma_wait3A_569] : memref<100000x64xf32, #tpu.memory_space<hbm>> -> memref<100000x64xf32, #tpu.memory_space<hbm>>
    tpu.wait_indirect_dma semaphore(%arg8 : memref<!tpu.dma_semaphore, #tpu.memory_space<semaphore_mem>>) src(%dma_wait3A_570 : memref<100000x64xf32, #tpu.memory_space<hbm>>) dst(%dma_wait3A_564 : memref<20x64xf32, #tpu.memory_space<vmem>>)
    %dma_wait3A_571 = arith.constant 25 : i32
    %dma_wait3A_572 = arith.constant 600 : i32
    %dma_wait3A_573 = arith.constant 0 : i32
    %dma_wait3A_574 = tpu.memref_slice %arg6[%dma_wait3A_572, %dma_wait3A_573] : memref<768x64xf32, #tpu.memory_space<vmem>> -> memref<20x64xf32, #tpu.memory_space<vmem>>
    %dma_wait3A_575 = arith.constant 0 : i32
    %dma_wait3A_576 = tpu.memref_slice %arg5[%dma_wait3A_571, %dma_wait3A_575] : memref<32x20xi32, #tpu.memory_space<vmem>> -> memref<1x20xi32, #tpu.memory_space<vmem>>
    %dma_wait3A_577 = tpu.memref_squeeze %dma_wait3A_576 : memref<1x20xi32, #tpu.memory_space<vmem>> -> memref<20xi32, #tpu.memory_space<vmem>>
    %dma_wait3A_578 = arith.constant 0 : i32
    %dma_wait3A_579 = arith.constant 0 : i32
    %dma_wait3A_580 = tpu.memref_slice %arg2[%dma_wait3A_578, %dma_wait3A_579] : memref<100000x64xf32, #tpu.memory_space<hbm>> -> memref<100000x64xf32, #tpu.memory_space<hbm>>
    tpu.wait_indirect_dma semaphore(%arg8 : memref<!tpu.dma_semaphore, #tpu.memory_space<semaphore_mem>>) src(%dma_wait3A_580 : memref<100000x64xf32, #tpu.memory_space<hbm>>) dst(%dma_wait3A_574 : memref<20x64xf32, #tpu.memory_space<vmem>>)
    %dma_wait3A_581 = arith.constant 26 : i32
    %dma_wait3A_582 = arith.constant 624 : i32
    %dma_wait3A_583 = arith.constant 0 : i32
    %dma_wait3A_584 = tpu.memref_slice %arg6[%dma_wait3A_582, %dma_wait3A_583] : memref<768x64xf32, #tpu.memory_space<vmem>> -> memref<20x64xf32, #tpu.memory_space<vmem>>
    %dma_wait3A_585 = arith.constant 0 : i32
    %dma_wait3A_586 = tpu.memref_slice %arg5[%dma_wait3A_581, %dma_wait3A_585] : memref<32x20xi32, #tpu.memory_space<vmem>> -> memref<1x20xi32, #tpu.memory_space<vmem>>
    %dma_wait3A_587 = tpu.memref_squeeze %dma_wait3A_586 : memref<1x20xi32, #tpu.memory_space<vmem>> -> memref<20xi32, #tpu.memory_space<vmem>>
    %dma_wait3A_588 = arith.constant 0 : i32
    %dma_wait3A_589 = arith.constant 0 : i32
    %dma_wait3A_590 = tpu.memref_slice %arg2[%dma_wait3A_588, %dma_wait3A_589] : memref<100000x64xf32, #tpu.memory_space<hbm>> -> memref<100000x64xf32, #tpu.memory_space<hbm>>
    tpu.wait_indirect_dma semaphore(%arg8 : memref<!tpu.dma_semaphore, #tpu.memory_space<semaphore_mem>>) src(%dma_wait3A_590 : memref<100000x64xf32, #tpu.memory_space<hbm>>) dst(%dma_wait3A_584 : memref<20x64xf32, #tpu.memory_space<vmem>>)
    %dma_wait3A_591 = arith.constant 27 : i32
    %dma_wait3A_592 = arith.constant 648 : i32
    %dma_wait3A_593 = arith.constant 0 : i32
    %dma_wait3A_594 = tpu.memref_slice %arg6[%dma_wait3A_592, %dma_wait3A_593] : memref<768x64xf32, #tpu.memory_space<vmem>> -> memref<20x64xf32, #tpu.memory_space<vmem>>
    %dma_wait3A_595 = arith.constant 0 : i32
    %dma_wait3A_596 = tpu.memref_slice %arg5[%dma_wait3A_591, %dma_wait3A_595] : memref<32x20xi32, #tpu.memory_space<vmem>> -> memref<1x20xi32, #tpu.memory_space<vmem>>
    %dma_wait3A_597 = tpu.memref_squeeze %dma_wait3A_596 : memref<1x20xi32, #tpu.memory_space<vmem>> -> memref<20xi32, #tpu.memory_space<vmem>>
    %dma_wait3A_598 = arith.constant 0 : i32
    %dma_wait3A_599 = arith.constant 0 : i32
    %dma_wait3A_600 = tpu.memref_slice %arg2[%dma_wait3A_598, %dma_wait3A_599] : memref<100000x64xf32, #tpu.memory_space<hbm>> -> memref<100000x64xf32, #tpu.memory_space<hbm>>
    tpu.wait_indirect_dma semaphore(%arg8 : memref<!tpu.dma_semaphore, #tpu.memory_space<semaphore_mem>>) src(%dma_wait3A_600 : memref<100000x64xf32, #tpu.memory_space<hbm>>) dst(%dma_wait3A_594 : memref<20x64xf32, #tpu.memory_space<vmem>>)
    %dma_wait3A_601 = arith.constant 28 : i32
    %dma_wait3A_602 = arith.constant 672 : i32
    %dma_wait3A_603 = arith.constant 0 : i32
    %dma_wait3A_604 = tpu.memref_slice %arg6[%dma_wait3A_602, %dma_wait3A_603] : memref<768x64xf32, #tpu.memory_space<vmem>> -> memref<20x64xf32, #tpu.memory_space<vmem>>
    %dma_wait3A_605 = arith.constant 0 : i32
    %dma_wait3A_606 = tpu.memref_slice %arg5[%dma_wait3A_601, %dma_wait3A_605] : memref<32x20xi32, #tpu.memory_space<vmem>> -> memref<1x20xi32, #tpu.memory_space<vmem>>
    %dma_wait3A_607 = tpu.memref_squeeze %dma_wait3A_606 : memref<1x20xi32, #tpu.memory_space<vmem>> -> memref<20xi32, #tpu.memory_space<vmem>>
    %dma_wait3A_608 = arith.constant 0 : i32
    %dma_wait3A_609 = arith.constant 0 : i32
    %dma_wait3A_610 = tpu.memref_slice %arg2[%dma_wait3A_608, %dma_wait3A_609] : memref<100000x64xf32, #tpu.memory_space<hbm>> -> memref<100000x64xf32, #tpu.memory_space<hbm>>
    tpu.wait_indirect_dma semaphore(%arg8 : memref<!tpu.dma_semaphore, #tpu.memory_space<semaphore_mem>>) src(%dma_wait3A_610 : memref<100000x64xf32, #tpu.memory_space<hbm>>) dst(%dma_wait3A_604 : memref<20x64xf32, #tpu.memory_space<vmem>>)
    %dma_wait3A_611 = arith.constant 29 : i32
    %dma_wait3A_612 = arith.constant 696 : i32
    %dma_wait3A_613 = arith.constant 0 : i32
    %dma_wait3A_614 = tpu.memref_slice %arg6[%dma_wait3A_612, %dma_wait3A_613] : memref<768x64xf32, #tpu.memory_space<vmem>> -> memref<20x64xf32, #tpu.memory_space<vmem>>
    %dma_wait3A_615 = arith.constant 0 : i32
    %dma_wait3A_616 = tpu.memref_slice %arg5[%dma_wait3A_611, %dma_wait3A_615] : memref<32x20xi32, #tpu.memory_space<vmem>> -> memref<1x20xi32, #tpu.memory_space<vmem>>
    %dma_wait3A_617 = tpu.memref_squeeze %dma_wait3A_616 : memref<1x20xi32, #tpu.memory_space<vmem>> -> memref<20xi32, #tpu.memory_space<vmem>>
    %dma_wait3A_618 = arith.constant 0 : i32
    %dma_wait3A_619 = arith.constant 0 : i32
    %dma_wait3A_620 = tpu.memref_slice %arg2[%dma_wait3A_618, %dma_wait3A_619] : memref<100000x64xf32, #tpu.memory_space<hbm>> -> memref<100000x64xf32, #tpu.memory_space<hbm>>
    tpu.wait_indirect_dma semaphore(%arg8 : memref<!tpu.dma_semaphore, #tpu.memory_space<semaphore_mem>>) src(%dma_wait3A_620 : memref<100000x64xf32, #tpu.memory_space<hbm>>) dst(%dma_wait3A_614 : memref<20x64xf32, #tpu.memory_space<vmem>>)
    %dma_wait3A_621 = arith.constant 30 : i32
    %dma_wait3A_622 = arith.constant 720 : i32
    %dma_wait3A_623 = arith.constant 0 : i32
    %dma_wait3A_624 = tpu.memref_slice %arg6[%dma_wait3A_622, %dma_wait3A_623] : memref<768x64xf32, #tpu.memory_space<vmem>> -> memref<20x64xf32, #tpu.memory_space<vmem>>
    %dma_wait3A_625 = arith.constant 0 : i32
    %dma_wait3A_626 = tpu.memref_slice %arg5[%dma_wait3A_621, %dma_wait3A_625] : memref<32x20xi32, #tpu.memory_space<vmem>> -> memref<1x20xi32, #tpu.memory_space<vmem>>
    %dma_wait3A_627 = tpu.memref_squeeze %dma_wait3A_626 : memref<1x20xi32, #tpu.memory_space<vmem>> -> memref<20xi32, #tpu.memory_space<vmem>>
    %dma_wait3A_628 = arith.constant 0 : i32
    %dma_wait3A_629 = arith.constant 0 : i32
    %dma_wait3A_630 = tpu.memref_slice %arg2[%dma_wait3A_628, %dma_wait3A_629] : memref<100000x64xf32, #tpu.memory_space<hbm>> -> memref<100000x64xf32, #tpu.memory_space<hbm>>
    tpu.wait_indirect_dma semaphore(%arg8 : memref<!tpu.dma_semaphore, #tpu.memory_space<semaphore_mem>>) src(%dma_wait3A_630 : memref<100000x64xf32, #tpu.memory_space<hbm>>) dst(%dma_wait3A_624 : memref<20x64xf32, #tpu.memory_space<vmem>>)
    %dma_wait3A_631 = arith.constant 31 : i32
    %dma_wait3A_632 = arith.constant 744 : i32
    %dma_wait3A_633 = arith.constant 0 : i32
    %dma_wait3A_634 = tpu.memref_slice %arg6[%dma_wait3A_632, %dma_wait3A_633] : memref<768x64xf32, #tpu.memory_space<vmem>> -> memref<20x64xf32, #tpu.memory_space<vmem>>
    %dma_wait3A_635 = arith.constant 0 : i32
    %dma_wait3A_636 = tpu.memref_slice %arg5[%dma_wait3A_631, %dma_wait3A_635] : memref<32x20xi32, #tpu.memory_space<vmem>> -> memref<1x20xi32, #tpu.memory_space<vmem>>
    %dma_wait3A_637 = tpu.memref_squeeze %dma_wait3A_636 : memref<1x20xi32, #tpu.memory_space<vmem>> -> memref<20xi32, #tpu.memory_space<vmem>>
    %dma_wait3A_638 = arith.constant 0 : i32
    %dma_wait3A_639 = arith.constant 0 : i32
    %dma_wait3A_640 = tpu.memref_slice %arg2[%dma_wait3A_638, %dma_wait3A_639] : memref<100000x64xf32, #tpu.memory_space<hbm>> -> memref<100000x64xf32, #tpu.memory_space<hbm>>
    tpu.wait_indirect_dma semaphore(%arg8 : memref<!tpu.dma_semaphore, #tpu.memory_space<semaphore_mem>>) src(%dma_wait3A_640 : memref<100000x64xf32, #tpu.memory_space<hbm>>) dst(%dma_wait3A_634 : memref<20x64xf32, #tpu.memory_space<vmem>>)
    %scan3A = arith.constant 0 : i32
    %scan3A_641 = arith.constant 32 : i32
    %scan3A_642 = arith.addi %scan3A, %scan3A_641 : i32
    %scan3A_643 = arith.constant 1 : i32
    scf.for %scan3A_645 = %scan3A to %scan3A_642 step %scan3A_643  : i32 {
      %mul3A_646 = arith.constant 1 : i32
      %mul3A_647 = arith.muli %scan3A_645, %mul3A_646 : i32
      %add3A_648 = arith.constant 0 : i32
      %add3A_649 = arith.addi %add3A_648, %mul3A_647 : i32
      %mul3A_650 = arith.constant 24 : i32
      %mul3A_651 = arith.muli %add3A_649, %mul3A_650 : i32
      %get3A = arith.index_cast %mul3A_651 : i32 to index
      %get3A_652 = arith.constant 0 : index
      %get3A_653 = tpu.vector_load %arg6[%get3A, %get3A_652] {strides = array<i32>} : memref<768x64xf32, #tpu.memory_space<vmem>>, vector<1x16xf32>,
      %get3A_654 = vector.shape_cast %get3A_653 : vector<1x16xf32> to vector<16xf32>
      %mul3A_655 = arith.constant 24 : i32
      %mul3A_656 = arith.muli %add3A_649, %mul3A_655 : i32
      %add3A_657 = arith.constant 1 : i32
      %add3A_658 = arith.addi %mul3A_656, %add3A_657 : i32
      %get3A_659 = arith.index_cast %add3A_658 : i32 to index
      %get3A_660 = arith.constant 0 : index
      %get3A_661 = tpu.vector_load %arg6[%get3A_659, %get3A_660] {strides = array<i32>} : memref<768x64xf32, #tpu.memory_space<vmem>>, vector<1x16xf32>,
      %get3A_662 = vector.shape_cast %get3A_661 : vector<1x16xf32> to vector<16xf32>
      %add3A_663 = arith.addf %get3A_654, %get3A_662 : vector<16xf32>
      %mul3A_664 = arith.constant 24 : i32
      %mul3A_665 = arith.muli %add3A_649, %mul3A_664 : i32
      %add3A_666 = arith.constant 2 : i32
      %add3A_667 = arith.addi %mul3A_665, %add3A_666 : i32
      %get3A_668 = arith.index_cast %add3A_667 : i32 to index
      %get3A_669 = arith.constant 0 : index
      %get3A_670 = tpu.vector_load %arg6[%get3A_668, %get3A_669] {strides = array<i32>} : memref<768x64xf32, #tpu.memory_space<vmem>>, vector<1x16xf32>,
      %get3A_671 = vector.shape_cast %get3A_670 : vector<1x16xf32> to vector<16xf32>
      %add3A_672 = arith.addf %add3A_663, %get3A_671 : vector<16xf32>
      %mul3A_673 = arith.constant 24 : i32
      %mul3A_674 = arith.muli %add3A_649, %mul3A_673 : i32
      %add3A_675 = arith.constant 3 : i32
      %add3A_676 = arith.addi %mul3A_674, %add3A_675 : i32
      %get3A_677 = arith.index_cast %add3A_676 : i32 to index
      %get3A_678 = arith.constant 0 : index
      %get3A_679 = tpu.vector_load %arg6[%get3A_677, %get3A_678] {strides = array<i32>} : memref<768x64xf32, #tpu.memory_space<vmem>>, vector<1x16xf32>,
      %get3A_680 = vector.shape_cast %get3A_679 : vector<1x16xf32> to vector<16xf32>
      %add3A_681 = arith.addf %add3A_672, %get3A_680 : vector<16xf32>
      %mul3A_682 = arith.constant 24 : i32
      %mul3A_683 = arith.muli %add3A_649, %mul3A_682 : i32
      %add3A_684 = arith.constant 4 : i32
      %add3A_685 = arith.addi %mul3A_683, %add3A_684 : i32
      %get3A_686 = arith.index_cast %add3A_685 : i32 to index
      %get3A_687 = arith.constant 0 : index
      %get3A_688 = tpu.vector_load %arg6[%get3A_686, %get3A_687] {strides = array<i32>} : memref<768x64xf32, #tpu.memory_space<vmem>>, vector<1x16xf32>,
      %get3A_689 = vector.shape_cast %get3A_688 : vector<1x16xf32> to vector<16xf32>
      %add3A_690 = arith.addf %add3A_681, %get3A_689 : vector<16xf32>
      %mul3A_691 = arith.constant 24 : i32
      %mul3A_692 = arith.muli %add3A_649, %mul3A_691 : i32
      %add3A_693 = arith.constant 5 : i32
      %add3A_694 = arith.addi %mul3A_692, %add3A_693 : i32
      %get3A_695 = arith.index_cast %add3A_694 : i32 to index
      %get3A_696 = arith.constant 0 : index
      %get3A_697 = tpu.vector_load %arg6[%get3A_695, %get3A_696] {strides = array<i32>} : memref<768x64xf32, #tpu.memory_space<vmem>>, vector<1x16xf32>,
      %get3A_698 = vector.shape_cast %get3A_697 : vector<1x16xf32> to vector<16xf32>
      %add3A_699 = arith.addf %add3A_690, %get3A_698 : vector<16xf32>
      %mul3A_700 = arith.constant 24 : i32
      %mul3A_701 = arith.muli %add3A_649, %mul3A_700 : i32
      %add3A_702 = arith.constant 6 : i32
      %add3A_703 = arith.addi %mul3A_701, %add3A_702 : i32
      %get3A_704 = arith.index_cast %add3A_703 : i32 to index
      %get3A_705 = arith.constant 0 : index
      %get3A_706 = tpu.vector_load %arg6[%get3A_704, %get3A_705] {strides = array<i32>} : memref<768x64xf32, #tpu.memory_space<vmem>>, vector<1x16xf32>,
      %get3A_707 = vector.shape_cast %get3A_706 : vector<1x16xf32> to vector<16xf32>
      %add3A_708 = arith.addf %add3A_699, %get3A_707 : vector<16xf32>
      %mul3A_709 = arith.constant 24 : i32
      %mul3A_710 = arith.muli %add3A_649, %mul3A_709 : i32
      %add3A_711 = arith.constant 7 : i32
      %add3A_712 = arith.addi %mul3A_710, %add3A_711 : i32
      %get3A_713 = arith.index_cast %add3A_712 : i32 to index
      %get3A_714 = arith.constant 0 : index
      %get3A_715 = tpu.vector_load %arg6[%get3A_713, %get3A_714] {strides = array<i32>} : memref<768x64xf32, #tpu.memory_space<vmem>>, vector<1x16xf32>,
      %get3A_716 = vector.shape_cast %get3A_715 : vector<1x16xf32> to vector<16xf32>
      %add3A_717 = arith.addf %add3A_708, %get3A_716 : vector<16xf32>
      %mul3A_718 = arith.constant 24 : i32
      %mul3A_719 = arith.muli %add3A_649, %mul3A_718 : i32
      %add3A_720 = arith.constant 8 : i32
      %add3A_721 = arith.addi %mul3A_719, %add3A_720 : i32
      %get3A_722 = arith.index_cast %add3A_721 : i32 to index
      %get3A_723 = arith.constant 0 : index
      %get3A_724 = tpu.vector_load %arg6[%get3A_722, %get3A_723] {strides = array<i32>} : memref<768x64xf32, #tpu.memory_space<vmem>>, vector<1x16xf32>,
      %get3A_725 = vector.shape_cast %get3A_724 : vector<1x16xf32> to vector<16xf32>
      %add3A_726 = arith.addf %add3A_717, %get3A_725 : vector<16xf32>
      %mul3A_727 = arith.constant 24 : i32
      %mul3A_728 = arith.muli %add3A_649, %mul3A_727 : i32
      %add3A_729 = arith.constant 9 : i32
      %add3A_730 = arith.addi %mul3A_728, %add3A_729 : i32
      %get3A_731 = arith.index_cast %add3A_730 : i32 to index
      %get3A_732 = arith.constant 0 : index
      %get3A_733 = tpu.vector_load %arg6[%get3A_731, %get3A_732] {strides = array<i32>} : memref<768x64xf32, #tpu.memory_space<vmem>>, vector<1x16xf32>,
      %get3A_734 = vector.shape_cast %get3A_733 : vector<1x16xf32> to vector<16xf32>
      %add3A_735 = arith.addf %add3A_726, %get3A_734 : vector<16xf32>
      %mul3A_736 = arith.constant 24 : i32
      %mul3A_737 = arith.muli %add3A_649, %mul3A_736 : i32
      %add3A_738 = arith.constant 10 : i32
      %add3A_739 = arith.addi %mul3A_737, %add3A_738 : i32
      %get3A_740 = arith.index_cast %add3A_739 : i32 to index
      %get3A_741 = arith.constant 0 : index
      %get3A_742 = tpu.vector_load %arg6[%get3A_740, %get3A_741] {strides = array<i32>} : memref<768x64xf32, #tpu.memory_space<vmem>>, vector<1x16xf32>,
      %get3A_743 = vector.shape_cast %get3A_742 : vector<1x16xf32> to vector<16xf32>
      %add3A_744 = arith.addf %add3A_735, %get3A_743 : vector<16xf32>
      %mul3A_745 = arith.constant 24 : i32
      %mul3A_746 = arith.muli %add3A_649, %mul3A_745 : i32
      %add3A_747 = arith.constant 11 : i32
      %add3A_748 = arith.addi %mul3A_746, %add3A_747 : i32
      %get3A_749 = arith.index_cast %add3A_748 : i32 to index
      %get3A_750 = arith.constant 0 : index
      %get3A_751 = tpu.vector_load %arg6[%get3A_749, %get3A_750] {strides = array<i32>} : memref<768x64xf32, #tpu.memory_space<vmem>>, vector<1x16xf32>,
      %get3A_752 = vector.shape_cast %get3A_751 : vector<1x16xf32> to vector<16xf32>
      %add3A_753 = arith.addf %add3A_744, %get3A_752 : vector<16xf32>
      %mul3A_754 = arith.constant 24 : i32
      %mul3A_755 = arith.muli %add3A_649, %mul3A_754 : i32
      %add3A_756 = arith.constant 12 : i32
      %add3A_757 = arith.addi %mul3A_755, %add3A_756 : i32
      %get3A_758 = arith.index_cast %add3A_757 : i32 to index
      %get3A_759 = arith.constant 0 : index
      %get3A_760 = tpu.vector_load %arg6[%get3A_758, %get3A_759] {strides = array<i32>} : memref<768x64xf32, #tpu.memory_space<vmem>>, vector<1x16xf32>,
      %get3A_761 = vector.shape_cast %get3A_760 : vector<1x16xf32> to vector<16xf32>
      %add3A_762 = arith.addf %add3A_753, %get3A_761 : vector<16xf32>
      %mul3A_763 = arith.constant 24 : i32
      %mul3A_764 = arith.muli %add3A_649, %mul3A_763 : i32
      %add3A_765 = arith.constant 13 : i32
      %add3A_766 = arith.addi %mul3A_764, %add3A_765 : i32
      %get3A_767 = arith.index_cast %add3A_766 : i32 to index
      %get3A_768 = arith.constant 0 : index
      %get3A_769 = tpu.vector_load %arg6[%get3A_767, %get3A_768] {strides = array<i32>} : memref<768x64xf32, #tpu.memory_space<vmem>>, vector<1x16xf32>,
      %get3A_770 = vector.shape_cast %get3A_769 : vector<1x16xf32> to vector<16xf32>
      %add3A_771 = arith.addf %add3A_762, %get3A_770 : vector<16xf32>
      %mul3A_772 = arith.constant 24 : i32
      %mul3A_773 = arith.muli %add3A_649, %mul3A_772 : i32
      %add3A_774 = arith.constant 14 : i32
      %add3A_775 = arith.addi %mul3A_773, %add3A_774 : i32
      %get3A_776 = arith.index_cast %add3A_775 : i32 to index
      %get3A_777 = arith.constant 0 : index
      %get3A_778 = tpu.vector_load %arg6[%get3A_776, %get3A_777] {strides = array<i32>} : memref<768x64xf32, #tpu.memory_space<vmem>>, vector<1x16xf32>,
      %get3A_779 = vector.shape_cast %get3A_778 : vector<1x16xf32> to vector<16xf32>
      %add3A_780 = arith.addf %add3A_771, %get3A_779 : vector<16xf32>
      %mul3A_781 = arith.constant 24 : i32
      %mul3A_782 = arith.muli %add3A_649, %mul3A_781 : i32
      %add3A_783 = arith.constant 15 : i32
      %add3A_784 = arith.addi %mul3A_782, %add3A_783 : i32
      %get3A_785 = arith.index_cast %add3A_784 : i32 to index
      %get3A_786 = arith.constant 0 : index
      %get3A_787 = tpu.vector_load %arg6[%get3A_785, %get3A_786] {strides = array<i32>} : memref<768x64xf32, #tpu.memory_space<vmem>>, vector<1x16xf32>,
      %get3A_788 = vector.shape_cast %get3A_787 : vector<1x16xf32> to vector<16xf32>
      %add3A_789 = arith.addf %add3A_780, %get3A_788 : vector<16xf32>
      %mul3A_790 = arith.constant 24 : i32
      %mul3A_791 = arith.muli %add3A_649, %mul3A_790 : i32
      %add3A_792 = arith.constant 16 : i32
      %add3A_793 = arith.addi %mul3A_791, %add3A_792 : i32
      %get3A_794 = arith.index_cast %add3A_793 : i32 to index
      %get3A_795 = arith.constant 0 : index
      %get3A_796 = tpu.vector_load %arg6[%get3A_794, %get3A_795] {strides = array<i32>} : memref<768x64xf32, #tpu.memory_space<vmem>>, vector<1x16xf32>,
      %get3A_797 = vector.shape_cast %get3A_796 : vector<1x16xf32> to vector<16xf32>
      %add3A_798 = arith.addf %add3A_789, %get3A_797 : vector<16xf32>
      %mul3A_799 = arith.constant 24 : i32
      %mul3A_800 = arith.muli %add3A_649, %mul3A_799 : i32
      %add3A_801 = arith.constant 17 : i32
      %add3A_802 = arith.addi %mul3A_800, %add3A_801 : i32
      %get3A_803 = arith.index_cast %add3A_802 : i32 to index
      %get3A_804 = arith.constant 0 : index
      %get3A_805 = tpu.vector_load %arg6[%get3A_803, %get3A_804] {strides = array<i32>} : memref<768x64xf32, #tpu.memory_space<vmem>>, vector<1x16xf32>,
      %get3A_806 = vector.shape_cast %get3A_805 : vector<1x16xf32> to vector<16xf32>
      %add3A_807 = arith.addf %add3A_798, %get3A_806 : vector<16xf32>
      %mul3A_808 = arith.constant 24 : i32
      %mul3A_809 = arith.muli %add3A_649, %mul3A_808 : i32
      %add3A_810 = arith.constant 18 : i32
      %add3A_811 = arith.addi %mul3A_809, %add3A_810 : i32
      %get3A_812 = arith.index_cast %add3A_811 : i32 to index
      %get3A_813 = arith.constant 0 : index
      %get3A_814 = tpu.vector_load %arg6[%get3A_812, %get3A_813] {strides = array<i32>} : memref<768x64xf32, #tpu.memory_space<vmem>>, vector<1x16xf32>,
      %get3A_815 = vector.shape_cast %get3A_814 : vector<1x16xf32> to vector<16xf32>
      %add3A_816 = arith.addf %add3A_807, %get3A_815 : vector<16xf32>
      %mul3A_817 = arith.constant 24 : i32
      %mul3A_818 = arith.muli %add3A_649, %mul3A_817 : i32
      %add3A_819 = arith.constant 19 : i32
      %add3A_820 = arith.addi %mul3A_818, %add3A_819 : i32
      %get3A_821 = arith.index_cast %add3A_820 : i32 to index
      %get3A_822 = arith.constant 0 : index
      %get3A_823 = tpu.vector_load %arg6[%get3A_821, %get3A_822] {strides = array<i32>} : memref<768x64xf32, #tpu.memory_space<vmem>>, vector<1x16xf32>,
      %get3A_824 = vector.shape_cast %get3A_823 : vector<1x16xf32> to vector<16xf32>
      %add3A_825 = arith.addf %add3A_816, %get3A_824 : vector<16xf32>
      %mul3A_826 = arith.constant 5.000000e-02 : f32
      %mul3A_827 = vector.broadcast %mul3A_826 : f32 to vector<16xf32>
      %mul3A_828 = arith.mulf %add3A_825, %mul3A_827 : vector<16xf32>
      %swap3A = arith.index_cast %add3A_649 : i32 to index
      %swap3A_829 = arith.constant 0 : index
      %swap3A_830 = tpu.vector_load %arg7[%swap3A, %swap3A_829] {strides = array<i32>} : memref<32x64xf32, #tpu.memory_space<vmem>>, vector<1x16xf32>,
      %swap3A_831 = vector.shape_cast %swap3A_830 : vector<1x16xf32> to vector<16xf32>
      %swap3A_832 = vector.shape_cast %mul3A_828 : vector<16xf32> to vector<1x16xf32>
      tpu.vector_store %arg7[%swap3A, %swap3A_829], %swap3A_832 {strides = array<i32>} : memref<32x64xf32, #tpu.memory_space<vmem>>, vector<1x16xf32>,
      %mul3A_833 = arith.constant 24 : i32
      %mul3A_834 = arith.muli %add3A_649, %mul3A_833 : i32
      %get3A_835 = arith.index_cast %mul3A_834 : i32 to index
      %get3A_836 = arith.constant 16 : index
      %get3A_837 = tpu.vector_load %arg6[%get3A_835, %get3A_836] {strides = array<i32>} : memref<768x64xf32, #tpu.memory_space<vmem>>, vector<1x16xf32>,
      %get3A_838 = vector.shape_cast %get3A_837 : vector<1x16xf32> to vector<16xf32>
      %mul3A_839 = arith.constant 24 : i32
      %mul3A_840 = arith.muli %add3A_649, %mul3A_839 : i32
      %add3A_841 = arith.constant 1 : i32
      %add3A_842 = arith.addi %mul3A_840, %add3A_841 : i32
      %get3A_843 = arith.index_cast %add3A_842 : i32 to index
      %get3A_844 = arith.constant 16 : index
      %get3A_845 = tpu.vector_load %arg6[%get3A_843, %get3A_844] {strides = array<i32>} : memref<768x64xf32, #tpu.memory_space<vmem>>, vector<1x16xf32>,
      %get3A_846 = vector.shape_cast %get3A_845 : vector<1x16xf32> to vector<16xf32>
      %add3A_847 = arith.addf %get3A_838, %get3A_846 : vector<16xf32>
      %mul3A_848 = arith.constant 24 : i32
      %mul3A_849 = arith.muli %add3A_649, %mul3A_848 : i32
      %add3A_850 = arith.constant 2 : i32
      %add3A_851 = arith.addi %mul3A_849, %add3A_850 : i32
      %get3A_852 = arith.index_cast %add3A_851 : i32 to index
      %get3A_853 = arith.constant 16 : index
      %get3A_854 = tpu.vector_load %arg6[%get3A_852, %get3A_853] {strides = array<i32>} : memref<768x64xf32, #tpu.memory_space<vmem>>, vector<1x16xf32>,
      %get3A_855 = vector.shape_cast %get3A_854 : vector<1x16xf32> to vector<16xf32>
      %add3A_856 = arith.addf %add3A_847, %get3A_855 : vector<16xf32>
      %mul3A_857 = arith.constant 24 : i32
      %mul3A_858 = arith.muli %add3A_649, %mul3A_857 : i32
      %add3A_859 = arith.constant 3 : i32
      %add3A_860 = arith.addi %mul3A_858, %add3A_859 : i32
      %get3A_861 = arith.index_cast %add3A_860 : i32 to index
      %get3A_862 = arith.constant 16 : index
      %get3A_863 = tpu.vector_load %arg6[%get3A_861, %get3A_862] {strides = array<i32>} : memref<768x64xf32, #tpu.memory_space<vmem>>, vector<1x16xf32>,
      %get3A_864 = vector.shape_cast %get3A_863 : vector<1x16xf32> to vector<16xf32>
      %add3A_865 = arith.addf %add3A_856, %get3A_864 : vector<16xf32>
      %mul3A_866 = arith.constant 24 : i32
      %mul3A_867 = arith.muli %add3A_649, %mul3A_866 : i32
      %add3A_868 = arith.constant 4 : i32
      %add3A_869 = arith.addi %mul3A_867, %add3A_868 : i32
      %get3A_870 = arith.index_cast %add3A_869 : i32 to index
      %get3A_871 = arith.constant 16 : index
      %get3A_872 = tpu.vector_load %arg6[%get3A_870, %get3A_871] {strides = array<i32>} : memref<768x64xf32, #tpu.memory_space<vmem>>, vector<1x16xf32>,
      %get3A_873 = vector.shape_cast %get3A_872 : vector<1x16xf32> to vector<16xf32>
      %add3A_874 = arith.addf %add3A_865, %get3A_873 : vector<16xf32>
      %mul3A_875 = arith.constant 24 : i32
      %mul3A_876 = arith.muli %add3A_649, %mul3A_875 : i32
      %add3A_877 = arith.constant 5 : i32
      %add3A_878 = arith.addi %mul3A_876, %add3A_877 : i32
      %get3A_879 = arith.index_cast %add3A_878 : i32 to index
      %get3A_880 = arith.constant 16 : index
      %get3A_881 = tpu.vector_load %arg6[%get3A_879, %get3A_880] {strides = array<i32>} : memref<768x64xf32, #tpu.memory_space<vmem>>, vector<1x16xf32>,
      %get3A_882 = vector.shape_cast %get3A_881 : vector<1x16xf32> to vector<16xf32>
      %add3A_883 = arith.addf %add3A_874, %get3A_882 : vector<16xf32>
      %mul3A_884 = arith.constant 24 : i32
      %mul3A_885 = arith.muli %add3A_649, %mul3A_884 : i32
      %add3A_886 = arith.constant 6 : i32
      %add3A_887 = arith.addi %mul3A_885, %add3A_886 : i32
      %get3A_888 = arith.index_cast %add3A_887 : i32 to index
      %get3A_889 = arith.constant 16 : index
      %get3A_890 = tpu.vector_load %arg6[%get3A_888, %get3A_889] {strides = array<i32>} : memref<768x64xf32, #tpu.memory_space<vmem>>, vector<1x16xf32>,
      %get3A_891 = vector.shape_cast %get3A_890 : vector<1x16xf32> to vector<16xf32>
      %add3A_892 = arith.addf %add3A_883, %get3A_891 : vector<16xf32>
      %mul3A_893 = arith.constant 24 : i32
      %mul3A_894 = arith.muli %add3A_649, %mul3A_893 : i32
      %add3A_895 = arith.constant 7 : i32
      %add3A_896 = arith.addi %mul3A_894, %add3A_895 : i32
      %get3A_897 = arith.index_cast %add3A_896 : i32 to index
      %get3A_898 = arith.constant 16 : index
      %get3A_899 = tpu.vector_load %arg6[%get3A_897, %get3A_898] {strides = array<i32>} : memref<768x64xf32, #tpu.memory_space<vmem>>, vector<1x16xf32>,
      %get3A_900 = vector.shape_cast %get3A_899 : vector<1x16xf32> to vector<16xf32>
      %add3A_901 = arith.addf %add3A_892, %get3A_900 : vector<16xf32>
      %mul3A_902 = arith.constant 24 : i32
      %mul3A_903 = arith.muli %add3A_649, %mul3A_902 : i32
      %add3A_904 = arith.constant 8 : i32
      %add3A_905 = arith.addi %mul3A_903, %add3A_904 : i32
      %get3A_906 = arith.index_cast %add3A_905 : i32 to index
      %get3A_907 = arith.constant 16 : index
      %get3A_908 = tpu.vector_load %arg6[%get3A_906, %get3A_907] {strides = array<i32>} : memref<768x64xf32, #tpu.memory_space<vmem>>, vector<1x16xf32>,
      %get3A_909 = vector.shape_cast %get3A_908 : vector<1x16xf32> to vector<16xf32>
      %add3A_910 = arith.addf %add3A_901, %get3A_909 : vector<16xf32>
      %mul3A_911 = arith.constant 24 : i32
      %mul3A_912 = arith.muli %add3A_649, %mul3A_911 : i32
      %add3A_913 = arith.constant 9 : i32
      %add3A_914 = arith.addi %mul3A_912, %add3A_913 : i32
      %get3A_915 = arith.index_cast %add3A_914 : i32 to index
      %get3A_916 = arith.constant 16 : index
      %get3A_917 = tpu.vector_load %arg6[%get3A_915, %get3A_916] {strides = array<i32>} : memref<768x64xf32, #tpu.memory_space<vmem>>, vector<1x16xf32>,
      %get3A_918 = vector.shape_cast %get3A_917 : vector<1x16xf32> to vector<16xf32>
      %add3A_919 = arith.addf %add3A_910, %get3A_918 : vector<16xf32>
      %mul3A_920 = arith.constant 24 : i32
      %mul3A_921 = arith.muli %add3A_649, %mul3A_920 : i32
      %add3A_922 = arith.constant 10 : i32
      %add3A_923 = arith.addi %mul3A_921, %add3A_922 : i32
      %get3A_924 = arith.index_cast %add3A_923 : i32 to index
      %get3A_925 = arith.constant 16 : index
      %get3A_926 = tpu.vector_load %arg6[%get3A_924, %get3A_925] {strides = array<i32>} : memref<768x64xf32, #tpu.memory_space<vmem>>, vector<1x16xf32>,
      %get3A_927 = vector.shape_cast %get3A_926 : vector<1x16xf32> to vector<16xf32>
      %add3A_928 = arith.addf %add3A_919, %get3A_927 : vector<16xf32>
      %mul3A_929 = arith.constant 24 : i32
      %mul3A_930 = arith.muli %add3A_649, %mul3A_929 : i32
      %add3A_931 = arith.constant 11 : i32
      %add3A_932 = arith.addi %mul3A_930, %add3A_931 : i32
      %get3A_933 = arith.index_cast %add3A_932 : i32 to index
      %get3A_934 = arith.constant 16 : index
      %get3A_935 = tpu.vector_load %arg6[%get3A_933, %get3A_934] {strides = array<i32>} : memref<768x64xf32, #tpu.memory_space<vmem>>, vector<1x16xf32>,
      %get3A_936 = vector.shape_cast %get3A_935 : vector<1x16xf32> to vector<16xf32>
      %add3A_937 = arith.addf %add3A_928, %get3A_936 : vector<16xf32>
      %mul3A_938 = arith.constant 24 : i32
      %mul3A_939 = arith.muli %add3A_649, %mul3A_938 : i32
      %add3A_940 = arith.constant 12 : i32
      %add3A_941 = arith.addi %mul3A_939, %add3A_940 : i32
      %get3A_942 = arith.index_cast %add3A_941 : i32 to index
      %get3A_943 = arith.constant 16 : index
      %get3A_944 = tpu.vector_load %arg6[%get3A_942, %get3A_943] {strides = array<i32>} : memref<768x64xf32, #tpu.memory_space<vmem>>, vector<1x16xf32>,
      %get3A_945 = vector.shape_cast %get3A_944 : vector<1x16xf32> to vector<16xf32>
      %add3A_946 = arith.addf %add3A_937, %get3A_945 : vector<16xf32>
      %mul3A_947 = arith.constant 24 : i32
      %mul3A_948 = arith.muli %add3A_649, %mul3A_947 : i32
      %add3A_949 = arith.constant 13 : i32
      %add3A_950 = arith.addi %mul3A_948, %add3A_949 : i32
      %get3A_951 = arith.index_cast %add3A_950 : i32 to index
      %get3A_952 = arith.constant 16 : index
      %get3A_953 = tpu.vector_load %arg6[%get3A_951, %get3A_952] {strides = array<i32>} : memref<768x64xf32, #tpu.memory_space<vmem>>, vector<1x16xf32>,
      %get3A_954 = vector.shape_cast %get3A_953 : vector<1x16xf32> to vector<16xf32>
      %add3A_955 = arith.addf %add3A_946, %get3A_954 : vector<16xf32>
      %mul3A_956 = arith.constant 24 : i32
      %mul3A_957 = arith.muli %add3A_649, %mul3A_956 : i32
      %add3A_958 = arith.constant 14 : i32
      %add3A_959 = arith.addi %mul3A_957, %add3A_958 : i32
      %get3A_960 = arith.index_cast %add3A_959 : i32 to index
      %get3A_961 = arith.constant 16 : index
      %get3A_962 = tpu.vector_load %arg6[%get3A_960, %get3A_961] {strides = array<i32>} : memref<768x64xf32, #tpu.memory_space<vmem>>, vector<1x16xf32>,
      %get3A_963 = vector.shape_cast %get3A_962 : vector<1x16xf32> to vector<16xf32>
      %add3A_964 = arith.addf %add3A_955, %get3A_963 : vector<16xf32>
      %mul3A_965 = arith.constant 24 : i32
      %mul3A_966 = arith.muli %add3A_649, %mul3A_965 : i32
      %add3A_967 = arith.constant 15 : i32
      %add3A_968 = arith.addi %mul3A_966, %add3A_967 : i32
      %get3A_969 = arith.index_cast %add3A_968 : i32 to index
      %get3A_970 = arith.constant 16 : index
      %get3A_971 = tpu.vector_load %arg6[%get3A_969, %get3A_970] {strides = array<i32>} : memref<768x64xf32, #tpu.memory_space<vmem>>, vector<1x16xf32>,
      %get3A_972 = vector.shape_cast %get3A_971 : vector<1x16xf32> to vector<16xf32>
      %add3A_973 = arith.addf %add3A_964, %get3A_972 : vector<16xf32>
      %mul3A_974 = arith.constant 24 : i32
      %mul3A_975 = arith.muli %add3A_649, %mul3A_974 : i32
      %add3A_976 = arith.constant 16 : i32
      %add3A_977 = arith.addi %mul3A_975, %add3A_976 : i32
      %get3A_978 = arith.index_cast %add3A_977 : i32 to index
      %get3A_979 = arith.constant 16 : index
      %get3A_980 = tpu.vector_load %arg6[%get3A_978, %get3A_979] {strides = array<i32>} : memref<768x64xf32, #tpu.memory_space<vmem>>, vector<1x16xf32>,
      %get3A_981 = vector.shape_cast %get3A_980 : vector<1x16xf32> to vector<16xf32>
      %add3A_982 = arith.addf %add3A_973, %get3A_981 : vector<16xf32>
      %mul3A_983 = arith.constant 24 : i32
      %mul3A_984 = arith.muli %add3A_649, %mul3A_983 : i32
      %add3A_985 = arith.constant 17 : i32
      %add3A_986 = arith.addi %mul3A_984, %add3A_985 : i32
      %get3A_987 = arith.index_cast %add3A_986 : i32 to index
      %get3A_988 = arith.constant 16 : index
      %get3A_989 = tpu.vector_load %arg6[%get3A_987, %get3A_988] {strides = array<i32>} : memref<768x64xf32, #tpu.memory_space<vmem>>, vector<1x16xf32>,
      %get3A_990 = vector.shape_cast %get3A_989 : vector<1x16xf32> to vector<16xf32>
      %add3A_991 = arith.addf %add3A_982, %get3A_990 : vector<16xf32>
      %mul3A_992 = arith.constant 24 : i32
      %mul3A_993 = arith.muli %add3A_649, %mul3A_992 : i32
      %add3A_994 = arith.constant 18 : i32
      %add3A_995 = arith.addi %mul3A_993, %add3A_994 : i32
      %get3A_996 = arith.index_cast %add3A_995 : i32 to index
      %get3A_997 = arith.constant 16 : index
      %get3A_998 = tpu.vector_load %arg6[%get3A_996, %get3A_997] {strides = array<i32>} : memref<768x64xf32, #tpu.memory_space<vmem>>, vector<1x16xf32>,
      %get3A_999 = vector.shape_cast %get3A_998 : vector<1x16xf32> to vector<16xf32>
      %add3A_1000 = arith.addf %add3A_991, %get3A_999 : vector<16xf32>
      %mul3A_1001 = arith.constant 24 : i32
      %mul3A_1002 = arith.muli %add3A_649, %mul3A_1001 : i32
      %add3A_1003 = arith.constant 19 : i32
      %add3A_1004 = arith.addi %mul3A_1002, %add3A_1003 : i32
      %get3A_1005 = arith.index_cast %add3A_1004 : i32 to index
      %get3A_1006 = arith.constant 16 : index
      %get3A_1007 = tpu.vector_load %arg6[%get3A_1005, %get3A_1006] {strides = array<i32>} : memref<768x64xf32, #tpu.memory_space<vmem>>, vector<1x16xf32>,
      %get3A_1008 = vector.shape_cast %get3A_1007 : vector<1x16xf32> to vector<16xf32>
      %add3A_1009 = arith.addf %add3A_1000, %get3A_1008 : vector<16xf32>
      %mul3A_1010 = arith.constant 5.000000e-02 : f32
      %mul3A_1011 = vector.broadcast %mul3A_1010 : f32 to vector<16xf32>
      %mul3A_1012 = arith.mulf %add3A_1009, %mul3A_1011 : vector<16xf32>
      %swap3A_1013 = arith.index_cast %add3A_649 : i32 to index
      %swap3A_1014 = arith.constant 16 : index
      %swap3A_1015 = tpu.vector_load %arg7[%swap3A_1013, %swap3A_1014] {strides = array<i32>} : memref<32x64xf32, #tpu.memory_space<vmem>>, vector<1x16xf32>,
      %swap3A_1016 = vector.shape_cast %swap3A_1015 : vector<1x16xf32> to vector<16xf32>
      %swap3A_1017 = vector.shape_cast %mul3A_1012 : vector<16xf32> to vector<1x16xf32>
      tpu.vector_store %arg7[%swap3A_1013, %swap3A_1014], %swap3A_1017 {strides = array<i32>} : memref<32x64xf32, #tpu.memory_space<vmem>>, vector<1x16xf32>,
      %mul3A_1018 = arith.constant 24 : i32
      %mul3A_1019 = arith.muli %add3A_649, %mul3A_1018 : i32
      %get3A_1020 = arith.index_cast %mul3A_1019 : i32 to index
      %get3A_1021 = arith.constant 32 : index
      %get3A_1022 = tpu.vector_load %arg6[%get3A_1020, %get3A_1021] {strides = array<i32>} : memref<768x64xf32, #tpu.memory_space<vmem>>, vector<1x16xf32>,
      %get3A_1023 = vector.shape_cast %get3A_1022 : vector<1x16xf32> to vector<16xf32>
      %mul3A_1024 = arith.constant 24 : i32
      %mul3A_1025 = arith.muli %add3A_649, %mul3A_1024 : i32
      %add3A_1026 = arith.constant 1 : i32
      %add3A_1027 = arith.addi %mul3A_1025, %add3A_1026 : i32
      %get3A_1028 = arith.index_cast %add3A_1027 : i32 to index
      %get3A_1029 = arith.constant 32 : index
      %get3A_1030 = tpu.vector_load %arg6[%get3A_1028, %get3A_1029] {strides = array<i32>} : memref<768x64xf32, #tpu.memory_space<vmem>>, vector<1x16xf32>,
      %get3A_1031 = vector.shape_cast %get3A_1030 : vector<1x16xf32> to vector<16xf32>
      %add3A_1032 = arith.addf %get3A_1023, %get3A_1031 : vector<16xf32>
      %mul3A_1033 = arith.constant 24 : i32
      %mul3A_1034 = arith.muli %add3A_649, %mul3A_1033 : i32
      %add3A_1035 = arith.constant 2 : i32
      %add3A_1036 = arith.addi %mul3A_1034, %add3A_1035 : i32
      %get3A_1037 = arith.index_cast %add3A_1036 : i32 to index
      %get3A_1038 = arith.constant 32 : index
      %get3A_1039 = tpu.vector_load %arg6[%get3A_1037, %get3A_1038] {strides = array<i32>} : memref<768x64xf32, #tpu.memory_space<vmem>>, vector<1x16xf32>,
      %get3A_1040 = vector.shape_cast %get3A_1039 : vector<1x16xf32> to vector<16xf32>
      %add3A_1041 = arith.addf %add3A_1032, %get3A_1040 : vector<16xf32>
      %mul3A_1042 = arith.constant 24 : i32
      %mul3A_1043 = arith.muli %add3A_649, %mul3A_1042 : i32
      %add3A_1044 = arith.constant 3 : i32
      %add3A_1045 = arith.addi %mul3A_1043, %add3A_1044 : i32
      %get3A_1046 = arith.index_cast %add3A_1045 : i32 to index
      %get3A_1047 = arith.constant 32 : index
      %get3A_1048 = tpu.vector_load %arg6[%get3A_1046, %get3A_1047] {strides = array<i32>} : memref<768x64xf32, #tpu.memory_space<vmem>>, vector<1x16xf32>,
      %get3A_1049 = vector.shape_cast %get3A_1048 : vector<1x16xf32> to vector<16xf32>
      %add3A_1050 = arith.addf %add3A_1041, %get3A_1049 : vector<16xf32>
      %mul3A_1051 = arith.constant 24 : i32
      %mul3A_1052 = arith.muli %add3A_649, %mul3A_1051 : i32
      %add3A_1053 = arith.constant 4 : i32
      %add3A_1054 = arith.addi %mul3A_1052, %add3A_1053 : i32
      %get3A_1055 = arith.index_cast %add3A_1054 : i32 to index
      %get3A_1056 = arith.constant 32 : index
      %get3A_1057 = tpu.vector_load %arg6[%get3A_1055, %get3A_1056] {strides = array<i32>} : memref<768x64xf32, #tpu.memory_space<vmem>>, vector<1x16xf32>,
      %get3A_1058 = vector.shape_cast %get3A_1057 : vector<1x16xf32> to vector<16xf32>
      %add3A_1059 = arith.addf %add3A_1050, %get3A_1058 : vector<16xf32>
      %mul3A_1060 = arith.constant 24 : i32
      %mul3A_1061 = arith.muli %add3A_649, %mul3A_1060 : i32
      %add3A_1062 = arith.constant 5 : i32
      %add3A_1063 = arith.addi %mul3A_1061, %add3A_1062 : i32
      %get3A_1064 = arith.index_cast %add3A_1063 : i32 to index
      %get3A_1065 = arith.constant 32 : index
      %get3A_1066 = tpu.vector_load %arg6[%get3A_1064, %get3A_1065] {strides = array<i32>} : memref<768x64xf32, #tpu.memory_space<vmem>>, vector<1x16xf32>,
      %get3A_1067 = vector.shape_cast %get3A_1066 : vector<1x16xf32> to vector<16xf32>
      %add3A_1068 = arith.addf %add3A_1059, %get3A_1067 : vector<16xf32>
      %mul3A_1069 = arith.constant 24 : i32
      %mul3A_1070 = arith.muli %add3A_649, %mul3A_1069 : i32
      %add3A_1071 = arith.constant 6 : i32
      %add3A_1072 = arith.addi %mul3A_1070, %add3A_1071 : i32
      %get3A_1073 = arith.index_cast %add3A_1072 : i32 to index
      %get3A_1074 = arith.constant 32 : index
      %get3A_1075 = tpu.vector_load %arg6[%get3A_1073, %get3A_1074] {strides = array<i32>} : memref<768x64xf32, #tpu.memory_space<vmem>>, vector<1x16xf32>,
      %get3A_1076 = vector.shape_cast %get3A_1075 : vector<1x16xf32> to vector<16xf32>
      %add3A_1077 = arith.addf %add3A_1068, %get3A_1076 : vector<16xf32>
      %mul3A_1078 = arith.constant 24 : i32
      %mul3A_1079 = arith.muli %add3A_649, %mul3A_1078 : i32
      %add3A_1080 = arith.constant 7 : i32
      %add3A_1081 = arith.addi %mul3A_1079, %add3A_1080 : i32
      %get3A_1082 = arith.index_cast %add3A_1081 : i32 to index
      %get3A_1083 = arith.constant 32 : index
      %get3A_1084 = tpu.vector_load %arg6[%get3A_1082, %get3A_1083] {strides = array<i32>} : memref<768x64xf32, #tpu.memory_space<vmem>>, vector<1x16xf32>,
      %get3A_1085 = vector.shape_cast %get3A_1084 : vector<1x16xf32> to vector<16xf32>
      %add3A_1086 = arith.addf %add3A_1077, %get3A_1085 : vector<16xf32>
      %mul3A_1087 = arith.constant 24 : i32
      %mul3A_1088 = arith.muli %add3A_649, %mul3A_1087 : i32
      %add3A_1089 = arith.constant 8 : i32
      %add3A_1090 = arith.addi %mul3A_1088, %add3A_1089 : i32
      %get3A_1091 = arith.index_cast %add3A_1090 : i32 to index
      %get3A_1092 = arith.constant 32 : index
      %get3A_1093 = tpu.vector_load %arg6[%get3A_1091, %get3A_1092] {strides = array<i32>} : memref<768x64xf32, #tpu.memory_space<vmem>>, vector<1x16xf32>,
      %get3A_1094 = vector.shape_cast %get3A_1093 : vector<1x16xf32> to vector<16xf32>
      %add3A_1095 = arith.addf %add3A_1086, %get3A_1094 : vector<16xf32>
      %mul3A_1096 = arith.constant 24 : i32
      %mul3A_1097 = arith.muli %add3A_649, %mul3A_1096 : i32
      %add3A_1098 = arith.constant 9 : i32
      %add3A_1099 = arith.addi %mul3A_1097, %add3A_1098 : i32
      %get3A_1100 = arith.index_cast %add3A_1099 : i32 to index
      %get3A_1101 = arith.constant 32 : index
      %get3A_1102 = tpu.vector_load %arg6[%get3A_1100, %get3A_1101] {strides = array<i32>} : memref<768x64xf32, #tpu.memory_space<vmem>>, vector<1x16xf32>,
      %get3A_1103 = vector.shape_cast %get3A_1102 : vector<1x16xf32> to vector<16xf32>
      %add3A_1104 = arith.addf %add3A_1095, %get3A_1103 : vector<16xf32>
      %mul3A_1105 = arith.constant 24 : i32
      %mul3A_1106 = arith.muli %add3A_649, %mul3A_1105 : i32
      %add3A_1107 = arith.constant 10 : i32
      %add3A_1108 = arith.addi %mul3A_1106, %add3A_1107 : i32
      %get3A_1109 = arith.index_cast %add3A_1108 : i32 to index
      %get3A_1110 = arith.constant 32 : index
      %get3A_1111 = tpu.vector_load %arg6[%get3A_1109, %get3A_1110] {strides = array<i32>} : memref<768x64xf32, #tpu.memory_space<vmem>>, vector<1x16xf32>,
      %get3A_1112 = vector.shape_cast %get3A_1111 : vector<1x16xf32> to vector<16xf32>
      %add3A_1113 = arith.addf %add3A_1104, %get3A_1112 : vector<16xf32>
      %mul3A_1114 = arith.constant 24 : i32
      %mul3A_1115 = arith.muli %add3A_649, %mul3A_1114 : i32
      %add3A_1116 = arith.constant 11 : i32
      %add3A_1117 = arith.addi %mul3A_1115, %add3A_1116 : i32
      %get3A_1118 = arith.index_cast %add3A_1117 : i32 to index
      %get3A_1119 = arith.constant 32 : index
      %get3A_1120 = tpu.vector_load %arg6[%get3A_1118, %get3A_1119] {strides = array<i32>} : memref<768x64xf32, #tpu.memory_space<vmem>>, vector<1x16xf32>,
      %get3A_1121 = vector.shape_cast %get3A_1120 : vector<1x16xf32> to vector<16xf32>
      %add3A_1122 = arith.addf %add3A_1113, %get3A_1121 : vector<16xf32>
      %mul3A_1123 = arith.constant 24 : i32
      %mul3A_1124 = arith.muli %add3A_649, %mul3A_1123 : i32
      %add3A_1125 = arith.constant 12 : i32
      %add3A_1126 = arith.addi %mul3A_1124, %add3A_1125 : i32
      %get3A_1127 = arith.index_cast %add3A_1126 : i32 to index
      %get3A_1128 = arith.constant 32 : index
      %get3A_1129 = tpu.vector_load %arg6[%get3A_1127, %get3A_1128] {strides = array<i32>} : memref<768x64xf32, #tpu.memory_space<vmem>>, vector<1x16xf32>,
      %get3A_1130 = vector.shape_cast %get3A_1129 : vector<1x16xf32> to vector<16xf32>
      %add3A_1131 = arith.addf %add3A_1122, %get3A_1130 : vector<16xf32>
      %mul3A_1132 = arith.constant 24 : i32
      %mul3A_1133 = arith.muli %add3A_649, %mul3A_1132 : i32
      %add3A_1134 = arith.constant 13 : i32
      %add3A_1135 = arith.addi %mul3A_1133, %add3A_1134 : i32
      %get3A_1136 = arith.index_cast %add3A_1135 : i32 to index
      %get3A_1137 = arith.constant 32 : index
      %get3A_1138 = tpu.vector_load %arg6[%get3A_1136, %get3A_1137] {strides = array<i32>} : memref<768x64xf32, #tpu.memory_space<vmem>>, vector<1x16xf32>,
      %get3A_1139 = vector.shape_cast %get3A_1138 : vector<1x16xf32> to vector<16xf32>
      %add3A_1140 = arith.addf %add3A_1131, %get3A_1139 : vector<16xf32>
      %mul3A_1141 = arith.constant 24 : i32
      %mul3A_1142 = arith.muli %add3A_649, %mul3A_1141 : i32
      %add3A_1143 = arith.constant 14 : i32
      %add3A_1144 = arith.addi %mul3A_1142, %add3A_1143 : i32
      %get3A_1145 = arith.index_cast %add3A_1144 : i32 to index
      %get3A_1146 = arith.constant 32 : index
      %get3A_1147 = tpu.vector_load %arg6[%get3A_1145, %get3A_1146] {strides = array<i32>} : memref<768x64xf32, #tpu.memory_space<vmem>>, vector<1x16xf32>,
      %get3A_1148 = vector.shape_cast %get3A_1147 : vector<1x16xf32> to vector<16xf32>
      %add3A_1149 = arith.addf %add3A_1140, %get3A_1148 : vector<16xf32>
      %mul3A_1150 = arith.constant 24 : i32
      %mul3A_1151 = arith.muli %add3A_649, %mul3A_1150 : i32
      %add3A_1152 = arith.constant 15 : i32
      %add3A_1153 = arith.addi %mul3A_1151, %add3A_1152 : i32
      %get3A_1154 = arith.index_cast %add3A_1153 : i32 to index
      %get3A_1155 = arith.constant 32 : index
      %get3A_1156 = tpu.vector_load %arg6[%get3A_1154, %get3A_1155] {strides = array<i32>} : memref<768x64xf32, #tpu.memory_space<vmem>>, vector<1x16xf32>,
      %get3A_1157 = vector.shape_cast %get3A_1156 : vector<1x16xf32> to vector<16xf32>
      %add3A_1158 = arith.addf %add3A_1149, %get3A_1157 : vector<16xf32>
      %mul3A_1159 = arith.constant 24 : i32
      %mul3A_1160 = arith.muli %add3A_649, %mul3A_1159 : i32
      %add3A_1161 = arith.constant 16 : i32
      %add3A_1162 = arith.addi %mul3A_1160, %add3A_1161 : i32
      %get3A_1163 = arith.index_cast %add3A_1162 : i32 to index
      %get3A_1164 = arith.constant 32 : index
      %get3A_1165 = tpu.vector_load %arg6[%get3A_1163, %get3A_1164] {strides = array<i32>} : memref<768x64xf32, #tpu.memory_space<vmem>>, vector<1x16xf32>,
      %get3A_1166 = vector.shape_cast %get3A_1165 : vector<1x16xf32> to vector<16xf32>
      %add3A_1167 = arith.addf %add3A_1158, %get3A_1166 : vector<16xf32>
      %mul3A_1168 = arith.constant 24 : i32
      %mul3A_1169 = arith.muli %add3A_649, %mul3A_1168 : i32
      %add3A_1170 = arith.constant 17 : i32
      %add3A_1171 = arith.addi %mul3A_1169, %add3A_1170 : i32
      %get3A_1172 = arith.index_cast %add3A_1171 : i32 to index
      %get3A_1173 = arith.constant 32 : index
      %get3A_1174 = tpu.vector_load %arg6[%get3A_1172, %get3A_1173] {strides = array<i32>} : memref<768x64xf32, #tpu.memory_space<vmem>>, vector<1x16xf32>,
      %get3A_1175 = vector.shape_cast %get3A_1174 : vector<1x16xf32> to vector<16xf32>
      %add3A_1176 = arith.addf %add3A_1167, %get3A_1175 : vector<16xf32>
      %mul3A_1177 = arith.constant 24 : i32
      %mul3A_1178 = arith.muli %add3A_649, %mul3A_1177 : i32
      %add3A_1179 = arith.constant 18 : i32
      %add3A_1180 = arith.addi %mul3A_1178, %add3A_1179 : i32
      %get3A_1181 = arith.index_cast %add3A_1180 : i32 to index
      %get3A_1182 = arith.constant 32 : index
      %get3A_1183 = tpu.vector_load %arg6[%get3A_1181, %get3A_1182] {strides = array<i32>} : memref<768x64xf32, #tpu.memory_space<vmem>>, vector<1x16xf32>,
      %get3A_1184 = vector.shape_cast %get3A_1183 : vector<1x16xf32> to vector<16xf32>
      %add3A_1185 = arith.addf %add3A_1176, %get3A_1184 : vector<16xf32>
      %mul3A_1186 = arith.constant 24 : i32
      %mul3A_1187 = arith.muli %add3A_649, %mul3A_1186 : i32
      %add3A_1188 = arith.constant 19 : i32
      %add3A_1189 = arith.addi %mul3A_1187, %add3A_1188 : i32
      %get3A_1190 = arith.index_cast %add3A_1189 : i32 to index
      %get3A_1191 = arith.constant 32 : index
      %get3A_1192 = tpu.vector_load %arg6[%get3A_1190, %get3A_1191] {strides = array<i32>} : memref<768x64xf32, #tpu.memory_space<vmem>>, vector<1x16xf32>,
      %get3A_1193 = vector.shape_cast %get3A_1192 : vector<1x16xf32> to vector<16xf32>
      %add3A_1194 = arith.addf %add3A_1185, %get3A_1193 : vector<16xf32>
      %mul3A_1195 = arith.constant 5.000000e-02 : f32
      %mul3A_1196 = vector.broadcast %mul3A_1195 : f32 to vector<16xf32>
      %mul3A_1197 = arith.mulf %add3A_1194, %mul3A_1196 : vector<16xf32>
      %swap3A_1198 = arith.index_cast %add3A_649 : i32 to index
      %swap3A_1199 = arith.constant 32 : index
      %swap3A_1200 = tpu.vector_load %arg7[%swap3A_1198, %swap3A_1199] {strides = array<i32>} : memref<32x64xf32, #tpu.memory_space<vmem>>, vector<1x16xf32>,
      %swap3A_1201 = vector.shape_cast %swap3A_1200 : vector<1x16xf32> to vector<16xf32>
      %swap3A_1202 = vector.shape_cast %mul3A_1197 : vector<16xf32> to vector<1x16xf32>
      tpu.vector_store %arg7[%swap3A_1198, %swap3A_1199], %swap3A_1202 {strides = array<i32>} : memref<32x64xf32, #tpu.memory_space<vmem>>, vector<1x16xf32>,
      %mul3A_1203 = arith.constant 24 : i32
      %mul3A_1204 = arith.muli %add3A_649, %mul3A_1203 : i32
      %get3A_1205 = arith.index_cast %mul3A_1204 : i32 to index
      %get3A_1206 = arith.constant 48 : index
      %get3A_1207 = tpu.vector_load %arg6[%get3A_1205, %get3A_1206] {strides = array<i32>} : memref<768x64xf32, #tpu.memory_space<vmem>>, vector<1x16xf32>,
      %get3A_1208 = vector.shape_cast %get3A_1207 : vector<1x16xf32> to vector<16xf32>
      %mul3A_1209 = arith.constant 24 : i32
      %mul3A_1210 = arith.muli %add3A_649, %mul3A_1209 : i32
      %add3A_1211 = arith.constant 1 : i32
      %add3A_1212 = arith.addi %mul3A_1210, %add3A_1211 : i32
      %get3A_1213 = arith.index_cast %add3A_1212 : i32 to index
      %get3A_1214 = arith.constant 48 : index
      %get3A_1215 = tpu.vector_load %arg6[%get3A_1213, %get3A_1214] {strides = array<i32>} : memref<768x64xf32, #tpu.memory_space<vmem>>, vector<1x16xf32>,
      %get3A_1216 = vector.shape_cast %get3A_1215 : vector<1x16xf32> to vector<16xf32>
      %add3A_1217 = arith.addf %get3A_1208, %get3A_1216 : vector<16xf32>
      %mul3A_1218 = arith.constant 24 : i32
      %mul3A_1219 = arith.muli %add3A_649, %mul3A_1218 : i32
      %add3A_1220 = arith.constant 2 : i32
      %add3A_1221 = arith.addi %mul3A_1219, %add3A_1220 : i32
      %get3A_1222 = arith.index_cast %add3A_1221 : i32 to index
      %get3A_1223 = arith.constant 48 : index
      %get3A_1224 = tpu.vector_load %arg6[%get3A_1222, %get3A_1223] {strides = array<i32>} : memref<768x64xf32, #tpu.memory_space<vmem>>, vector<1x16xf32>,
      %get3A_1225 = vector.shape_cast %get3A_1224 : vector<1x16xf32> to vector<16xf32>
      %add3A_1226 = arith.addf %add3A_1217, %get3A_1225 : vector<16xf32>
      %mul3A_1227 = arith.constant 24 : i32
      %mul3A_1228 = arith.muli %add3A_649, %mul3A_1227 : i32
      %add3A_1229 = arith.constant 3 : i32
      %add3A_1230 = arith.addi %mul3A_1228, %add3A_1229 : i32
      %get3A_1231 = arith.index_cast %add3A_1230 : i32 to index
      %get3A_1232 = arith.constant 48 : index
      %get3A_1233 = tpu.vector_load %arg6[%get3A_1231, %get3A_1232] {strides = array<i32>} : memref<768x64xf32, #tpu.memory_space<vmem>>, vector<1x16xf32>,
      %get3A_1234 = vector.shape_cast %get3A_1233 : vector<1x16xf32> to vector<16xf32>
      %add3A_1235 = arith.addf %add3A_1226, %get3A_1234 : vector<16xf32>
      %mul3A_1236 = arith.constant 24 : i32
      %mul3A_1237 = arith.muli %add3A_649, %mul3A_1236 : i32
      %add3A_1238 = arith.constant 4 : i32
      %add3A_1239 = arith.addi %mul3A_1237, %add3A_1238 : i32
      %get3A_1240 = arith.index_cast %add3A_1239 : i32 to index
      %get3A_1241 = arith.constant 48 : index
      %get3A_1242 = tpu.vector_load %arg6[%get3A_1240, %get3A_1241] {strides = array<i32>} : memref<768x64xf32, #tpu.memory_space<vmem>>, vector<1x16xf32>,
      %get3A_1243 = vector.shape_cast %get3A_1242 : vector<1x16xf32> to vector<16xf32>
      %add3A_1244 = arith.addf %add3A_1235, %get3A_1243 : vector<16xf32>
      %mul3A_1245 = arith.constant 24 : i32
      %mul3A_1246 = arith.muli %add3A_649, %mul3A_1245 : i32
      %add3A_1247 = arith.constant 5 : i32
      %add3A_1248 = arith.addi %mul3A_1246, %add3A_1247 : i32
      %get3A_1249 = arith.index_cast %add3A_1248 : i32 to index
      %get3A_1250 = arith.constant 48 : index
      %get3A_1251 = tpu.vector_load %arg6[%get3A_1249, %get3A_1250] {strides = array<i32>} : memref<768x64xf32, #tpu.memory_space<vmem>>, vector<1x16xf32>,
      %get3A_1252 = vector.shape_cast %get3A_1251 : vector<1x16xf32> to vector<16xf32>
      %add3A_1253 = arith.addf %add3A_1244, %get3A_1252 : vector<16xf32>
      %mul3A_1254 = arith.constant 24 : i32
      %mul3A_1255 = arith.muli %add3A_649, %mul3A_1254 : i32
      %add3A_1256 = arith.constant 6 : i32
      %add3A_1257 = arith.addi %mul3A_1255, %add3A_1256 : i32
      %get3A_1258 = arith.index_cast %add3A_1257 : i32 to index
      %get3A_1259 = arith.constant 48 : index
      %get3A_1260 = tpu.vector_load %arg6[%get3A_1258, %get3A_1259] {strides = array<i32>} : memref<768x64xf32, #tpu.memory_space<vmem>>, vector<1x16xf32>,
      %get3A_1261 = vector.shape_cast %get3A_1260 : vector<1x16xf32> to vector<16xf32>
      %add3A_1262 = arith.addf %add3A_1253, %get3A_1261 : vector<16xf32>
      %mul3A_1263 = arith.constant 24 : i32
      %mul3A_1264 = arith.muli %add3A_649, %mul3A_1263 : i32
      %add3A_1265 = arith.constant 7 : i32
      %add3A_1266 = arith.addi %mul3A_1264, %add3A_1265 : i32
      %get3A_1267 = arith.index_cast %add3A_1266 : i32 to index
      %get3A_1268 = arith.constant 48 : index
      %get3A_1269 = tpu.vector_load %arg6[%get3A_1267, %get3A_1268] {strides = array<i32>} : memref<768x64xf32, #tpu.memory_space<vmem>>, vector<1x16xf32>,
      %get3A_1270 = vector.shape_cast %get3A_1269 : vector<1x16xf32> to vector<16xf32>
      %add3A_1271 = arith.addf %add3A_1262, %get3A_1270 : vector<16xf32>
      %mul3A_1272 = arith.constant 24 : i32
      %mul3A_1273 = arith.muli %add3A_649, %mul3A_1272 : i32
      %add3A_1274 = arith.constant 8 : i32
      %add3A_1275 = arith.addi %mul3A_1273, %add3A_1274 : i32
      %get3A_1276 = arith.index_cast %add3A_1275 : i32 to index
      %get3A_1277 = arith.constant 48 : index
      %get3A_1278 = tpu.vector_load %arg6[%get3A_1276, %get3A_1277] {strides = array<i32>} : memref<768x64xf32, #tpu.memory_space<vmem>>, vector<1x16xf32>,
      %get3A_1279 = vector.shape_cast %get3A_1278 : vector<1x16xf32> to vector<16xf32>
      %add3A_1280 = arith.addf %add3A_1271, %get3A_1279 : vector<16xf32>
      %mul3A_1281 = arith.constant 24 : i32
      %mul3A_1282 = arith.muli %add3A_649, %mul3A_1281 : i32
      %add3A_1283 = arith.constant 9 : i32
      %add3A_1284 = arith.addi %mul3A_1282, %add3A_1283 : i32
      %get3A_1285 = arith.index_cast %add3A_1284 : i32 to index
      %get3A_1286 = arith.constant 48 : index
      %get3A_1287 = tpu.vector_load %arg6[%get3A_1285, %get3A_1286] {strides = array<i32>} : memref<768x64xf32, #tpu.memory_space<vmem>>, vector<1x16xf32>,
      %get3A_1288 = vector.shape_cast %get3A_1287 : vector<1x16xf32> to vector<16xf32>
      %add3A_1289 = arith.addf %add3A_1280, %get3A_1288 : vector<16xf32>
      %mul3A_1290 = arith.constant 24 : i32
      %mul3A_1291 = arith.muli %add3A_649, %mul3A_1290 : i32
      %add3A_1292 = arith.constant 10 : i32
      %add3A_1293 = arith.addi %mul3A_1291, %add3A_1292 : i32
      %get3A_1294 = arith.index_cast %add3A_1293 : i32 to index
      %get3A_1295 = arith.constant 48 : index
      %get3A_1296 = tpu.vector_load %arg6[%get3A_1294, %get3A_1295] {strides = array<i32>} : memref<768x64xf32, #tpu.memory_space<vmem>>, vector<1x16xf32>,
      %get3A_1297 = vector.shape_cast %get3A_1296 : vector<1x16xf32> to vector<16xf32>
      %add3A_1298 = arith.addf %add3A_1289, %get3A_1297 : vector<16xf32>
      %mul3A_1299 = arith.constant 24 : i32
      %mul3A_1300 = arith.muli %add3A_649, %mul3A_1299 : i32
      %add3A_1301 = arith.constant 11 : i32
      %add3A_1302 = arith.addi %mul3A_1300, %add3A_1301 : i32
      %get3A_1303 = arith.index_cast %add3A_1302 : i32 to index
      %get3A_1304 = arith.constant 48 : index
      %get3A_1305 = tpu.vector_load %arg6[%get3A_1303, %get3A_1304] {strides = array<i32>} : memref<768x64xf32, #tpu.memory_space<vmem>>, vector<1x16xf32>,
      %get3A_1306 = vector.shape_cast %get3A_1305 : vector<1x16xf32> to vector<16xf32>
      %add3A_1307 = arith.addf %add3A_1298, %get3A_1306 : vector<16xf32>
      %mul3A_1308 = arith.constant 24 : i32
      %mul3A_1309 = arith.muli %add3A_649, %mul3A_1308 : i32
      %add3A_1310 = arith.constant 12 : i32
      %add3A_1311 = arith.addi %mul3A_1309, %add3A_1310 : i32
      %get3A_1312 = arith.index_cast %add3A_1311 : i32 to index
      %get3A_1313 = arith.constant 48 : index
      %get3A_1314 = tpu.vector_load %arg6[%get3A_1312, %get3A_1313] {strides = array<i32>} : memref<768x64xf32, #tpu.memory_space<vmem>>, vector<1x16xf32>,
      %get3A_1315 = vector.shape_cast %get3A_1314 : vector<1x16xf32> to vector<16xf32>
      %add3A_1316 = arith.addf %add3A_1307, %get3A_1315 : vector<16xf32>
      %mul3A_1317 = arith.constant 24 : i32
      %mul3A_1318 = arith.muli %add3A_649, %mul3A_1317 : i32
      %add3A_1319 = arith.constant 13 : i32
      %add3A_1320 = arith.addi %mul3A_1318, %add3A_1319 : i32
      %get3A_1321 = arith.index_cast %add3A_1320 : i32 to index
      %get3A_1322 = arith.constant 48 : index
      %get3A_1323 = tpu.vector_load %arg6[%get3A_1321, %get3A_1322] {strides = array<i32>} : memref<768x64xf32, #tpu.memory_space<vmem>>, vector<1x16xf32>,
      %get3A_1324 = vector.shape_cast %get3A_1323 : vector<1x16xf32> to vector<16xf32>
      %add3A_1325 = arith.addf %add3A_1316, %get3A_1324 : vector<16xf32>
      %mul3A_1326 = arith.constant 24 : i32
      %mul3A_1327 = arith.muli %add3A_649, %mul3A_1326 : i32
      %add3A_1328 = arith.constant 14 : i32
      %add3A_1329 = arith.addi %mul3A_1327, %add3A_1328 : i32
      %get3A_1330 = arith.index_cast %add3A_1329 : i32 to index
      %get3A_1331 = arith.constant 48 : index
      %get3A_1332 = tpu.vector_load %arg6[%get3A_1330, %get3A_1331] {strides = array<i32>} : memref<768x64xf32, #tpu.memory_space<vmem>>, vector<1x16xf32>,
      %get3A_1333 = vector.shape_cast %get3A_1332 : vector<1x16xf32> to vector<16xf32>
      %add3A_1334 = arith.addf %add3A_1325, %get3A_1333 : vector<16xf32>
      %mul3A_1335 = arith.constant 24 : i32
      %mul3A_1336 = arith.muli %add3A_649, %mul3A_1335 : i32
      %add3A_1337 = arith.constant 15 : i32
      %add3A_1338 = arith.addi %mul3A_1336, %add3A_1337 : i32
      %get3A_1339 = arith.index_cast %add3A_1338 : i32 to index
      %get3A_1340 = arith.constant 48 : index
      %get3A_1341 = tpu.vector_load %arg6[%get3A_1339, %get3A_1340] {strides = array<i32>} : memref<768x64xf32, #tpu.memory_space<vmem>>, vector<1x16xf32>,
      %get3A_1342 = vector.shape_cast %get3A_1341 : vector<1x16xf32> to vector<16xf32>
      %add3A_1343 = arith.addf %add3A_1334, %get3A_1342 : vector<16xf32>
      %mul3A_1344 = arith.constant 24 : i32
      %mul3A_1345 = arith.muli %add3A_649, %mul3A_1344 : i32
      %add3A_1346 = arith.constant 16 : i32
      %add3A_1347 = arith.addi %mul3A_1345, %add3A_1346 : i32
      %get3A_1348 = arith.index_cast %add3A_1347 : i32 to index
      %get3A_1349 = arith.constant 48 : index
      %get3A_1350 = tpu.vector_load %arg6[%get3A_1348, %get3A_1349] {strides = array<i32>} : memref<768x64xf32, #tpu.memory_space<vmem>>, vector<1x16xf32>,
      %get3A_1351 = vector.shape_cast %get3A_1350 : vector<1x16xf32> to vector<16xf32>
      %add3A_1352 = arith.addf %add3A_1343, %get3A_1351 : vector<16xf32>
      %mul3A_1353 = arith.constant 24 : i32
      %mul3A_1354 = arith.muli %add3A_649, %mul3A_1353 : i32
      %add3A_1355 = arith.constant 17 : i32
      %add3A_1356 = arith.addi %mul3A_1354, %add3A_1355 : i32
      %get3A_1357 = arith.index_cast %add3A_1356 : i32 to index
      %get3A_1358 = arith.constant 48 : index
      %get3A_1359 = tpu.vector_load %arg6[%get3A_1357, %get3A_1358] {strides = array<i32>} : memref<768x64xf32, #tpu.memory_space<vmem>>, vector<1x16xf32>,
      %get3A_1360 = vector.shape_cast %get3A_1359 : vector<1x16xf32> to vector<16xf32>
      %add3A_1361 = arith.addf %add3A_1352, %get3A_1360 : vector<16xf32>
      %mul3A_1362 = arith.constant 24 : i32
      %mul3A_1363 = arith.muli %add3A_649, %mul3A_1362 : i32
      %add3A_1364 = arith.constant 18 : i32
      %add3A_1365 = arith.addi %mul3A_1363, %add3A_1364 : i32
      %get3A_1366 = arith.index_cast %add3A_1365 : i32 to index
      %get3A_1367 = arith.constant 48 : index
      %get3A_1368 = tpu.vector_load %arg6[%get3A_1366, %get3A_1367] {strides = array<i32>} : memref<768x64xf32, #tpu.memory_space<vmem>>, vector<1x16xf32>,
      %get3A_1369 = vector.shape_cast %get3A_1368 : vector<1x16xf32> to vector<16xf32>
      %add3A_1370 = arith.addf %add3A_1361, %get3A_1369 : vector<16xf32>
      %mul3A_1371 = arith.constant 24 : i32
      %mul3A_1372 = arith.muli %add3A_649, %mul3A_1371 : i32
      %add3A_1373 = arith.constant 19 : i32
      %add3A_1374 = arith.addi %mul3A_1372, %add3A_1373 : i32
      %get3A_1375 = arith.index_cast %add3A_1374 : i32 to index
      %get3A_1376 = arith.constant 48 : index
      %get3A_1377 = tpu.vector_load %arg6[%get3A_1375, %get3A_1376] {strides = array<i32>} : memref<768x64xf32, #tpu.memory_space<vmem>>, vector<1x16xf32>,
      %get3A_1378 = vector.shape_cast %get3A_1377 : vector<1x16xf32> to vector<16xf32>
      %add3A_1379 = arith.addf %add3A_1370, %get3A_1378 : vector<16xf32>
      %mul3A_1380 = arith.constant 5.000000e-02 : f32
      %mul3A_1381 = vector.broadcast %mul3A_1380 : f32 to vector<16xf32>
      %mul3A_1382 = arith.mulf %add3A_1379, %mul3A_1381 : vector<16xf32>
      %swap3A_1383 = arith.index_cast %add3A_649 : i32 to index
      %swap3A_1384 = arith.constant 48 : index
      %swap3A_1385 = tpu.vector_load %arg7[%swap3A_1383, %swap3A_1384] {strides = array<i32>} : memref<32x64xf32, #tpu.memory_space<vmem>>, vector<1x16xf32>,
      %swap3A_1386 = vector.shape_cast %swap3A_1385 : vector<1x16xf32> to vector<16xf32>
      %swap3A_1387 = vector.shape_cast %mul3A_1382 : vector<16xf32> to vector<1x16xf32>
      tpu.vector_store %arg7[%swap3A_1383, %swap3A_1384], %swap3A_1387 {strides = array<i32>} : memref<32x64xf32, #tpu.memory_space<vmem>>, vector<1x16xf32>,
    }
    %scan3A_644 = arith.constant 32 : i32
    "tpu.region"() ({
      %run_scoped3A = tpu.sem_alloc : memref<!tpu.dma_semaphore, #tpu.memory_space<semaphore_mem>>
      %dma_start3A_645 = arith.constant 0 : i32
      %dma_start3A_646 = tpu.memref_slice %arg4[%mul3A_2, %dma_start3A_645] : memref<1024x64xf32, #tpu.memory_space<hbm>> -> memref<32x64xf32, #tpu.memory_space<hbm>>
      %dma_start3A_647 = arith.constant 0 : i32
      %dma_start3A_648 = tpu.memref_slice %arg4[%mul3A_2, %dma_start3A_647] : memref<1024x64xf32, #tpu.memory_space<hbm>> -> memref<32x64xf32, #tpu.memory_space<hbm>>
      tpu.enqueue_dma source(%arg7 : memref<32x64xf32, #tpu.memory_space<vmem>>) target(%dma_start3A_648 : memref<32x64xf32, #tpu.memory_space<hbm>>) target_semaphore(%run_scoped3A : memref<!tpu.dma_semaphore, #tpu.memory_space<semaphore_mem>>)
      %dma_wait3A_649 = arith.constant 0 : i32
      %dma_wait3A_650 = tpu.memref_slice %arg4[%mul3A_2, %dma_wait3A_649] : memref<1024x64xf32, #tpu.memory_space<hbm>> -> memref<32x64xf32, #tpu.memory_space<hbm>>
      %dma_wait3A_651 = arith.constant 0 : i32
      %dma_wait3A_652 = tpu.memref_slice %arg4[%mul3A_2, %dma_wait3A_651] : memref<1024x64xf32, #tpu.memory_space<hbm>> -> memref<32x64xf32, #tpu.memory_space<hbm>>
      tpu.wait_dma2 semaphore(%run_scoped3A : memref<!tpu.dma_semaphore, #tpu.memory_space<semaphore_mem>>) src(%arg7 : memref<32x64xf32, #tpu.memory_space<vmem>>) dst(%dma_wait3A_652 : memref<32x64xf32, #tpu.memory_space<hbm>>)
      tpu.yield
    }) : () -> ()
    return
  }
}

module attributes {stable_mosaic.version = 14 : i64} {
  func.func @_project_body(%arg0: i32, %arg1: memref<1024x64xf32, #tpu.memory_space<vmem>>, %arg2: memref<64x2048xf32, #tpu.memory_space<vmem>>, %arg3: memref<1x1x2048xf32, #tpu.memory_space<vmem>>, %arg4: memref<100000x1024xf32, #tpu.memory_space<any>>, %arg5: memref<3x2048x1024xf32, #tpu.memory_space<vmem>>, %arg6: memref<64x1024xbf16, #tpu.memory_space<vmem>>, %arg7: memref<3x8x!tpu.dma_semaphore, #tpu.memory_space<semaphore_mem>>) attributes {dimension_semantics = [#tpu.dimension_semantics<arbitrary>], iteration_bounds = array<i64: 49>, scalar_prefetch = 0 : i64, scratch_operands = 3 : i64, tpu.core_type = #tpu.core_type<tc>, window_params = [{pipeline_mode = #tpu.pipeline_mode<synchronous>, transform_indices = @transform_0, window_bounds = array<i64: 1024, 64>}, {transform_indices = @transform_1, window_bounds = array<i64: 64, 2048>}, {transform_indices = @transform_2, window_bounds = array<i64: 1, 1, 2048>}, {}]} {
    %rem3A = arith.constant 3 : i32
    %rem3A_0 = arith.remsi %arg0, %rem3A : i32
    %mul3A = arith.constant 2048 : i32
    %mul3A_1 = arith.muli %arg0, %mul3A : i32
    %eq3A = arith.constant 0 : i32
    %eq3A_2 = arith.cmpi eq, %arg0, %eq3A : i32
    %convert_element_type3A = arith.extui %eq3A_2 : i1 to i32
    %cond3A = arith.constant 0 : i32
    %cond3A_3 = arith.cmpi ne, %convert_element_type3A, %cond3A : i32
    scf.if %cond3A_3 {
      %get3A_34 = arith.constant 0 : index
      %get3A_35 = arith.constant 0 : index
      %get3A_36 = vector.load %arg1[%get3A_34, %get3A_35] : memref<1024x64xf32, #tpu.memory_space<vmem>>, vector<1024x64xf32>
      %convert_element_type3A_37 = arith.truncf %get3A_36 : vector<1024x64xf32> to vector<1024x64xbf16>
      %transpose3A_38 = tpu.transpose %convert_element_type3A_37, [1, 0] : vector<1024x64xbf16> -> vector<64x1024xbf16>
      %swap3A_39 = arith.constant 0 : index
      %swap3A_40 = arith.constant 0 : index
      %swap3A_41 = vector.load %arg6[%swap3A_39, %swap3A_40] : memref<64x1024xbf16, #tpu.memory_space<vmem>>, vector<64x1024xbf16>
      tpu.vector_store %arg6[%swap3A_39, %swap3A_40], %transpose3A_38 {strides = array<i32>} : memref<64x1024xbf16, #tpu.memory_space<vmem>>, vector<64x1024xbf16>,
    } else {
    }
    %ge3A = arith.constant 3 : i32
    %ge3A_4 = arith.cmpi sge, %arg0, %ge3A : i32
    %convert_element_type3A_5 = arith.extui %ge3A_4 : i1 to i32
    %cond3A_6 = arith.constant 0 : i32
    %cond3A_7 = arith.cmpi ne, %convert_element_type3A_5, %cond3A_6 : i32
    scf.if %cond3A_7 {
      %dma_wait3A = arith.constant 0 : i32
      %dma_wait3A_34 = tpu.memref_slice %arg7[%rem3A_0, %dma_wait3A] : memref<3x8x!tpu.dma_semaphore, #tpu.memory_space<semaphore_mem>> -> memref<1x1x!tpu.dma_semaphore, #tpu.memory_space<semaphore_mem>>
      %dma_wait3A_35 = tpu.memref_squeeze %dma_wait3A_34 : memref<1x1x!tpu.dma_semaphore, #tpu.memory_space<semaphore_mem>> -> memref<!tpu.dma_semaphore, #tpu.memory_space<semaphore_mem>>
      %dma_wait3A_36 = arith.constant 0 : i32
      %dma_wait3A_37 = arith.constant 0 : i32
      %dma_wait3A_38 = tpu.memref_slice %arg4[%dma_wait3A_36, %dma_wait3A_37] : memref<100000x1024xf32, #tpu.memory_space<any>> -> memref<256x1024xf32, #tpu.memory_space<any>>
      %dma_wait3A_39 = arith.constant 0 : i32
      %dma_wait3A_40 = arith.constant 0 : i32
      %dma_wait3A_41 = tpu.memref_slice %arg5[%rem3A_0, %dma_wait3A_39, %dma_wait3A_40] : memref<3x2048x1024xf32, #tpu.memory_space<vmem>> -> memref<1x256x1024xf32, #tpu.memory_space<vmem>>
      %dma_wait3A_42 = tpu.memref_squeeze %dma_wait3A_41 : memref<1x256x1024xf32, #tpu.memory_space<vmem>> -> memref<256x1024xf32, #tpu.memory_space<vmem>>
      tpu.wait_dma2 semaphore(%dma_wait3A_35 : memref<!tpu.dma_semaphore, #tpu.memory_space<semaphore_mem>>) src(%dma_wait3A_42 : memref<256x1024xf32, #tpu.memory_space<vmem>>) dst(%dma_wait3A_38 : memref<256x1024xf32, #tpu.memory_space<any>>)
      %dma_wait3A_43 = arith.constant 1 : i32
      %dma_wait3A_44 = tpu.memref_slice %arg7[%rem3A_0, %dma_wait3A_43] : memref<3x8x!tpu.dma_semaphore, #tpu.memory_space<semaphore_mem>> -> memref<1x1x!tpu.dma_semaphore, #tpu.memory_space<semaphore_mem>>
      %dma_wait3A_45 = tpu.memref_squeeze %dma_wait3A_44 : memref<1x1x!tpu.dma_semaphore, #tpu.memory_space<semaphore_mem>> -> memref<!tpu.dma_semaphore, #tpu.memory_space<semaphore_mem>>
      %dma_wait3A_46 = arith.constant 256 : i32
      %dma_wait3A_47 = arith.constant 0 : i32
      %dma_wait3A_48 = tpu.memref_slice %arg4[%dma_wait3A_46, %dma_wait3A_47] : memref<100000x1024xf32, #tpu.memory_space<any>> -> memref<256x1024xf32, #tpu.memory_space<any>>
      %dma_wait3A_49 = arith.constant 256 : i32
      %dma_wait3A_50 = arith.constant 0 : i32
      %dma_wait3A_51 = tpu.memref_slice %arg5[%rem3A_0, %dma_wait3A_49, %dma_wait3A_50] : memref<3x2048x1024xf32, #tpu.memory_space<vmem>> -> memref<1x256x1024xf32, #tpu.memory_space<vmem>>
      %dma_wait3A_52 = tpu.memref_squeeze %dma_wait3A_51 : memref<1x256x1024xf32, #tpu.memory_space<vmem>> -> memref<256x1024xf32, #tpu.memory_space<vmem>>
      tpu.wait_dma2 semaphore(%dma_wait3A_45 : memref<!tpu.dma_semaphore, #tpu.memory_space<semaphore_mem>>) src(%dma_wait3A_52 : memref<256x1024xf32, #tpu.memory_space<vmem>>) dst(%dma_wait3A_48 : memref<256x1024xf32, #tpu.memory_space<any>>)
      %dma_wait3A_53 = arith.constant 2 : i32
      %dma_wait3A_54 = tpu.memref_slice %arg7[%rem3A_0, %dma_wait3A_53] : memref<3x8x!tpu.dma_semaphore, #tpu.memory_space<semaphore_mem>> -> memref<1x1x!tpu.dma_semaphore, #tpu.memory_space<semaphore_mem>>
      %dma_wait3A_55 = tpu.memref_squeeze %dma_wait3A_54 : memref<1x1x!tpu.dma_semaphore, #tpu.memory_space<semaphore_mem>> -> memref<!tpu.dma_semaphore, #tpu.memory_space<semaphore_mem>>
      %dma_wait3A_56 = arith.constant 512 : i32
      %dma_wait3A_57 = arith.constant 0 : i32
      %dma_wait3A_58 = tpu.memref_slice %arg4[%dma_wait3A_56, %dma_wait3A_57] : memref<100000x1024xf32, #tpu.memory_space<any>> -> memref<256x1024xf32, #tpu.memory_space<any>>
      %dma_wait3A_59 = arith.constant 512 : i32
      %dma_wait3A_60 = arith.constant 0 : i32
      %dma_wait3A_61 = tpu.memref_slice %arg5[%rem3A_0, %dma_wait3A_59, %dma_wait3A_60] : memref<3x2048x1024xf32, #tpu.memory_space<vmem>> -> memref<1x256x1024xf32, #tpu.memory_space<vmem>>
      %dma_wait3A_62 = tpu.memref_squeeze %dma_wait3A_61 : memref<1x256x1024xf32, #tpu.memory_space<vmem>> -> memref<256x1024xf32, #tpu.memory_space<vmem>>
      tpu.wait_dma2 semaphore(%dma_wait3A_55 : memref<!tpu.dma_semaphore, #tpu.memory_space<semaphore_mem>>) src(%dma_wait3A_62 : memref<256x1024xf32, #tpu.memory_space<vmem>>) dst(%dma_wait3A_58 : memref<256x1024xf32, #tpu.memory_space<any>>)
      %dma_wait3A_63 = arith.constant 3 : i32
      %dma_wait3A_64 = tpu.memref_slice %arg7[%rem3A_0, %dma_wait3A_63] : memref<3x8x!tpu.dma_semaphore, #tpu.memory_space<semaphore_mem>> -> memref<1x1x!tpu.dma_semaphore, #tpu.memory_space<semaphore_mem>>
      %dma_wait3A_65 = tpu.memref_squeeze %dma_wait3A_64 : memref<1x1x!tpu.dma_semaphore, #tpu.memory_space<semaphore_mem>> -> memref<!tpu.dma_semaphore, #tpu.memory_space<semaphore_mem>>
      %dma_wait3A_66 = arith.constant 768 : i32
      %dma_wait3A_67 = arith.constant 0 : i32
      %dma_wait3A_68 = tpu.memref_slice %arg4[%dma_wait3A_66, %dma_wait3A_67] : memref<100000x1024xf32, #tpu.memory_space<any>> -> memref<256x1024xf32, #tpu.memory_space<any>>
      %dma_wait3A_69 = arith.constant 768 : i32
      %dma_wait3A_70 = arith.constant 0 : i32
      %dma_wait3A_71 = tpu.memref_slice %arg5[%rem3A_0, %dma_wait3A_69, %dma_wait3A_70] : memref<3x2048x1024xf32, #tpu.memory_space<vmem>> -> memref<1x256x1024xf32, #tpu.memory_space<vmem>>
      %dma_wait3A_72 = tpu.memref_squeeze %dma_wait3A_71 : memref<1x256x1024xf32, #tpu.memory_space<vmem>> -> memref<256x1024xf32, #tpu.memory_space<vmem>>
      tpu.wait_dma2 semaphore(%dma_wait3A_65 : memref<!tpu.dma_semaphore, #tpu.memory_space<semaphore_mem>>) src(%dma_wait3A_72 : memref<256x1024xf32, #tpu.memory_space<vmem>>) dst(%dma_wait3A_68 : memref<256x1024xf32, #tpu.memory_space<any>>)
      %dma_wait3A_73 = arith.constant 4 : i32
      %dma_wait3A_74 = tpu.memref_slice %arg7[%rem3A_0, %dma_wait3A_73] : memref<3x8x!tpu.dma_semaphore, #tpu.memory_space<semaphore_mem>> -> memref<1x1x!tpu.dma_semaphore, #tpu.memory_space<semaphore_mem>>
      %dma_wait3A_75 = tpu.memref_squeeze %dma_wait3A_74 : memref<1x1x!tpu.dma_semaphore, #tpu.memory_space<semaphore_mem>> -> memref<!tpu.dma_semaphore, #tpu.memory_space<semaphore_mem>>
      %dma_wait3A_76 = arith.constant 1024 : i32
      %dma_wait3A_77 = arith.constant 0 : i32
      %dma_wait3A_78 = tpu.memref_slice %arg4[%dma_wait3A_76, %dma_wait3A_77] : memref<100000x1024xf32, #tpu.memory_space<any>> -> memref<256x1024xf32, #tpu.memory_space<any>>
      %dma_wait3A_79 = arith.constant 1024 : i32
      %dma_wait3A_80 = arith.constant 0 : i32
      %dma_wait3A_81 = tpu.memref_slice %arg5[%rem3A_0, %dma_wait3A_79, %dma_wait3A_80] : memref<3x2048x1024xf32, #tpu.memory_space<vmem>> -> memref<1x256x1024xf32, #tpu.memory_space<vmem>>
      %dma_wait3A_82 = tpu.memref_squeeze %dma_wait3A_81 : memref<1x256x1024xf32, #tpu.memory_space<vmem>> -> memref<256x1024xf32, #tpu.memory_space<vmem>>
      tpu.wait_dma2 semaphore(%dma_wait3A_75 : memref<!tpu.dma_semaphore, #tpu.memory_space<semaphore_mem>>) src(%dma_wait3A_82 : memref<256x1024xf32, #tpu.memory_space<vmem>>) dst(%dma_wait3A_78 : memref<256x1024xf32, #tpu.memory_space<any>>)
      %dma_wait3A_83 = arith.constant 5 : i32
      %dma_wait3A_84 = tpu.memref_slice %arg7[%rem3A_0, %dma_wait3A_83] : memref<3x8x!tpu.dma_semaphore, #tpu.memory_space<semaphore_mem>> -> memref<1x1x!tpu.dma_semaphore, #tpu.memory_space<semaphore_mem>>
      %dma_wait3A_85 = tpu.memref_squeeze %dma_wait3A_84 : memref<1x1x!tpu.dma_semaphore, #tpu.memory_space<semaphore_mem>> -> memref<!tpu.dma_semaphore, #tpu.memory_space<semaphore_mem>>
      %dma_wait3A_86 = arith.constant 1280 : i32
      %dma_wait3A_87 = arith.constant 0 : i32
      %dma_wait3A_88 = tpu.memref_slice %arg4[%dma_wait3A_86, %dma_wait3A_87] : memref<100000x1024xf32, #tpu.memory_space<any>> -> memref<256x1024xf32, #tpu.memory_space<any>>
      %dma_wait3A_89 = arith.constant 1280 : i32
      %dma_wait3A_90 = arith.constant 0 : i32
      %dma_wait3A_91 = tpu.memref_slice %arg5[%rem3A_0, %dma_wait3A_89, %dma_wait3A_90] : memref<3x2048x1024xf32, #tpu.memory_space<vmem>> -> memref<1x256x1024xf32, #tpu.memory_space<vmem>>
      %dma_wait3A_92 = tpu.memref_squeeze %dma_wait3A_91 : memref<1x256x1024xf32, #tpu.memory_space<vmem>> -> memref<256x1024xf32, #tpu.memory_space<vmem>>
      tpu.wait_dma2 semaphore(%dma_wait3A_85 : memref<!tpu.dma_semaphore, #tpu.memory_space<semaphore_mem>>) src(%dma_wait3A_92 : memref<256x1024xf32, #tpu.memory_space<vmem>>) dst(%dma_wait3A_88 : memref<256x1024xf32, #tpu.memory_space<any>>)
      %dma_wait3A_93 = arith.constant 6 : i32
      %dma_wait3A_94 = tpu.memref_slice %arg7[%rem3A_0, %dma_wait3A_93] : memref<3x8x!tpu.dma_semaphore, #tpu.memory_space<semaphore_mem>> -> memref<1x1x!tpu.dma_semaphore, #tpu.memory_space<semaphore_mem>>
      %dma_wait3A_95 = tpu.memref_squeeze %dma_wait3A_94 : memref<1x1x!tpu.dma_semaphore, #tpu.memory_space<semaphore_mem>> -> memref<!tpu.dma_semaphore, #tpu.memory_space<semaphore_mem>>
      %dma_wait3A_96 = arith.constant 1536 : i32
      %dma_wait3A_97 = arith.constant 0 : i32
      %dma_wait3A_98 = tpu.memref_slice %arg4[%dma_wait3A_96, %dma_wait3A_97] : memref<100000x1024xf32, #tpu.memory_space<any>> -> memref<256x1024xf32, #tpu.memory_space<any>>
      %dma_wait3A_99 = arith.constant 1536 : i32
      %dma_wait3A_100 = arith.constant 0 : i32
      %dma_wait3A_101 = tpu.memref_slice %arg5[%rem3A_0, %dma_wait3A_99, %dma_wait3A_100] : memref<3x2048x1024xf32, #tpu.memory_space<vmem>> -> memref<1x256x1024xf32, #tpu.memory_space<vmem>>
      %dma_wait3A_102 = tpu.memref_squeeze %dma_wait3A_101 : memref<1x256x1024xf32, #tpu.memory_space<vmem>> -> memref<256x1024xf32, #tpu.memory_space<vmem>>
      tpu.wait_dma2 semaphore(%dma_wait3A_95 : memref<!tpu.dma_semaphore, #tpu.memory_space<semaphore_mem>>) src(%dma_wait3A_102 : memref<256x1024xf32, #tpu.memory_space<vmem>>) dst(%dma_wait3A_98 : memref<256x1024xf32, #tpu.memory_space<any>>)
      %dma_wait3A_103 = arith.constant 7 : i32
      %dma_wait3A_104 = tpu.memref_slice %arg7[%rem3A_0, %dma_wait3A_103] : memref<3x8x!tpu.dma_semaphore, #tpu.memory_space<semaphore_mem>> -> memref<1x1x!tpu.dma_semaphore, #tpu.memory_space<semaphore_mem>>
      %dma_wait3A_105 = tpu.memref_squeeze %dma_wait3A_104 : memref<1x1x!tpu.dma_semaphore, #tpu.memory_space<semaphore_mem>> -> memref<!tpu.dma_semaphore, #tpu.memory_space<semaphore_mem>>
      %dma_wait3A_106 = arith.constant 1792 : i32
      %dma_wait3A_107 = arith.constant 0 : i32
      %dma_wait3A_108 = tpu.memref_slice %arg4[%dma_wait3A_106, %dma_wait3A_107] : memref<100000x1024xf32, #tpu.memory_space<any>> -> memref<256x1024xf32, #tpu.memory_space<any>>
      %dma_wait3A_109 = arith.constant 1792 : i32
      %dma_wait3A_110 = arith.constant 0 : i32
      %dma_wait3A_111 = tpu.memref_slice %arg5[%rem3A_0, %dma_wait3A_109, %dma_wait3A_110] : memref<3x2048x1024xf32, #tpu.memory_space<vmem>> -> memref<1x256x1024xf32, #tpu.memory_space<vmem>>
      %dma_wait3A_112 = tpu.memref_squeeze %dma_wait3A_111 : memref<1x256x1024xf32, #tpu.memory_space<vmem>> -> memref<256x1024xf32, #tpu.memory_space<vmem>>
      tpu.wait_dma2 semaphore(%dma_wait3A_105 : memref<!tpu.dma_semaphore, #tpu.memory_space<semaphore_mem>>) src(%dma_wait3A_112 : memref<256x1024xf32, #tpu.memory_space<vmem>>) dst(%dma_wait3A_108 : memref<256x1024xf32, #tpu.memory_space<any>>)
    } else {
    }
    %get3A = arith.constant 0 : index
    %get3A_8 = arith.constant 0 : index
    %get3A_9 = vector.load %arg2[%get3A, %get3A_8] : memref<64x2048xf32, #tpu.memory_space<vmem>>, vector<64x2048xf32>
    %convert_element_type3A_10 = arith.truncf %get3A_9 : vector<64x2048xf32> to vector<64x2048xbf16>
    %get3A_11 = arith.constant 0 : index
    %get3A_12 = arith.constant 0 : index
    %get3A_13 = vector.load %arg6[%get3A_11, %get3A_12] : memref<64x1024xbf16, #tpu.memory_space<vmem>>, vector<64x1024xbf16>
    %dot_general3A = arith.constant dense<0.000000e+00> : vector<2048x1024xf32>
    %dot_general3A_14 = tpu.matmul %convert_element_type3A_10, %get3A_13, %dot_general3A {dimension_numbers = #tpu.dot_dimension_numbers<[0], [0], [1], [1], [0, 1, 1, 1], [], []>, transpose_lhs_hint = false} : vector<64x2048xbf16>, vector<64x1024xbf16>, vector<2048x1024xf32> -> vector<2048x1024xf32>
    %get3A_15 = arith.constant 0 : index
    %get3A_16 = arith.constant 0 : index
    %get3A_17 = arith.constant 0 : index
    %get3A_18 = vector.load %arg3[%get3A_15, %get3A_16, %get3A_17] : memref<1x1x2048xf32, #tpu.memory_space<vmem>>, vector<1x1x2048xf32>
    %reshape3A = vector.shape_cast %get3A_18 : vector<1x1x2048xf32> to vector<1x2048xf32>
    %transpose3A = tpu.transpose %reshape3A, [1, 0] : vector<1x2048xf32> -> vector<2048x1xf32>
    %add3A = vector.broadcast %transpose3A : vector<2048x1xf32> to vector<2048x1024xf32>
    %add3A_19 = arith.addf %dot_general3A_14, %add3A : vector<2048x1024xf32>
    %swap3A = arith.index_cast %rem3A_0 : i32 to index
    %swap3A_20 = arith.constant 0 : index
    %swap3A_21 = arith.constant 0 : index
    %swap3A_22 = vector.load %arg5[%swap3A, %swap3A_20, %swap3A_21] : memref<3x2048x1024xf32, #tpu.memory_space<vmem>>, vector<1x2048x1024xf32>
    %swap3A_23 = vector.shape_cast %swap3A_22 : vector<1x2048x1024xf32> to vector<2048x1024xf32>
    %swap3A_24 = vector.shape_cast %add3A_19 : vector<2048x1024xf32> to vector<1x2048x1024xf32>
    tpu.vector_store %arg5[%swap3A, %swap3A_20, %swap3A_21], %swap3A_24 {strides = array<i32>} : memref<3x2048x1024xf32, #tpu.memory_space<vmem>>, vector<1x2048x1024xf32>,
    %lt3A = arith.constant 48 : i32
    %lt3A_25 = arith.cmpi slt, %arg0, %lt3A : i32
    %convert_element_type3A_26 = arith.extui %lt3A_25 : i1 to i32
    %cond3A_27 = arith.constant 0 : i32
    %cond3A_28 = arith.cmpi ne, %convert_element_type3A_26, %cond3A_27 : i32
    scf.if %cond3A_28 {
      %add3A_34 = arith.constant 0 : i32
      %add3A_35 = arith.addi %mul3A_1, %add3A_34 : i32
      %dma_start3A = arith.constant 0 : i32
      %dma_start3A_36 = tpu.memref_slice %arg7[%rem3A_0, %dma_start3A] : memref<3x8x!tpu.dma_semaphore, #tpu.memory_space<semaphore_mem>> -> memref<1x1x!tpu.dma_semaphore, #tpu.memory_space<semaphore_mem>>
      %dma_start3A_37 = tpu.memref_squeeze %dma_start3A_36 : memref<1x1x!tpu.dma_semaphore, #tpu.memory_space<semaphore_mem>> -> memref<!tpu.dma_semaphore, #tpu.memory_space<semaphore_mem>>
      %dma_start3A_38 = arith.constant 0 : i32
      %dma_start3A_39 = tpu.memref_slice %arg4[%add3A_35, %dma_start3A_38] : memref<100000x1024xf32, #tpu.memory_space<any>> -> memref<256x1024xf32, #tpu.memory_space<any>>
      %dma_start3A_40 = arith.constant 0 : i32
      %dma_start3A_41 = arith.constant 0 : i32
      %dma_start3A_42 = tpu.memref_slice %arg5[%rem3A_0, %dma_start3A_40, %dma_start3A_41] : memref<3x2048x1024xf32, #tpu.memory_space<vmem>> -> memref<1x256x1024xf32, #tpu.memory_space<vmem>>
      %dma_start3A_43 = tpu.memref_squeeze %dma_start3A_42 : memref<1x256x1024xf32, #tpu.memory_space<vmem>> -> memref<256x1024xf32, #tpu.memory_space<vmem>>
      tpu.enqueue_dma source(%dma_start3A_43 : memref<256x1024xf32, #tpu.memory_space<vmem>>) target(%dma_start3A_39 : memref<256x1024xf32, #tpu.memory_space<any>>) target_semaphore(%dma_start3A_37 : memref<!tpu.dma_semaphore, #tpu.memory_space<semaphore_mem>>)
      %add3A_44 = arith.constant 256 : i32
      %add3A_45 = arith.addi %mul3A_1, %add3A_44 : i32
      %dma_start3A_46 = arith.constant 1 : i32
      %dma_start3A_47 = tpu.memref_slice %arg7[%rem3A_0, %dma_start3A_46] : memref<3x8x!tpu.dma_semaphore, #tpu.memory_space<semaphore_mem>> -> memref<1x1x!tpu.dma_semaphore, #tpu.memory_space<semaphore_mem>>
      %dma_start3A_48 = tpu.memref_squeeze %dma_start3A_47 : memref<1x1x!tpu.dma_semaphore, #tpu.memory_space<semaphore_mem>> -> memref<!tpu.dma_semaphore, #tpu.memory_space<semaphore_mem>>
      %dma_start3A_49 = arith.constant 0 : i32
      %dma_start3A_50 = tpu.memref_slice %arg4[%add3A_45, %dma_start3A_49] : memref<100000x1024xf32, #tpu.memory_space<any>> -> memref<256x1024xf32, #tpu.memory_space<any>>
      %dma_start3A_51 = arith.constant 256 : i32
      %dma_start3A_52 = arith.constant 0 : i32
      %dma_start3A_53 = tpu.memref_slice %arg5[%rem3A_0, %dma_start3A_51, %dma_start3A_52] : memref<3x2048x1024xf32, #tpu.memory_space<vmem>> -> memref<1x256x1024xf32, #tpu.memory_space<vmem>>
      %dma_start3A_54 = tpu.memref_squeeze %dma_start3A_53 : memref<1x256x1024xf32, #tpu.memory_space<vmem>> -> memref<256x1024xf32, #tpu.memory_space<vmem>>
      tpu.enqueue_dma source(%dma_start3A_54 : memref<256x1024xf32, #tpu.memory_space<vmem>>) target(%dma_start3A_50 : memref<256x1024xf32, #tpu.memory_space<any>>) target_semaphore(%dma_start3A_48 : memref<!tpu.dma_semaphore, #tpu.memory_space<semaphore_mem>>)
      %add3A_55 = arith.constant 512 : i32
      %add3A_56 = arith.addi %mul3A_1, %add3A_55 : i32
      %dma_start3A_57 = arith.constant 2 : i32
      %dma_start3A_58 = tpu.memref_slice %arg7[%rem3A_0, %dma_start3A_57] : memref<3x8x!tpu.dma_semaphore, #tpu.memory_space<semaphore_mem>> -> memref<1x1x!tpu.dma_semaphore, #tpu.memory_space<semaphore_mem>>
      %dma_start3A_59 = tpu.memref_squeeze %dma_start3A_58 : memref<1x1x!tpu.dma_semaphore, #tpu.memory_space<semaphore_mem>> -> memref<!tpu.dma_semaphore, #tpu.memory_space<semaphore_mem>>
      %dma_start3A_60 = arith.constant 0 : i32
      %dma_start3A_61 = tpu.memref_slice %arg4[%add3A_56, %dma_start3A_60] : memref<100000x1024xf32, #tpu.memory_space<any>> -> memref<256x1024xf32, #tpu.memory_space<any>>
      %dma_start3A_62 = arith.constant 512 : i32
      %dma_start3A_63 = arith.constant 0 : i32
      %dma_start3A_64 = tpu.memref_slice %arg5[%rem3A_0, %dma_start3A_62, %dma_start3A_63] : memref<3x2048x1024xf32, #tpu.memory_space<vmem>> -> memref<1x256x1024xf32, #tpu.memory_space<vmem>>
      %dma_start3A_65 = tpu.memref_squeeze %dma_start3A_64 : memref<1x256x1024xf32, #tpu.memory_space<vmem>> -> memref<256x1024xf32, #tpu.memory_space<vmem>>
      tpu.enqueue_dma source(%dma_start3A_65 : memref<256x1024xf32, #tpu.memory_space<vmem>>) target(%dma_start3A_61 : memref<256x1024xf32, #tpu.memory_space<any>>) target_semaphore(%dma_start3A_59 : memref<!tpu.dma_semaphore, #tpu.memory_space<semaphore_mem>>)
      %add3A_66 = arith.constant 768 : i32
      %add3A_67 = arith.addi %mul3A_1, %add3A_66 : i32
      %dma_start3A_68 = arith.constant 3 : i32
      %dma_start3A_69 = tpu.memref_slice %arg7[%rem3A_0, %dma_start3A_68] : memref<3x8x!tpu.dma_semaphore, #tpu.memory_space<semaphore_mem>> -> memref<1x1x!tpu.dma_semaphore, #tpu.memory_space<semaphore_mem>>
      %dma_start3A_70 = tpu.memref_squeeze %dma_start3A_69 : memref<1x1x!tpu.dma_semaphore, #tpu.memory_space<semaphore_mem>> -> memref<!tpu.dma_semaphore, #tpu.memory_space<semaphore_mem>>
      %dma_start3A_71 = arith.constant 0 : i32
      %dma_start3A_72 = tpu.memref_slice %arg4[%add3A_67, %dma_start3A_71] : memref<100000x1024xf32, #tpu.memory_space<any>> -> memref<256x1024xf32, #tpu.memory_space<any>>
      %dma_start3A_73 = arith.constant 768 : i32
      %dma_start3A_74 = arith.constant 0 : i32
      %dma_start3A_75 = tpu.memref_slice %arg5[%rem3A_0, %dma_start3A_73, %dma_start3A_74] : memref<3x2048x1024xf32, #tpu.memory_space<vmem>> -> memref<1x256x1024xf32, #tpu.memory_space<vmem>>
      %dma_start3A_76 = tpu.memref_squeeze %dma_start3A_75 : memref<1x256x1024xf32, #tpu.memory_space<vmem>> -> memref<256x1024xf32, #tpu.memory_space<vmem>>
      tpu.enqueue_dma source(%dma_start3A_76 : memref<256x1024xf32, #tpu.memory_space<vmem>>) target(%dma_start3A_72 : memref<256x1024xf32, #tpu.memory_space<any>>) target_semaphore(%dma_start3A_70 : memref<!tpu.dma_semaphore, #tpu.memory_space<semaphore_mem>>)
      %add3A_77 = arith.constant 1024 : i32
      %add3A_78 = arith.addi %mul3A_1, %add3A_77 : i32
      %dma_start3A_79 = arith.constant 4 : i32
      %dma_start3A_80 = tpu.memref_slice %arg7[%rem3A_0, %dma_start3A_79] : memref<3x8x!tpu.dma_semaphore, #tpu.memory_space<semaphore_mem>> -> memref<1x1x!tpu.dma_semaphore, #tpu.memory_space<semaphore_mem>>
      %dma_start3A_81 = tpu.memref_squeeze %dma_start3A_80 : memref<1x1x!tpu.dma_semaphore, #tpu.memory_space<semaphore_mem>> -> memref<!tpu.dma_semaphore, #tpu.memory_space<semaphore_mem>>
      %dma_start3A_82 = arith.constant 0 : i32
      %dma_start3A_83 = tpu.memref_slice %arg4[%add3A_78, %dma_start3A_82] : memref<100000x1024xf32, #tpu.memory_space<any>> -> memref<256x1024xf32, #tpu.memory_space<any>>
      %dma_start3A_84 = arith.constant 1024 : i32
      %dma_start3A_85 = arith.constant 0 : i32
      %dma_start3A_86 = tpu.memref_slice %arg5[%rem3A_0, %dma_start3A_84, %dma_start3A_85] : memref<3x2048x1024xf32, #tpu.memory_space<vmem>> -> memref<1x256x1024xf32, #tpu.memory_space<vmem>>
      %dma_start3A_87 = tpu.memref_squeeze %dma_start3A_86 : memref<1x256x1024xf32, #tpu.memory_space<vmem>> -> memref<256x1024xf32, #tpu.memory_space<vmem>>
      tpu.enqueue_dma source(%dma_start3A_87 : memref<256x1024xf32, #tpu.memory_space<vmem>>) target(%dma_start3A_83 : memref<256x1024xf32, #tpu.memory_space<any>>) target_semaphore(%dma_start3A_81 : memref<!tpu.dma_semaphore, #tpu.memory_space<semaphore_mem>>)
      %add3A_88 = arith.constant 1280 : i32
      %add3A_89 = arith.addi %mul3A_1, %add3A_88 : i32
      %dma_start3A_90 = arith.constant 5 : i32
      %dma_start3A_91 = tpu.memref_slice %arg7[%rem3A_0, %dma_start3A_90] : memref<3x8x!tpu.dma_semaphore, #tpu.memory_space<semaphore_mem>> -> memref<1x1x!tpu.dma_semaphore, #tpu.memory_space<semaphore_mem>>
      %dma_start3A_92 = tpu.memref_squeeze %dma_start3A_91 : memref<1x1x!tpu.dma_semaphore, #tpu.memory_space<semaphore_mem>> -> memref<!tpu.dma_semaphore, #tpu.memory_space<semaphore_mem>>
      %dma_start3A_93 = arith.constant 0 : i32
      %dma_start3A_94 = tpu.memref_slice %arg4[%add3A_89, %dma_start3A_93] : memref<100000x1024xf32, #tpu.memory_space<any>> -> memref<256x1024xf32, #tpu.memory_space<any>>
      %dma_start3A_95 = arith.constant 1280 : i32
      %dma_start3A_96 = arith.constant 0 : i32
      %dma_start3A_97 = tpu.memref_slice %arg5[%rem3A_0, %dma_start3A_95, %dma_start3A_96] : memref<3x2048x1024xf32, #tpu.memory_space<vmem>> -> memref<1x256x1024xf32, #tpu.memory_space<vmem>>
      %dma_start3A_98 = tpu.memref_squeeze %dma_start3A_97 : memref<1x256x1024xf32, #tpu.memory_space<vmem>> -> memref<256x1024xf32, #tpu.memory_space<vmem>>
      tpu.enqueue_dma source(%dma_start3A_98 : memref<256x1024xf32, #tpu.memory_space<vmem>>) target(%dma_start3A_94 : memref<256x1024xf32, #tpu.memory_space<any>>) target_semaphore(%dma_start3A_92 : memref<!tpu.dma_semaphore, #tpu.memory_space<semaphore_mem>>)
      %add3A_99 = arith.constant 1536 : i32
      %add3A_100 = arith.addi %mul3A_1, %add3A_99 : i32
      %dma_start3A_101 = arith.constant 6 : i32
      %dma_start3A_102 = tpu.memref_slice %arg7[%rem3A_0, %dma_start3A_101] : memref<3x8x!tpu.dma_semaphore, #tpu.memory_space<semaphore_mem>> -> memref<1x1x!tpu.dma_semaphore, #tpu.memory_space<semaphore_mem>>
      %dma_start3A_103 = tpu.memref_squeeze %dma_start3A_102 : memref<1x1x!tpu.dma_semaphore, #tpu.memory_space<semaphore_mem>> -> memref<!tpu.dma_semaphore, #tpu.memory_space<semaphore_mem>>
      %dma_start3A_104 = arith.constant 0 : i32
      %dma_start3A_105 = tpu.memref_slice %arg4[%add3A_100, %dma_start3A_104] : memref<100000x1024xf32, #tpu.memory_space<any>> -> memref<256x1024xf32, #tpu.memory_space<any>>
      %dma_start3A_106 = arith.constant 1536 : i32
      %dma_start3A_107 = arith.constant 0 : i32
      %dma_start3A_108 = tpu.memref_slice %arg5[%rem3A_0, %dma_start3A_106, %dma_start3A_107] : memref<3x2048x1024xf32, #tpu.memory_space<vmem>> -> memref<1x256x1024xf32, #tpu.memory_space<vmem>>
      %dma_start3A_109 = tpu.memref_squeeze %dma_start3A_108 : memref<1x256x1024xf32, #tpu.memory_space<vmem>> -> memref<256x1024xf32, #tpu.memory_space<vmem>>
      tpu.enqueue_dma source(%dma_start3A_109 : memref<256x1024xf32, #tpu.memory_space<vmem>>) target(%dma_start3A_105 : memref<256x1024xf32, #tpu.memory_space<any>>) target_semaphore(%dma_start3A_103 : memref<!tpu.dma_semaphore, #tpu.memory_space<semaphore_mem>>)
      %add3A_110 = arith.constant 1792 : i32
      %add3A_111 = arith.addi %mul3A_1, %add3A_110 : i32
      %dma_start3A_112 = arith.constant 7 : i32
      %dma_start3A_113 = tpu.memref_slice %arg7[%rem3A_0, %dma_start3A_112] : memref<3x8x!tpu.dma_semaphore, #tpu.memory_space<semaphore_mem>> -> memref<1x1x!tpu.dma_semaphore, #tpu.memory_space<semaphore_mem>>
      %dma_start3A_114 = tpu.memref_squeeze %dma_start3A_113 : memref<1x1x!tpu.dma_semaphore, #tpu.memory_space<semaphore_mem>> -> memref<!tpu.dma_semaphore, #tpu.memory_space<semaphore_mem>>
      %dma_start3A_115 = arith.constant 0 : i32
      %dma_start3A_116 = tpu.memref_slice %arg4[%add3A_111, %dma_start3A_115] : memref<100000x1024xf32, #tpu.memory_space<any>> -> memref<256x1024xf32, #tpu.memory_space<any>>
      %dma_start3A_117 = arith.constant 1792 : i32
      %dma_start3A_118 = arith.constant 0 : i32
      %dma_start3A_119 = tpu.memref_slice %arg5[%rem3A_0, %dma_start3A_117, %dma_start3A_118] : memref<3x2048x1024xf32, #tpu.memory_space<vmem>> -> memref<1x256x1024xf32, #tpu.memory_space<vmem>>
      %dma_start3A_120 = tpu.memref_squeeze %dma_start3A_119 : memref<1x256x1024xf32, #tpu.memory_space<vmem>> -> memref<256x1024xf32, #tpu.memory_space<vmem>>
      tpu.enqueue_dma source(%dma_start3A_120 : memref<256x1024xf32, #tpu.memory_space<vmem>>) target(%dma_start3A_116 : memref<256x1024xf32, #tpu.memory_space<any>>) target_semaphore(%dma_start3A_114 : memref<!tpu.dma_semaphore, #tpu.memory_space<semaphore_mem>>)
    } else {
    }
    %eq3A_29 = arith.constant 48 : i32
    %eq3A_30 = arith.cmpi eq, %arg0, %eq3A_29 : i32
    %convert_element_type3A_31 = arith.extui %eq3A_30 : i1 to i32
    %cond3A_32 = arith.constant 0 : i32
    %cond3A_33 = arith.cmpi ne, %convert_element_type3A_31, %cond3A_32 : i32
    scf.if %cond3A_33 {
      %add3A_34 = arith.constant 0 : i32
      %add3A_35 = arith.addi %mul3A_1, %add3A_34 : i32
      %dma_start3A = arith.constant 0 : i32
      %dma_start3A_36 = tpu.memref_slice %arg7[%rem3A_0, %dma_start3A] : memref<3x8x!tpu.dma_semaphore, #tpu.memory_space<semaphore_mem>> -> memref<1x1x!tpu.dma_semaphore, #tpu.memory_space<semaphore_mem>>
      %dma_start3A_37 = tpu.memref_squeeze %dma_start3A_36 : memref<1x1x!tpu.dma_semaphore, #tpu.memory_space<semaphore_mem>> -> memref<!tpu.dma_semaphore, #tpu.memory_space<semaphore_mem>>
      %dma_start3A_38 = arith.constant 0 : i32
      %dma_start3A_39 = tpu.memref_slice %arg4[%add3A_35, %dma_start3A_38] : memref<100000x1024xf32, #tpu.memory_space<any>> -> memref<424x1024xf32, #tpu.memory_space<any>>
      %dma_start3A_40 = arith.constant 0 : i32
      %dma_start3A_41 = arith.constant 0 : i32
      %dma_start3A_42 = tpu.memref_slice %arg5[%rem3A_0, %dma_start3A_40, %dma_start3A_41] : memref<3x2048x1024xf32, #tpu.memory_space<vmem>> -> memref<1x424x1024xf32, #tpu.memory_space<vmem>>
      %dma_start3A_43 = tpu.memref_squeeze %dma_start3A_42 : memref<1x424x1024xf32, #tpu.memory_space<vmem>> -> memref<424x1024xf32, #tpu.memory_space<vmem>>
      tpu.enqueue_dma source(%dma_start3A_43 : memref<424x1024xf32, #tpu.memory_space<vmem>>) target(%dma_start3A_39 : memref<424x1024xf32, #tpu.memory_space<any>>) target_semaphore(%dma_start3A_37 : memref<!tpu.dma_semaphore, #tpu.memory_space<semaphore_mem>>)
      %add3A_44 = arith.constant 424 : i32
      %add3A_45 = arith.addi %mul3A_1, %add3A_44 : i32
      %dma_start3A_46 = arith.constant 1 : i32
      %dma_start3A_47 = tpu.memref_slice %arg7[%rem3A_0, %dma_start3A_46] : memref<3x8x!tpu.dma_semaphore, #tpu.memory_space<semaphore_mem>> -> memref<1x1x!tpu.dma_semaphore, #tpu.memory_space<semaphore_mem>>
      %dma_start3A_48 = tpu.memref_squeeze %dma_start3A_47 : memref<1x1x!tpu.dma_semaphore, #tpu.memory_space<semaphore_mem>> -> memref<!tpu.dma_semaphore, #tpu.memory_space<semaphore_mem>>
      %dma_start3A_49 = arith.constant 0 : i32
      %dma_start3A_50 = tpu.memref_slice %arg4[%add3A_45, %dma_start3A_49] : memref<100000x1024xf32, #tpu.memory_space<any>> -> memref<424x1024xf32, #tpu.memory_space<any>>
      %dma_start3A_51 = arith.constant 424 : i32
      %dma_start3A_52 = arith.constant 0 : i32
      %dma_start3A_53 = tpu.memref_slice %arg5[%rem3A_0, %dma_start3A_51, %dma_start3A_52] : memref<3x2048x1024xf32, #tpu.memory_space<vmem>> -> memref<1x424x1024xf32, #tpu.memory_space<vmem>>
      %dma_start3A_54 = tpu.memref_squeeze %dma_start3A_53 : memref<1x424x1024xf32, #tpu.memory_space<vmem>> -> memref<424x1024xf32, #tpu.memory_space<vmem>>
      tpu.enqueue_dma source(%dma_start3A_54 : memref<424x1024xf32, #tpu.memory_space<vmem>>) target(%dma_start3A_50 : memref<424x1024xf32, #tpu.memory_space<any>>) target_semaphore(%dma_start3A_48 : memref<!tpu.dma_semaphore, #tpu.memory_space<semaphore_mem>>)
      %add3A_55 = arith.constant 848 : i32
      %add3A_56 = arith.addi %mul3A_1, %add3A_55 : i32
      %dma_start3A_57 = arith.constant 2 : i32
      %dma_start3A_58 = tpu.memref_slice %arg7[%rem3A_0, %dma_start3A_57] : memref<3x8x!tpu.dma_semaphore, #tpu.memory_space<semaphore_mem>> -> memref<1x1x!tpu.dma_semaphore, #tpu.memory_space<semaphore_mem>>
      %dma_start3A_59 = tpu.memref_squeeze %dma_start3A_58 : memref<1x1x!tpu.dma_semaphore, #tpu.memory_space<semaphore_mem>> -> memref<!tpu.dma_semaphore, #tpu.memory_space<semaphore_mem>>
      %dma_start3A_60 = arith.constant 0 : i32
      %dma_start3A_61 = tpu.memref_slice %arg4[%add3A_56, %dma_start3A_60] : memref<100000x1024xf32, #tpu.memory_space<any>> -> memref<424x1024xf32, #tpu.memory_space<any>>
      %dma_start3A_62 = arith.constant 848 : i32
      %dma_start3A_63 = arith.constant 0 : i32
      %dma_start3A_64 = tpu.memref_slice %arg5[%rem3A_0, %dma_start3A_62, %dma_start3A_63] : memref<3x2048x1024xf32, #tpu.memory_space<vmem>> -> memref<1x424x1024xf32, #tpu.memory_space<vmem>>
      %dma_start3A_65 = tpu.memref_squeeze %dma_start3A_64 : memref<1x424x1024xf32, #tpu.memory_space<vmem>> -> memref<424x1024xf32, #tpu.memory_space<vmem>>
      tpu.enqueue_dma source(%dma_start3A_65 : memref<424x1024xf32, #tpu.memory_space<vmem>>) target(%dma_start3A_61 : memref<424x1024xf32, #tpu.memory_space<any>>) target_semaphore(%dma_start3A_59 : memref<!tpu.dma_semaphore, #tpu.memory_space<semaphore_mem>>)
      %add3A_66 = arith.constant 1272 : i32
      %add3A_67 = arith.addi %mul3A_1, %add3A_66 : i32
      %dma_start3A_68 = arith.constant 3 : i32
      %dma_start3A_69 = tpu.memref_slice %arg7[%rem3A_0, %dma_start3A_68] : memref<3x8x!tpu.dma_semaphore, #tpu.memory_space<semaphore_mem>> -> memref<1x1x!tpu.dma_semaphore, #tpu.memory_space<semaphore_mem>>
      %dma_start3A_70 = tpu.memref_squeeze %dma_start3A_69 : memref<1x1x!tpu.dma_semaphore, #tpu.memory_space<semaphore_mem>> -> memref<!tpu.dma_semaphore, #tpu.memory_space<semaphore_mem>>
      %dma_start3A_71 = arith.constant 0 : i32
      %dma_start3A_72 = tpu.memref_slice %arg4[%add3A_67, %dma_start3A_71] : memref<100000x1024xf32, #tpu.memory_space<any>> -> memref<424x1024xf32, #tpu.memory_space<any>>
      %dma_start3A_73 = arith.constant 1272 : i32
      %dma_start3A_74 = arith.constant 0 : i32
      %dma_start3A_75 = tpu.memref_slice %arg5[%rem3A_0, %dma_start3A_73, %dma_start3A_74] : memref<3x2048x1024xf32, #tpu.memory_space<vmem>> -> memref<1x424x1024xf32, #tpu.memory_space<vmem>>
      %dma_start3A_76 = tpu.memref_squeeze %dma_start3A_75 : memref<1x424x1024xf32, #tpu.memory_space<vmem>> -> memref<424x1024xf32, #tpu.memory_space<vmem>>
      tpu.enqueue_dma source(%dma_start3A_76 : memref<424x1024xf32, #tpu.memory_space<vmem>>) target(%dma_start3A_72 : memref<424x1024xf32, #tpu.memory_space<any>>) target_semaphore(%dma_start3A_70 : memref<!tpu.dma_semaphore, #tpu.memory_space<semaphore_mem>>)
      %add3A_77 = arith.constant 3 : i32
      %add3A_78 = arith.addi %arg0, %add3A_77 : i32
      %sub3A = arith.constant 1 : i32
      %sub3A_79 = arith.subi %add3A_78, %sub3A : i32
      %rem3A_80 = arith.constant 3 : i32
      %rem3A_81 = arith.remsi %sub3A_79, %rem3A_80 : i32
      %dma_wait3A = arith.constant 0 : i32
      %dma_wait3A_82 = tpu.memref_slice %arg7[%rem3A_81, %dma_wait3A] : memref<3x8x!tpu.dma_semaphore, #tpu.memory_space<semaphore_mem>> -> memref<1x1x!tpu.dma_semaphore, #tpu.memory_space<semaphore_mem>>
      %dma_wait3A_83 = tpu.memref_squeeze %dma_wait3A_82 : memref<1x1x!tpu.dma_semaphore, #tpu.memory_space<semaphore_mem>> -> memref<!tpu.dma_semaphore, #tpu.memory_space<semaphore_mem>>
      %dma_wait3A_84 = arith.constant 0 : i32
      %dma_wait3A_85 = arith.constant 0 : i32
      %dma_wait3A_86 = tpu.memref_slice %arg4[%dma_wait3A_84, %dma_wait3A_85] : memref<100000x1024xf32, #tpu.memory_space<any>> -> memref<256x1024xf32, #tpu.memory_space<any>>
      %dma_wait3A_87 = arith.constant 0 : i32
      %dma_wait3A_88 = arith.constant 0 : i32
      %dma_wait3A_89 = tpu.memref_slice %arg5[%rem3A_81, %dma_wait3A_87, %dma_wait3A_88] : memref<3x2048x1024xf32, #tpu.memory_space<vmem>> -> memref<1x256x1024xf32, #tpu.memory_space<vmem>>
      %dma_wait3A_90 = tpu.memref_squeeze %dma_wait3A_89 : memref<1x256x1024xf32, #tpu.memory_space<vmem>> -> memref<256x1024xf32, #tpu.memory_space<vmem>>
      tpu.wait_dma2 semaphore(%dma_wait3A_83 : memref<!tpu.dma_semaphore, #tpu.memory_space<semaphore_mem>>) src(%dma_wait3A_90 : memref<256x1024xf32, #tpu.memory_space<vmem>>) dst(%dma_wait3A_86 : memref<256x1024xf32, #tpu.memory_space<any>>)
      %dma_wait3A_91 = arith.constant 1 : i32
      %dma_wait3A_92 = tpu.memref_slice %arg7[%rem3A_81, %dma_wait3A_91] : memref<3x8x!tpu.dma_semaphore, #tpu.memory_space<semaphore_mem>> -> memref<1x1x!tpu.dma_semaphore, #tpu.memory_space<semaphore_mem>>
      %dma_wait3A_93 = tpu.memref_squeeze %dma_wait3A_92 : memref<1x1x!tpu.dma_semaphore, #tpu.memory_space<semaphore_mem>> -> memref<!tpu.dma_semaphore, #tpu.memory_space<semaphore_mem>>
      %dma_wait3A_94 = arith.constant 256 : i32
      %dma_wait3A_95 = arith.constant 0 : i32
      %dma_wait3A_96 = tpu.memref_slice %arg4[%dma_wait3A_94, %dma_wait3A_95] : memref<100000x1024xf32, #tpu.memory_space<any>> -> memref<256x1024xf32, #tpu.memory_space<any>>
      %dma_wait3A_97 = arith.constant 256 : i32
      %dma_wait3A_98 = arith.constant 0 : i32
      %dma_wait3A_99 = tpu.memref_slice %arg5[%rem3A_81, %dma_wait3A_97, %dma_wait3A_98] : memref<3x2048x1024xf32, #tpu.memory_space<vmem>> -> memref<1x256x1024xf32, #tpu.memory_space<vmem>>
      %dma_wait3A_100 = tpu.memref_squeeze %dma_wait3A_99 : memref<1x256x1024xf32, #tpu.memory_space<vmem>> -> memref<256x1024xf32, #tpu.memory_space<vmem>>
      tpu.wait_dma2 semaphore(%dma_wait3A_93 : memref<!tpu.dma_semaphore, #tpu.memory_space<semaphore_mem>>) src(%dma_wait3A_100 : memref<256x1024xf32, #tpu.memory_space<vmem>>) dst(%dma_wait3A_96 : memref<256x1024xf32, #tpu.memory_space<any>>)
      %dma_wait3A_101 = arith.constant 2 : i32
      %dma_wait3A_102 = tpu.memref_slice %arg7[%rem3A_81, %dma_wait3A_101] : memref<3x8x!tpu.dma_semaphore, #tpu.memory_space<semaphore_mem>> -> memref<1x1x!tpu.dma_semaphore, #tpu.memory_space<semaphore_mem>>
      %dma_wait3A_103 = tpu.memref_squeeze %dma_wait3A_102 : memref<1x1x!tpu.dma_semaphore, #tpu.memory_space<semaphore_mem>> -> memref<!tpu.dma_semaphore, #tpu.memory_space<semaphore_mem>>
      %dma_wait3A_104 = arith.constant 512 : i32
      %dma_wait3A_105 = arith.constant 0 : i32
      %dma_wait3A_106 = tpu.memref_slice %arg4[%dma_wait3A_104, %dma_wait3A_105] : memref<100000x1024xf32, #tpu.memory_space<any>> -> memref<256x1024xf32, #tpu.memory_space<any>>
      %dma_wait3A_107 = arith.constant 512 : i32
      %dma_wait3A_108 = arith.constant 0 : i32
      %dma_wait3A_109 = tpu.memref_slice %arg5[%rem3A_81, %dma_wait3A_107, %dma_wait3A_108] : memref<3x2048x1024xf32, #tpu.memory_space<vmem>> -> memref<1x256x1024xf32, #tpu.memory_space<vmem>>
      %dma_wait3A_110 = tpu.memref_squeeze %dma_wait3A_109 : memref<1x256x1024xf32, #tpu.memory_space<vmem>> -> memref<256x1024xf32, #tpu.memory_space<vmem>>
      tpu.wait_dma2 semaphore(%dma_wait3A_103 : memref<!tpu.dma_semaphore, #tpu.memory_space<semaphore_mem>>) src(%dma_wait3A_110 : memref<256x1024xf32, #tpu.memory_space<vmem>>) dst(%dma_wait3A_106 : memref<256x1024xf32, #tpu.memory_space<any>>)
      %dma_wait3A_111 = arith.constant 3 : i32
      %dma_wait3A_112 = tpu.memref_slice %arg7[%rem3A_81, %dma_wait3A_111] : memref<3x8x!tpu.dma_semaphore, #tpu.memory_space<semaphore_mem>> -> memref<1x1x!tpu.dma_semaphore, #tpu.memory_space<semaphore_mem>>
      %dma_wait3A_113 = tpu.memref_squeeze %dma_wait3A_112 : memref<1x1x!tpu.dma_semaphore, #tpu.memory_space<semaphore_mem>> -> memref<!tpu.dma_semaphore, #tpu.memory_space<semaphore_mem>>
      %dma_wait3A_114 = arith.constant 768 : i32
      %dma_wait3A_115 = arith.constant 0 : i32
      %dma_wait3A_116 = tpu.memref_slice %arg4[%dma_wait3A_114, %dma_wait3A_115] : memref<100000x1024xf32, #tpu.memory_space<any>> -> memref<256x1024xf32, #tpu.memory_space<any>>
      %dma_wait3A_117 = arith.constant 768 : i32
      %dma_wait3A_118 = arith.constant 0 : i32
      %dma_wait3A_119 = tpu.memref_slice %arg5[%rem3A_81, %dma_wait3A_117, %dma_wait3A_118] : memref<3x2048x1024xf32, #tpu.memory_space<vmem>> -> memref<1x256x1024xf32, #tpu.memory_space<vmem>>
      %dma_wait3A_120 = tpu.memref_squeeze %dma_wait3A_119 : memref<1x256x1024xf32, #tpu.memory_space<vmem>> -> memref<256x1024xf32, #tpu.memory_space<vmem>>
      tpu.wait_dma2 semaphore(%dma_wait3A_113 : memref<!tpu.dma_semaphore, #tpu.memory_space<semaphore_mem>>) src(%dma_wait3A_120 : memref<256x1024xf32, #tpu.memory_space<vmem>>) dst(%dma_wait3A_116 : memref<256x1024xf32, #tpu.memory_space<any>>)
      %dma_wait3A_121 = arith.constant 4 : i32
      %dma_wait3A_122 = tpu.memref_slice %arg7[%rem3A_81, %dma_wait3A_121] : memref<3x8x!tpu.dma_semaphore, #tpu.memory_space<semaphore_mem>> -> memref<1x1x!tpu.dma_semaphore, #tpu.memory_space<semaphore_mem>>
      %dma_wait3A_123 = tpu.memref_squeeze %dma_wait3A_122 : memref<1x1x!tpu.dma_semaphore, #tpu.memory_space<semaphore_mem>> -> memref<!tpu.dma_semaphore, #tpu.memory_space<semaphore_mem>>
      %dma_wait3A_124 = arith.constant 1024 : i32
      %dma_wait3A_125 = arith.constant 0 : i32
      %dma_wait3A_126 = tpu.memref_slice %arg4[%dma_wait3A_124, %dma_wait3A_125] : memref<100000x1024xf32, #tpu.memory_space<any>> -> memref<256x1024xf32, #tpu.memory_space<any>>
      %dma_wait3A_127 = arith.constant 1024 : i32
      %dma_wait3A_128 = arith.constant 0 : i32
      %dma_wait3A_129 = tpu.memref_slice %arg5[%rem3A_81, %dma_wait3A_127, %dma_wait3A_128] : memref<3x2048x1024xf32, #tpu.memory_space<vmem>> -> memref<1x256x1024xf32, #tpu.memory_space<vmem>>
      %dma_wait3A_130 = tpu.memref_squeeze %dma_wait3A_129 : memref<1x256x1024xf32, #tpu.memory_space<vmem>> -> memref<256x1024xf32, #tpu.memory_space<vmem>>
      tpu.wait_dma2 semaphore(%dma_wait3A_123 : memref<!tpu.dma_semaphore, #tpu.memory_space<semaphore_mem>>) src(%dma_wait3A_130 : memref<256x1024xf32, #tpu.memory_space<vmem>>) dst(%dma_wait3A_126 : memref<256x1024xf32, #tpu.memory_space<any>>)
      %dma_wait3A_131 = arith.constant 5 : i32
      %dma_wait3A_132 = tpu.memref_slice %arg7[%rem3A_81, %dma_wait3A_131] : memref<3x8x!tpu.dma_semaphore, #tpu.memory_space<semaphore_mem>> -> memref<1x1x!tpu.dma_semaphore, #tpu.memory_space<semaphore_mem>>
      %dma_wait3A_133 = tpu.memref_squeeze %dma_wait3A_132 : memref<1x1x!tpu.dma_semaphore, #tpu.memory_space<semaphore_mem>> -> memref<!tpu.dma_semaphore, #tpu.memory_space<semaphore_mem>>
      %dma_wait3A_134 = arith.constant 1280 : i32
      %dma_wait3A_135 = arith.constant 0 : i32
      %dma_wait3A_136 = tpu.memref_slice %arg4[%dma_wait3A_134, %dma_wait3A_135] : memref<100000x1024xf32, #tpu.memory_space<any>> -> memref<256x1024xf32, #tpu.memory_space<any>>
      %dma_wait3A_137 = arith.constant 1280 : i32
      %dma_wait3A_138 = arith.constant 0 : i32
      %dma_wait3A_139 = tpu.memref_slice %arg5[%rem3A_81, %dma_wait3A_137, %dma_wait3A_138] : memref<3x2048x1024xf32, #tpu.memory_space<vmem>> -> memref<1x256x1024xf32, #tpu.memory_space<vmem>>
      %dma_wait3A_140 = tpu.memref_squeeze %dma_wait3A_139 : memref<1x256x1024xf32, #tpu.memory_space<vmem>> -> memref<256x1024xf32, #tpu.memory_space<vmem>>
      tpu.wait_dma2 semaphore(%dma_wait3A_133 : memref<!tpu.dma_semaphore, #tpu.memory_space<semaphore_mem>>) src(%dma_wait3A_140 : memref<256x1024xf32, #tpu.memory_space<vmem>>) dst(%dma_wait3A_136 : memref<256x1024xf32, #tpu.memory_space<any>>)
      %dma_wait3A_141 = arith.constant 6 : i32
      %dma_wait3A_142 = tpu.memref_slice %arg7[%rem3A_81, %dma_wait3A_141] : memref<3x8x!tpu.dma_semaphore, #tpu.memory_space<semaphore_mem>> -> memref<1x1x!tpu.dma_semaphore, #tpu.memory_space<semaphore_mem>>
      %dma_wait3A_143 = tpu.memref_squeeze %dma_wait3A_142 : memref<1x1x!tpu.dma_semaphore, #tpu.memory_space<semaphore_mem>> -> memref<!tpu.dma_semaphore, #tpu.memory_space<semaphore_mem>>
      %dma_wait3A_144 = arith.constant 1536 : i32
      %dma_wait3A_145 = arith.constant 0 : i32
      %dma_wait3A_146 = tpu.memref_slice %arg4[%dma_wait3A_144, %dma_wait3A_145] : memref<100000x1024xf32, #tpu.memory_space<any>> -> memref<256x1024xf32, #tpu.memory_space<any>>
      %dma_wait3A_147 = arith.constant 1536 : i32
      %dma_wait3A_148 = arith.constant 0 : i32
      %dma_wait3A_149 = tpu.memref_slice %arg5[%rem3A_81, %dma_wait3A_147, %dma_wait3A_148] : memref<3x2048x1024xf32, #tpu.memory_space<vmem>> -> memref<1x256x1024xf32, #tpu.memory_space<vmem>>
      %dma_wait3A_150 = tpu.memref_squeeze %dma_wait3A_149 : memref<1x256x1024xf32, #tpu.memory_space<vmem>> -> memref<256x1024xf32, #tpu.memory_space<vmem>>
      tpu.wait_dma2 semaphore(%dma_wait3A_143 : memref<!tpu.dma_semaphore, #tpu.memory_space<semaphore_mem>>) src(%dma_wait3A_150 : memref<256x1024xf32, #tpu.memory_space<vmem>>) dst(%dma_wait3A_146 : memref<256x1024xf32, #tpu.memory_space<any>>)
      %dma_wait3A_151 = arith.constant 7 : i32
      %dma_wait3A_152 = tpu.memref_slice %arg7[%rem3A_81, %dma_wait3A_151] : memref<3x8x!tpu.dma_semaphore, #tpu.memory_space<semaphore_mem>> -> memref<1x1x!tpu.dma_semaphore, #tpu.memory_space<semaphore_mem>>
      %dma_wait3A_153 = tpu.memref_squeeze %dma_wait3A_152 : memref<1x1x!tpu.dma_semaphore, #tpu.memory_space<semaphore_mem>> -> memref<!tpu.dma_semaphore, #tpu.memory_space<semaphore_mem>>
      %dma_wait3A_154 = arith.constant 1792 : i32
      %dma_wait3A_155 = arith.constant 0 : i32
      %dma_wait3A_156 = tpu.memref_slice %arg4[%dma_wait3A_154, %dma_wait3A_155] : memref<100000x1024xf32, #tpu.memory_space<any>> -> memref<256x1024xf32, #tpu.memory_space<any>>
      %dma_wait3A_157 = arith.constant 1792 : i32
      %dma_wait3A_158 = arith.constant 0 : i32
      %dma_wait3A_159 = tpu.memref_slice %arg5[%rem3A_81, %dma_wait3A_157, %dma_wait3A_158] : memref<3x2048x1024xf32, #tpu.memory_space<vmem>> -> memref<1x256x1024xf32, #tpu.memory_space<vmem>>
      %dma_wait3A_160 = tpu.memref_squeeze %dma_wait3A_159 : memref<1x256x1024xf32, #tpu.memory_space<vmem>> -> memref<256x1024xf32, #tpu.memory_space<vmem>>
      tpu.wait_dma2 semaphore(%dma_wait3A_153 : memref<!tpu.dma_semaphore, #tpu.memory_space<semaphore_mem>>) src(%dma_wait3A_160 : memref<256x1024xf32, #tpu.memory_space<vmem>>) dst(%dma_wait3A_156 : memref<256x1024xf32, #tpu.memory_space<any>>)
      %add3A_161 = arith.constant 3 : i32
      %add3A_162 = arith.addi %arg0, %add3A_161 : i32
      %sub3A_163 = arith.constant 2 : i32
      %sub3A_164 = arith.subi %add3A_162, %sub3A_163 : i32
      %rem3A_165 = arith.constant 3 : i32
      %rem3A_166 = arith.remsi %sub3A_164, %rem3A_165 : i32
      %dma_wait3A_167 = arith.constant 0 : i32
      %dma_wait3A_168 = tpu.memref_slice %arg7[%rem3A_166, %dma_wait3A_167] : memref<3x8x!tpu.dma_semaphore, #tpu.memory_space<semaphore_mem>> -> memref<1x1x!tpu.dma_semaphore, #tpu.memory_space<semaphore_mem>>
      %dma_wait3A_169 = tpu.memref_squeeze %dma_wait3A_168 : memref<1x1x!tpu.dma_semaphore, #tpu.memory_space<semaphore_mem>> -> memref<!tpu.dma_semaphore, #tpu.memory_space<semaphore_mem>>
      %dma_wait3A_170 = arith.constant 0 : i32
      %dma_wait3A_171 = arith.constant 0 : i32
      %dma_wait3A_172 = tpu.memref_slice %arg4[%dma_wait3A_170, %dma_wait3A_171] : memref<100000x1024xf32, #tpu.memory_space<any>> -> memref<256x1024xf32, #tpu.memory_space<any>>
      %dma_wait3A_173 = arith.constant 0 : i32
      %dma_wait3A_174 = arith.constant 0 : i32
      %dma_wait3A_175 = tpu.memref_slice %arg5[%rem3A_166, %dma_wait3A_173, %dma_wait3A_174] : memref<3x2048x1024xf32, #tpu.memory_space<vmem>> -> memref<1x256x1024xf32, #tpu.memory_space<vmem>>
      %dma_wait3A_176 = tpu.memref_squeeze %dma_wait3A_175 : memref<1x256x1024xf32, #tpu.memory_space<vmem>> -> memref<256x1024xf32, #tpu.memory_space<vmem>>
      tpu.wait_dma2 semaphore(%dma_wait3A_169 : memref<!tpu.dma_semaphore, #tpu.memory_space<semaphore_mem>>) src(%dma_wait3A_176 : memref<256x1024xf32, #tpu.memory_space<vmem>>) dst(%dma_wait3A_172 : memref<256x1024xf32, #tpu.memory_space<any>>)
      %dma_wait3A_177 = arith.constant 1 : i32
      %dma_wait3A_178 = tpu.memref_slice %arg7[%rem3A_166, %dma_wait3A_177] : memref<3x8x!tpu.dma_semaphore, #tpu.memory_space<semaphore_mem>> -> memref<1x1x!tpu.dma_semaphore, #tpu.memory_space<semaphore_mem>>
      %dma_wait3A_179 = tpu.memref_squeeze %dma_wait3A_178 : memref<1x1x!tpu.dma_semaphore, #tpu.memory_space<semaphore_mem>> -> memref<!tpu.dma_semaphore, #tpu.memory_space<semaphore_mem>>
      %dma_wait3A_180 = arith.constant 256 : i32
      %dma_wait3A_181 = arith.constant 0 : i32
      %dma_wait3A_182 = tpu.memref_slice %arg4[%dma_wait3A_180, %dma_wait3A_181] : memref<100000x1024xf32, #tpu.memory_space<any>> -> memref<256x1024xf32, #tpu.memory_space<any>>
      %dma_wait3A_183 = arith.constant 256 : i32
      %dma_wait3A_184 = arith.constant 0 : i32
      %dma_wait3A_185 = tpu.memref_slice %arg5[%rem3A_166, %dma_wait3A_183, %dma_wait3A_184] : memref<3x2048x1024xf32, #tpu.memory_space<vmem>> -> memref<1x256x1024xf32, #tpu.memory_space<vmem>>
      %dma_wait3A_186 = tpu.memref_squeeze %dma_wait3A_185 : memref<1x256x1024xf32, #tpu.memory_space<vmem>> -> memref<256x1024xf32, #tpu.memory_space<vmem>>
      tpu.wait_dma2 semaphore(%dma_wait3A_179 : memref<!tpu.dma_semaphore, #tpu.memory_space<semaphore_mem>>) src(%dma_wait3A_186 : memref<256x1024xf32, #tpu.memory_space<vmem>>) dst(%dma_wait3A_182 : memref<256x1024xf32, #tpu.memory_space<any>>)
      %dma_wait3A_187 = arith.constant 2 : i32
      %dma_wait3A_188 = tpu.memref_slice %arg7[%rem3A_166, %dma_wait3A_187] : memref<3x8x!tpu.dma_semaphore, #tpu.memory_space<semaphore_mem>> -> memref<1x1x!tpu.dma_semaphore, #tpu.memory_space<semaphore_mem>>
      %dma_wait3A_189 = tpu.memref_squeeze %dma_wait3A_188 : memref<1x1x!tpu.dma_semaphore, #tpu.memory_space<semaphore_mem>> -> memref<!tpu.dma_semaphore, #tpu.memory_space<semaphore_mem>>
      %dma_wait3A_190 = arith.constant 512 : i32
      %dma_wait3A_191 = arith.constant 0 : i32
      %dma_wait3A_192 = tpu.memref_slice %arg4[%dma_wait3A_190, %dma_wait3A_191] : memref<100000x1024xf32, #tpu.memory_space<any>> -> memref<256x1024xf32, #tpu.memory_space<any>>
      %dma_wait3A_193 = arith.constant 512 : i32
      %dma_wait3A_194 = arith.constant 0 : i32
      %dma_wait3A_195 = tpu.memref_slice %arg5[%rem3A_166, %dma_wait3A_193, %dma_wait3A_194] : memref<3x2048x1024xf32, #tpu.memory_space<vmem>> -> memref<1x256x1024xf32, #tpu.memory_space<vmem>>
      %dma_wait3A_196 = tpu.memref_squeeze %dma_wait3A_195 : memref<1x256x1024xf32, #tpu.memory_space<vmem>> -> memref<256x1024xf32, #tpu.memory_space<vmem>>
      tpu.wait_dma2 semaphore(%dma_wait3A_189 : memref<!tpu.dma_semaphore, #tpu.memory_space<semaphore_mem>>) src(%dma_wait3A_196 : memref<256x1024xf32, #tpu.memory_space<vmem>>) dst(%dma_wait3A_192 : memref<256x1024xf32, #tpu.memory_space<any>>)
      %dma_wait3A_197 = arith.constant 3 : i32
      %dma_wait3A_198 = tpu.memref_slice %arg7[%rem3A_166, %dma_wait3A_197] : memref<3x8x!tpu.dma_semaphore, #tpu.memory_space<semaphore_mem>> -> memref<1x1x!tpu.dma_semaphore, #tpu.memory_space<semaphore_mem>>
      %dma_wait3A_199 = tpu.memref_squeeze %dma_wait3A_198 : memref<1x1x!tpu.dma_semaphore, #tpu.memory_space<semaphore_mem>> -> memref<!tpu.dma_semaphore, #tpu.memory_space<semaphore_mem>>
      %dma_wait3A_200 = arith.constant 768 : i32
      %dma_wait3A_201 = arith.constant 0 : i32
      %dma_wait3A_202 = tpu.memref_slice %arg4[%dma_wait3A_200, %dma_wait3A_201] : memref<100000x1024xf32, #tpu.memory_space<any>> -> memref<256x1024xf32, #tpu.memory_space<any>>
      %dma_wait3A_203 = arith.constant 768 : i32
      %dma_wait3A_204 = arith.constant 0 : i32
      %dma_wait3A_205 = tpu.memref_slice %arg5[%rem3A_166, %dma_wait3A_203, %dma_wait3A_204] : memref<3x2048x1024xf32, #tpu.memory_space<vmem>> -> memref<1x256x1024xf32, #tpu.memory_space<vmem>>
      %dma_wait3A_206 = tpu.memref_squeeze %dma_wait3A_205 : memref<1x256x1024xf32, #tpu.memory_space<vmem>> -> memref<256x1024xf32, #tpu.memory_space<vmem>>
      tpu.wait_dma2 semaphore(%dma_wait3A_199 : memref<!tpu.dma_semaphore, #tpu.memory_space<semaphore_mem>>) src(%dma_wait3A_206 : memref<256x1024xf32, #tpu.memory_space<vmem>>) dst(%dma_wait3A_202 : memref<256x1024xf32, #tpu.memory_space<any>>)
      %dma_wait3A_207 = arith.constant 4 : i32
      %dma_wait3A_208 = tpu.memref_slice %arg7[%rem3A_166, %dma_wait3A_207] : memref<3x8x!tpu.dma_semaphore, #tpu.memory_space<semaphore_mem>> -> memref<1x1x!tpu.dma_semaphore, #tpu.memory_space<semaphore_mem>>
      %dma_wait3A_209 = tpu.memref_squeeze %dma_wait3A_208 : memref<1x1x!tpu.dma_semaphore, #tpu.memory_space<semaphore_mem>> -> memref<!tpu.dma_semaphore, #tpu.memory_space<semaphore_mem>>
      %dma_wait3A_210 = arith.constant 1024 : i32
      %dma_wait3A_211 = arith.constant 0 : i32
      %dma_wait3A_212 = tpu.memref_slice %arg4[%dma_wait3A_210, %dma_wait3A_211] : memref<100000x1024xf32, #tpu.memory_space<any>> -> memref<256x1024xf32, #tpu.memory_space<any>>
      %dma_wait3A_213 = arith.constant 1024 : i32
      %dma_wait3A_214 = arith.constant 0 : i32
      %dma_wait3A_215 = tpu.memref_slice %arg5[%rem3A_166, %dma_wait3A_213, %dma_wait3A_214] : memref<3x2048x1024xf32, #tpu.memory_space<vmem>> -> memref<1x256x1024xf32, #tpu.memory_space<vmem>>
      %dma_wait3A_216 = tpu.memref_squeeze %dma_wait3A_215 : memref<1x256x1024xf32, #tpu.memory_space<vmem>> -> memref<256x1024xf32, #tpu.memory_space<vmem>>
      tpu.wait_dma2 semaphore(%dma_wait3A_209 : memref<!tpu.dma_semaphore, #tpu.memory_space<semaphore_mem>>) src(%dma_wait3A_216 : memref<256x1024xf32, #tpu.memory_space<vmem>>) dst(%dma_wait3A_212 : memref<256x1024xf32, #tpu.memory_space<any>>)
      %dma_wait3A_217 = arith.constant 5 : i32
      %dma_wait3A_218 = tpu.memref_slice %arg7[%rem3A_166, %dma_wait3A_217] : memref<3x8x!tpu.dma_semaphore, #tpu.memory_space<semaphore_mem>> -> memref<1x1x!tpu.dma_semaphore, #tpu.memory_space<semaphore_mem>>
      %dma_wait3A_219 = tpu.memref_squeeze %dma_wait3A_218 : memref<1x1x!tpu.dma_semaphore, #tpu.memory_space<semaphore_mem>> -> memref<!tpu.dma_semaphore, #tpu.memory_space<semaphore_mem>>
      %dma_wait3A_220 = arith.constant 1280 : i32
      %dma_wait3A_221 = arith.constant 0 : i32
      %dma_wait3A_222 = tpu.memref_slice %arg4[%dma_wait3A_220, %dma_wait3A_221] : memref<100000x1024xf32, #tpu.memory_space<any>> -> memref<256x1024xf32, #tpu.memory_space<any>>
      %dma_wait3A_223 = arith.constant 1280 : i32
      %dma_wait3A_224 = arith.constant 0 : i32
      %dma_wait3A_225 = tpu.memref_slice %arg5[%rem3A_166, %dma_wait3A_223, %dma_wait3A_224] : memref<3x2048x1024xf32, #tpu.memory_space<vmem>> -> memref<1x256x1024xf32, #tpu.memory_space<vmem>>
      %dma_wait3A_226 = tpu.memref_squeeze %dma_wait3A_225 : memref<1x256x1024xf32, #tpu.memory_space<vmem>> -> memref<256x1024xf32, #tpu.memory_space<vmem>>
      tpu.wait_dma2 semaphore(%dma_wait3A_219 : memref<!tpu.dma_semaphore, #tpu.memory_space<semaphore_mem>>) src(%dma_wait3A_226 : memref<256x1024xf32, #tpu.memory_space<vmem>>) dst(%dma_wait3A_222 : memref<256x1024xf32, #tpu.memory_space<any>>)
      %dma_wait3A_227 = arith.constant 6 : i32
      %dma_wait3A_228 = tpu.memref_slice %arg7[%rem3A_166, %dma_wait3A_227] : memref<3x8x!tpu.dma_semaphore, #tpu.memory_space<semaphore_mem>> -> memref<1x1x!tpu.dma_semaphore, #tpu.memory_space<semaphore_mem>>
      %dma_wait3A_229 = tpu.memref_squeeze %dma_wait3A_228 : memref<1x1x!tpu.dma_semaphore, #tpu.memory_space<semaphore_mem>> -> memref<!tpu.dma_semaphore, #tpu.memory_space<semaphore_mem>>
      %dma_wait3A_230 = arith.constant 1536 : i32
      %dma_wait3A_231 = arith.constant 0 : i32
      %dma_wait3A_232 = tpu.memref_slice %arg4[%dma_wait3A_230, %dma_wait3A_231] : memref<100000x1024xf32, #tpu.memory_space<any>> -> memref<256x1024xf32, #tpu.memory_space<any>>
      %dma_wait3A_233 = arith.constant 1536 : i32
      %dma_wait3A_234 = arith.constant 0 : i32
      %dma_wait3A_235 = tpu.memref_slice %arg5[%rem3A_166, %dma_wait3A_233, %dma_wait3A_234] : memref<3x2048x1024xf32, #tpu.memory_space<vmem>> -> memref<1x256x1024xf32, #tpu.memory_space<vmem>>
      %dma_wait3A_236 = tpu.memref_squeeze %dma_wait3A_235 : memref<1x256x1024xf32, #tpu.memory_space<vmem>> -> memref<256x1024xf32, #tpu.memory_space<vmem>>
      tpu.wait_dma2 semaphore(%dma_wait3A_229 : memref<!tpu.dma_semaphore, #tpu.memory_space<semaphore_mem>>) src(%dma_wait3A_236 : memref<256x1024xf32, #tpu.memory_space<vmem>>) dst(%dma_wait3A_232 : memref<256x1024xf32, #tpu.memory_space<any>>)
      %dma_wait3A_237 = arith.constant 7 : i32
      %dma_wait3A_238 = tpu.memref_slice %arg7[%rem3A_166, %dma_wait3A_237] : memref<3x8x!tpu.dma_semaphore, #tpu.memory_space<semaphore_mem>> -> memref<1x1x!tpu.dma_semaphore, #tpu.memory_space<semaphore_mem>>
      %dma_wait3A_239 = tpu.memref_squeeze %dma_wait3A_238 : memref<1x1x!tpu.dma_semaphore, #tpu.memory_space<semaphore_mem>> -> memref<!tpu.dma_semaphore, #tpu.memory_space<semaphore_mem>>
      %dma_wait3A_240 = arith.constant 1792 : i32
      %dma_wait3A_241 = arith.constant 0 : i32
      %dma_wait3A_242 = tpu.memref_slice %arg4[%dma_wait3A_240, %dma_wait3A_241] : memref<100000x1024xf32, #tpu.memory_space<any>> -> memref<256x1024xf32, #tpu.memory_space<any>>
      %dma_wait3A_243 = arith.constant 1792 : i32
      %dma_wait3A_244 = arith.constant 0 : i32
      %dma_wait3A_245 = tpu.memref_slice %arg5[%rem3A_166, %dma_wait3A_243, %dma_wait3A_244] : memref<3x2048x1024xf32, #tpu.memory_space<vmem>> -> memref<1x256x1024xf32, #tpu.memory_space<vmem>>
      %dma_wait3A_246 = tpu.memref_squeeze %dma_wait3A_245 : memref<1x256x1024xf32, #tpu.memory_space<vmem>> -> memref<256x1024xf32, #tpu.memory_space<vmem>>
      tpu.wait_dma2 semaphore(%dma_wait3A_239 : memref<!tpu.dma_semaphore, #tpu.memory_space<semaphore_mem>>) src(%dma_wait3A_246 : memref<256x1024xf32, #tpu.memory_space<vmem>>) dst(%dma_wait3A_242 : memref<256x1024xf32, #tpu.memory_space<any>>)
      %dma_wait3A_247 = arith.constant 0 : i32
      %dma_wait3A_248 = tpu.memref_slice %arg7[%rem3A_0, %dma_wait3A_247] : memref<3x8x!tpu.dma_semaphore, #tpu.memory_space<semaphore_mem>> -> memref<1x1x!tpu.dma_semaphore, #tpu.memory_space<semaphore_mem>>
      %dma_wait3A_249 = tpu.memref_squeeze %dma_wait3A_248 : memref<1x1x!tpu.dma_semaphore, #tpu.memory_space<semaphore_mem>> -> memref<!tpu.dma_semaphore, #tpu.memory_space<semaphore_mem>>
      %dma_wait3A_250 = arith.constant 0 : i32
      %dma_wait3A_251 = arith.constant 0 : i32
      %dma_wait3A_252 = tpu.memref_slice %arg4[%dma_wait3A_250, %dma_wait3A_251] : memref<100000x1024xf32, #tpu.memory_space<any>> -> memref<424x1024xf32, #tpu.memory_space<any>>
      %dma_wait3A_253 = arith.constant 0 : i32
      %dma_wait3A_254 = arith.constant 0 : i32
      %dma_wait3A_255 = tpu.memref_slice %arg5[%rem3A_0, %dma_wait3A_253, %dma_wait3A_254] : memref<3x2048x1024xf32, #tpu.memory_space<vmem>> -> memref<1x424x1024xf32, #tpu.memory_space<vmem>>
      %dma_wait3A_256 = tpu.memref_squeeze %dma_wait3A_255 : memref<1x424x1024xf32, #tpu.memory_space<vmem>> -> memref<424x1024xf32, #tpu.memory_space<vmem>>
      tpu.wait_dma2 semaphore(%dma_wait3A_249 : memref<!tpu.dma_semaphore, #tpu.memory_space<semaphore_mem>>) src(%dma_wait3A_256 : memref<424x1024xf32, #tpu.memory_space<vmem>>) dst(%dma_wait3A_252 : memref<424x1024xf32, #tpu.memory_space<any>>)
      %dma_wait3A_257 = arith.constant 1 : i32
      %dma_wait3A_258 = tpu.memref_slice %arg7[%rem3A_0, %dma_wait3A_257] : memref<3x8x!tpu.dma_semaphore, #tpu.memory_space<semaphore_mem>> -> memref<1x1x!tpu.dma_semaphore, #tpu.memory_space<semaphore_mem>>
      %dma_wait3A_259 = tpu.memref_squeeze %dma_wait3A_258 : memref<1x1x!tpu.dma_semaphore, #tpu.memory_space<semaphore_mem>> -> memref<!tpu.dma_semaphore, #tpu.memory_space<semaphore_mem>>
      %dma_wait3A_260 = arith.constant 424 : i32
      %dma_wait3A_261 = arith.constant 0 : i32
      %dma_wait3A_262 = tpu.memref_slice %arg4[%dma_wait3A_260, %dma_wait3A_261] : memref<100000x1024xf32, #tpu.memory_space<any>> -> memref<424x1024xf32, #tpu.memory_space<any>>
      %dma_wait3A_263 = arith.constant 424 : i32
      %dma_wait3A_264 = arith.constant 0 : i32
      %dma_wait3A_265 = tpu.memref_slice %arg5[%rem3A_0, %dma_wait3A_263, %dma_wait3A_264] : memref<3x2048x1024xf32, #tpu.memory_space<vmem>> -> memref<1x424x1024xf32, #tpu.memory_space<vmem>>
      %dma_wait3A_266 = tpu.memref_squeeze %dma_wait3A_265 : memref<1x424x1024xf32, #tpu.memory_space<vmem>> -> memref<424x1024xf32, #tpu.memory_space<vmem>>
      tpu.wait_dma2 semaphore(%dma_wait3A_259 : memref<!tpu.dma_semaphore, #tpu.memory_space<semaphore_mem>>) src(%dma_wait3A_266 : memref<424x1024xf32, #tpu.memory_space<vmem>>) dst(%dma_wait3A_262 : memref<424x1024xf32, #tpu.memory_space<any>>)
      %dma_wait3A_267 = arith.constant 2 : i32
      %dma_wait3A_268 = tpu.memref_slice %arg7[%rem3A_0, %dma_wait3A_267] : memref<3x8x!tpu.dma_semaphore, #tpu.memory_space<semaphore_mem>> -> memref<1x1x!tpu.dma_semaphore, #tpu.memory_space<semaphore_mem>>
      %dma_wait3A_269 = tpu.memref_squeeze %dma_wait3A_268 : memref<1x1x!tpu.dma_semaphore, #tpu.memory_space<semaphore_mem>> -> memref<!tpu.dma_semaphore, #tpu.memory_space<semaphore_mem>>
      %dma_wait3A_270 = arith.constant 848 : i32
      %dma_wait3A_271 = arith.constant 0 : i32
      %dma_wait3A_272 = tpu.memref_slice %arg4[%dma_wait3A_270, %dma_wait3A_271] : memref<100000x1024xf32, #tpu.memory_space<any>> -> memref<424x1024xf32, #tpu.memory_space<any>>
      %dma_wait3A_273 = arith.constant 848 : i32
      %dma_wait3A_274 = arith.constant 0 : i32
      %dma_wait3A_275 = tpu.memref_slice %arg5[%rem3A_0, %dma_wait3A_273, %dma_wait3A_274] : memref<3x2048x1024xf32, #tpu.memory_space<vmem>> -> memref<1x424x1024xf32, #tpu.memory_space<vmem>>
      %dma_wait3A_276 = tpu.memref_squeeze %dma_wait3A_275 : memref<1x424x1024xf32, #tpu.memory_space<vmem>> -> memref<424x1024xf32, #tpu.memory_space<vmem>>
      tpu.wait_dma2 semaphore(%dma_wait3A_269 : memref<!tpu.dma_semaphore, #tpu.memory_space<semaphore_mem>>) src(%dma_wait3A_276 : memref<424x1024xf32, #tpu.memory_space<vmem>>) dst(%dma_wait3A_272 : memref<424x1024xf32, #tpu.memory_space<any>>)
      %dma_wait3A_277 = arith.constant 3 : i32
      %dma_wait3A_278 = tpu.memref_slice %arg7[%rem3A_0, %dma_wait3A_277] : memref<3x8x!tpu.dma_semaphore, #tpu.memory_space<semaphore_mem>> -> memref<1x1x!tpu.dma_semaphore, #tpu.memory_space<semaphore_mem>>
      %dma_wait3A_279 = tpu.memref_squeeze %dma_wait3A_278 : memref<1x1x!tpu.dma_semaphore, #tpu.memory_space<semaphore_mem>> -> memref<!tpu.dma_semaphore, #tpu.memory_space<semaphore_mem>>
      %dma_wait3A_280 = arith.constant 1272 : i32
      %dma_wait3A_281 = arith.constant 0 : i32
      %dma_wait3A_282 = tpu.memref_slice %arg4[%dma_wait3A_280, %dma_wait3A_281] : memref<100000x1024xf32, #tpu.memory_space<any>> -> memref<424x1024xf32, #tpu.memory_space<any>>
      %dma_wait3A_283 = arith.constant 1272 : i32
      %dma_wait3A_284 = arith.constant 0 : i32
      %dma_wait3A_285 = tpu.memref_slice %arg5[%rem3A_0, %dma_wait3A_283, %dma_wait3A_284] : memref<3x2048x1024xf32, #tpu.memory_space<vmem>> -> memref<1x424x1024xf32, #tpu.memory_space<vmem>>
      %dma_wait3A_286 = tpu.memref_squeeze %dma_wait3A_285 : memref<1x424x1024xf32, #tpu.memory_space<vmem>> -> memref<424x1024xf32, #tpu.memory_space<vmem>>
      tpu.wait_dma2 semaphore(%dma_wait3A_279 : memref<!tpu.dma_semaphore, #tpu.memory_space<semaphore_mem>>) src(%dma_wait3A_286 : memref<424x1024xf32, #tpu.memory_space<vmem>>) dst(%dma_wait3A_282 : memref<424x1024xf32, #tpu.memory_space<any>>)
    } else {
    }
    return
  }
  func.func @transform_0(%arg0: i32) -> (i32, i32) {
    %c0_i32 = arith.constant 0 : i32
    %c0_i32_0 = arith.constant 0 : i32
    %c0_i32_1 = arith.constant 0 : i32
    return %c0_i32, %c0_i32_0 : i32, i32
  }
  func.func @transform_1(%arg0: i32) -> (i32, i32) {
    %c0_i32 = arith.constant 0 : i32
    %c0_i32_0 = arith.constant 0 : i32
    return %c0_i32, %arg0 : i32, i32
  }
  func.func @transform_2(%arg0: i32) -> (i32, i32, i32) {
    %c0_i32 = arith.constant 0 : i32
    %c0_i32_0 = arith.constant 0 : i32
    %c0_i32_1 = arith.constant 0 : i32
    return %arg0, %c0_i32, %c0_i32_0 : i32, i32, i32
  }
}

</mosaic_0001>

<sc_bundles>
// kernel: kernel.4.cloned.1.call-start
scs
__scs_entry_jumppad:
0x0: {  	(pc) =	sbr.rel $0x88, $3  }
0x1: {  	(tag) =	ssettag $0x0;
	lr =	simm.s32 $0x1  }
0x2: {  	[smem:$0x3F9D] =	sst lr;
	_ =	strace $0xD0000000  }
0x3: {  	_ = 	snop  }
0x4: {  	_ = 	snop  }
0x5: {  	_ = 	snop  }
0x6: {  	_ = 	snop  }
0x7: {  	_ = 	snop  }
__scs_overlays_trampoline_lowered:
0x8: {  	[smem:$0x3FAC] =	sst s0  }
0x9: {  	[smem:$0x3FAD] =	sst s1  }
0xa: {  	[smem:$0x3FAE] =	sst s2  }
0xb: {  	[smem:$0x3FAF] =	sst s3  }
0xc: {  	[smem:$0x3FB0] =	sst s4  }
0xd: {  	[smem:$0x3FB1] =	sst s5  }
0xe: {  	[smem:$0x3FB2] =	sst s6  }
0xf: {  	[smem:$0x3FB3] =	sst s7  }
0x10: {  	[smem:$0x3FB4] =	sst s8  }
0x11: {  	[smem:$0x3FB5] =	sst s9;
	s0 =	simm.s32 @!p0 $0x0  }
0x12: {  	s1 =	sld [smem:$0x3F9B];
	s0 =	simm.s32 @p0 $0x1  }
0x13: {  	[smem:$0x3FB6] =	sst s0;
	s0 =	simm.s32 @!p1 $0x0  }
0x14: {  	s2 =	sld [smem:$0x3F9A];
	s0 =	simm.s32 @p1 $0x1  }
0x15: {  	[smem:$0x3FB7] =	sst s0;
	s0 =	simm.s32 @!p2 $0x0  }
0x16: {  	s3 =	sld [smem:$0x3FDB];
	s0 =	simm.s32 @p2 $0x1  }
0x17: {  	s4 =	simm.s32 $0x1BF5;
	[smem:$0x3FB9] =	sst s0  }
0x18: {  	s0 =	sld [smem:$0x3F9C];
	_ =	swait.ge [sflag:s4], $0x0  }
0x19: {  	s7 =	sld [smem:$0x3F9D]  }
0x1a: {  	s8 =	sadd.s32 $0xFFFFE003, lr  }
0x1b: {  	s9 =	sadd.s32 $0xFFFFFEF7, lr;
	s5 =	simm.s32 $0xFFFFFFFF;
	p2 =	slt.u32 s8, $0xFFFFF086  }
0x1c: {  	p1 =	slt.u32 s9, $0xF7A;
	s5 =	simm.s32 @!p2 $0x0  }
0x1d: {  	s5 =	simm.s32 @p1 $0x1;
	p0 =	seq.s32 s7, s2  }
0x1e: {  	s7 =	smul.u32 @!p0 $0xF7A, s2;
	p2 =	seq.s32 @!p0 s5, $0x0  }
0x1f: {  	s9 =	smul.u32 $0xF7A, s1;
	s8 =	simm.s32 @!p0 $0x1BF5;
	p2 =	por !p2, p0  }
0x20: {  	[sflag:s8] =	ssyncset.s32 @!p0 $0xFFFFF086;
	s6 =	sadd.s32 @!p0 s3, s7;
	s7 =	simm.s32 @!p0 $0x108  }
0x21: {  	s3 =	sadd.s32 s3, s9;
	s6 =	sadd.s32 @!p0 $0x88, s6;
	s7 =	simm.s32 @p2 $0x1082  }
0x22: {  	[simem:s7], [sflag:s8] =	dma.local @!p0 [hbm:s6], $0xF7A  }
0x23: {  	s9 =	sor.u32 $0xD0000000, s2;
	s6 =	simm.s32 $0x108;
	_ =	swait.ge @!p0 [sflag:s8], $0x0  }
0x24: {  	s3 =	sadd.s32 $0x88, s3;
	s6 =	simm.s32 @!p1 $0x1082;
	[sflag:s4] =	ssyncset.s32 $0xFFFFF086  }
0x25: {  	[simem:s6], [sflag:s4] =	dma.local [hbm:s3], $0xF7A  }
0x26: {  	[smem:$0x3F9D] =	sst s1;
	(tag) =	ssettag s2;
	_ =	strace s9  }
0x27: {  	s1 =	sld [smem:$0x3FAD]  }
0x28: {  	s2 =	sld [smem:$0x3FAE]  }
0x29: {  	s4 =	sld [smem:$0x3FB0]  }
0x2a: {  	p0 =	seq.s32 s5, $0x0;
	s5 =	sld [smem:$0x3FB1]  }
0x2b: {  	s6 =	sld [smem:$0x3FB2]  }
0x2c: {  	s7 =	sld [smem:$0x3FB3]  }
0x2d: {  	s3 =	simm.s32 $0x108;
	s8 =	sld [smem:$0x3FB4]  }
0x2e: {  	s3 =	simm.s32 @!p0 $0x1082;
	s9 =	sld [smem:$0x3FB5]  }
0x2f: {  	lr =	sadd.s32 s0, s3;
	s0 =	sld [smem:$0x3FAC]  }
0x30: {  	s3 =	sld [smem:$0x3FAF]  }
0x31: {  	[smem:$0x3FB8] =	sst s10  }
0x32: {  	s10 =	sld [smem:$0x3FB6];
	_ =	sdelay $0x3  }
0x33: {  	p0 =	seq.s32 s10, $0x1;
	s10 =	sld [smem:$0x3FB8];
	_ =	sdelay $0x3  }
0x34: {  	[smem:$0x3FB8] =	sst s10  }
0x35: {  	s10 =	sld [smem:$0x3FB7];
	_ =	sdelay $0x3  }
0x36: {  	p1 =	seq.s32 s10, $0x1;
	s10 =	sld [smem:$0x3FB8];
	_ =	sdelay $0x3  }
0x37: {  	[smem:$0x3FB8] =	sst s10  }
0x38: {  	s10 =	sld [smem:$0x3FB9]  }
0x39: {  	_ = 	snop;
	(pc) =	sbr.ind lr, $3  }
0x3a: {  	_ = 	snop  }
0x3b: {  	_ = 	snop  }
0x3c: {  	p2 =	seq.s32 s10, $0x1;
	s10 =	sld [smem:$0x3FB8]  }
0x3d: {  	_ =	shalt  }
0x3e: {  	_ =	shalt  }
0x3f: {  	_ =	shalt  }
0x40: {  	_ =	shalt  }
0x41: {  	_ =	shalt  }
0x42: {  	_ =	shalt  }
0x43: {  	_ =	shalt  }
0x44: {  	_ =	shalt  }
0x45: {  	_ =	shalt  }
0x46: {  	_ =	shalt  }
0x47: {  	_ =	shalt  }
0x48: {  	_ =	shalt  }
0x49: {  	_ =	shalt  }
0x4a: {  	_ =	shalt  }
0x4b: {  	_ =	shalt  }
0x4c: {  	_ =	shalt  }
0x4d: {  	_ =	shalt  }
0x4e: {  	_ =	shalt  }
0x4f: {  	_ =	shalt  }
0x50: {  	_ =	shalt  }
0x51: {  	_ =	shalt  }
0x52: {  	_ =	shalt  }
0x53: {  	_ =	shalt  }
0x54: {  	_ =	shalt  }
0x55: {  	_ =	shalt  }
0x56: {  	_ =	shalt  }
0x57: {  	_ =	shalt  }
0x58: {  	_ =	shalt  }
0x59: {  	_ =	shalt  }
0x5a: {  	_ =	shalt  }
0x5b: {  	_ =	shalt  }
0x5c: {  	_ =	shalt  }
0x5d: {  	_ =	shalt  }
0x5e: {  	_ =	shalt  }
0x5f: {  	_ =	shalt  }
0x60: {  	_ =	shalt  }
0x61: {  	_ =	shalt  }
0x62: {  	_ =	shalt  }
0x63: {  	_ =	shalt  }
0x64: {  	_ =	shalt  }
0x65: {  	_ =	shalt  }
0x66: {  	_ =	shalt  }
0x67: {  	_ =	shalt  }
0x68: {  	_ =	shalt  }
0x69: {  	_ =	shalt  }
0x6a: {  	_ =	shalt  }
0x6b: {  	_ =	shalt  }
0x6c: {  	_ =	shalt  }
0x6d: {  	_ =	shalt  }
0x6e: {  	_ =	shalt  }
0x6f: {  	_ =	shalt  }
0x70: {  	_ =	shalt  }
0x71: {  	_ =	shalt  }
0x72: {  	_ =	shalt  }
0x73: {  	_ =	shalt  }
0x74: {  	_ =	shalt  }
0x75: {  	_ =	shalt  }
0x76: {  	_ =	shalt  }
0x77: {  	_ =	shalt  }
0x78: {  	_ =	shalt  }
0x79: {  	_ =	shalt  }
0x7a: {  	_ =	shalt  }
0x7b: {  	_ =	shalt  }
0x7c: {  	_ =	shalt  }
0x7d: {  	_ =	shalt  }
0x7e: {  	_ =	shalt  }
0x7f: {  	_ =	shalt  }
0x80: {  	_ =	shalt  }
0x81: {  	_ =	shalt  }
0x82: {  	_ =	shalt  }
0x83: {  	_ =	shalt  }
0x84: {  	_ =	shalt  }
0x85: {  	_ =	shalt  }
0x86: {  	_ =	shalt  }
0x87: {  	_ =	shalt  }
.Lfunc_end0:
.L_simem_size_0:
called_computation_lowered:
.L_overlay_start_0:
0x88: {  	s2 =	sld [smem:$0x3FD9]  }
0x89: {  	s3 =	sld [smem:$0x3FFE];
	_ =	sdelay $0x1  }
0x8a: {  	s1 =	srdreg.scid  }
0x8b: {  	s0 =	sand.u32 $0x1, s1  }
0x8c: {  	s17 =	sshll.u32 s0, $0xA;
	s2 =	sadd.s32 s3, s2  }
0x8d: {  	s2 =	sadd.s32 s2, s17  }
0x8e: {  	[smem:$0x3FC4] =	sst s2  }
0x8f: {  	_ = 	snop  }
0x90: {  	s2 =	sld [smem:$0x3FD0];
	(tm) =	ssettm $0x1  }
0x91: {  	s18 =	sld [smem:$0x3FFB];
	_ =	sdelay $0x3  }
0x92: {  	_ =	strace s18  }
0x93: {  	s3 =	sld [smem:$0x3FFC];
	_ =	sdelay $0x3  }
0x94: {  	_ =	strace s3  }
0x95: {  	s3 =	sld [smem:$0x3FFD];
	_ =	sdelay $0x3  }
0x96: {  	_ =	strace s3  }
0x97: {  	_ =	strace $0x8FFFFFFF  }
0x98: {  	s19 =	sld [smem:$0x3FDB];
	_ =	sdelay $0x1  }
0x99: {  	s4 =	simm.s32 $_scs_section_size  }
0x9a: {  	s5 =	simm.s32 $_size__tile_overlayer_lowered;
	s6 =	simm.s32 $_tile_overlayer_lowered  }
0x9b: {  	s22 =	simm.s32 $0x1BFF;
	s21 =	sshll.u32 s6, $0x1;
	s3 =	sadd.s32 s4, s19  }
0x9c: {  	s7 =	simm.s32 $0x0;
	s20 =	sshll.u32 s5, $0x1;
	s5 =	sadd.s32 s21, s3  }
0x9d: {  	[timem:s7], [sflag:s22] =	dma.local [hbm:s5], s20  }
0x9e: {  	_ =	swait.ge [sflag:s22], s20  }
0x9f: {  	s4 =	ssub.s32 $0x0, s20;
	[sflag:s22] =	ssyncset.done $0x0  }
0xa0: {  	[sflag:s22] =	ssyncadd.s32 s4;
	_ =	sdelay $0x1  }
0xa1: {  	s23 =	simm.s32 $0x1B8B  }
0xa2: {  	_ =	swait.ge [sflag:s23], $0x1  }
0xa3: {  	[sflag:s23] =	ssyncset.done $0x0  }
0xa4: {  	s25 =	simm.s32 $0x1B8E;
	s24 =	sld [smem:$0x3FFE];
	[sflag:s23] =	ssyncadd.s32 $0xFFFFFFFF  }
0xa5: {  	s26 =	simm.s32 $execute0_lowered;
	[smem:$0x3FD2] =	sst s25  }
0xa6: {  	s5 =	sshll.u32 s26, $0x1;
	_ =	strace $0x80000046;
	[dreg:$0x1] =	wrdreg $0xFFFFFFFF  }
0xa7: {  	s28 =	simm.s32 $_size_execute0_lowered;
	s3 =	sadd.s32 s3, s5;
	[dreg:$0x0] =	wrdreg $0x0  }
0xa8: {  	s5 =	sshll.u32 s28, $0x1;
	[dreg:$0x2] =	wrdreg s3  }
0xa9: {  	[dreg:$0x3] =	wrdreg s5  }
0xaa: {  	[dreg:$0x4] =	wrdreg $0xC0  }
0xab: {  	_ =	task [dreg:s7], $0x5FFFF  }
0xac: {  	[dreg:$0x1] =	wrdreg $0xFFFFFFFF  }
0xad: {  	[dreg:$0x0] =	wrdreg $0x60  }
0xae: {  	[dreg:$0x2] =	wrdreg s24  }
0xaf: {  	[dreg:$0x3] =	wrdreg s2  }
0xb0: {  	[dreg:$0x4] =	wrdreg $0x9  }
0xb1: {  	_ =	task.clear_ibuf [dreg:s7], $0x5FFFF;
	_ =	strace $0x90000046  }
0xb2: {  	s29 =	simm.s32 $0x9;
	_ =	strace $0x80000048  }
0xb3: {  	_ =	swait.ge [sflag:s29], $0x1  }
0xb4: {  	[sflag:s29] =	ssyncadd.s32 $0xFFFFFFFF  }
0xb5: {  	_ =	strace $0x90000048  }
0xb6: {  	_ =	sfence  }
0xb7: {  	s30 =	sld [smem:$0x0];
	_ =	sdelay $0x2  }
0xb8: {  	s31 =	sshll.u32 s1, $0xD;
	s1 =	sshrl.u32 s1, $0x2  }
0xb9: {  	s3 =	sand.u32 $0x4000, s31;
	s1 =	sadd.s32 s1, s30  }
0xba: {  	s0 =	sor.u32 s3, s0;
	s1 =	sshll.u32 s1, $0x11  }
0xbb: {  	s0 =	sor.u32 s1, s0  }
0xbc: {  	s0 =	sadd.s32 $0x8F2B, s0  }
0xbd: {  	[sflag:s0] =	ssyncadd.remote.s32 $0x1  }
0xbe: {  	_ =	sfence.sel $0xFFFF  }
0xbf: {  	[dreg:$0x0] =	wrdreg $0xFFFFFFFF;
	(pc) =	sbr.abs _section_cstart, $3  }
0xc0: {  	[dreg:$0x1] =	wrdreg $0xFFFFFFFF  }
0xc1: {  	_ =	task.clear_ibuf [dreg:s7], $0x2FFFF;
	_ =	strace $0x9FFFFFFF  }
0xc2: {  	(tm) =	ssettm $0x7FFFFFFF  }
0xc3: {  	_ =	shalt  }
tec
execute0_lowered:
.L_overlay_start_1:
0x0: {  	(tag) =	ssettag $0x1  }
0x1: {  	s0 =	srdreg.scid;
	s1 =	rddreg [dreg:$0x0]  }
0x2: {  	s2 =	stileid.u32;
	s5 =	rddreg [dreg:$0x1]  }
0x3: {  	s8 =	simm.s32 $0x14;
	s9 =	simm.s32 $0x9300;
	s10 =	simm.s32 $0x258  }
0x4: {  	s11 =	simm.s32 $0x9900;
	s12 =	simm.s32 $0x270;
	s13 =	simm.s32 $0x9F00  }
0x5: {  	s14 =	simm.s32 $0x288;
	s15 =	simm.s32 $0xA500;
	s16 =	simm.s32 $0x2A0  }
0x6: {  	s17 =	simm.s32 $0xAB00;
	s18 =	simm.s32 $0x2B8;
	s19 =	simm.s32 $0xB100  }
0x7: {  	s20 =	simm.s32 $0x2D0;
	s21 =	simm.s32 $0xB700;
	s22 =	simm.s32 $0x2E8  }
0x8: {  	s23 =	simm.s32 $0xBD00;
	s24 =	simm.s32 $0x1;
	s25 =	simm.s32 $0xC300  }
0x9: {  	s0 =	sand.u32 $0x1, s0;
	s3 =	sshll.u32 s2, $0x6;
	s2 =	simm.s32 $0x0  }
0xa: {  	s26 =	simm.s32 $0x0;
	s4 =	sshll.u32 s0, $0x5;
	[smem:$0x7FF] =	sst s2  }
0xb: {  	s0 =	ssub.s32 $0x2, s0;
	s4 =	sor.u32 s4, s3;
	_ =	strace $0x80000047  }
0xc: {  	s31 =	sshrl.u32 s0, $0x1;
	s6 =	smul.u32 $0x3, s4;
	s7 =	sshll.u32 s4, $0x3  }
0xd: {  	s3 =	sadd.s32 $0x1200, s1;
	s0 =	ssub.s32 s0, s31;
	s5 =	sadd.s32 s5, s7  }
0xe: {  	s7 =	simm.s32 $0x2;
	s1 =	sadd.s32 s6, s1;
	s6 =	smax.u32 s0, $0x1  }
0xf: {  	s0 =	simm.s32 $0x240;
	s4 =	sadd.s32 $0x600, s1;
	s1 =	simm.s32 $0x8D00  }
.LBB2_1:
0x10: {  	[tilespmem:s2], [sflag:$0x2] =	stream.linear.gather [hbm4b:s4+s2], $0x300, $0x38;
	[tilespmem:$0xCB00] =	vst v63  }
0x11: {  	_ =	swait.ge [sflag:s7], $0x300  }
0x12: {  	[sflag:s7] =	ssyncset.done $0x0  }
0x13: {  	s28 =	simm.s32 $0x300;
	[sflag:s7] =	ssyncadd.s32 $0xFFFFFD00  }
0x14: {  	[tilespmem:s28], [sflag:$0x1] =	stream.indirect.gather [hbm4b:s3+s8], $0x40, s2, s8, $0xb8;
	[tilespmem:$0xCB00] =	vst v63  }
0x15: {  	s29 =	simm.s32 $0x900;
	s28 =	simm.s32 $0x18  }
0x16: {  	[tilespmem:s29], [sflag:$0x1] =	stream.indirect.gather [hbm4b:s3+s8], $0x40, s28, s8, $0xb8;
	[tilespmem:$0xCB00] =	vst v63  }
0x17: {  	s28 =	simm.s32 $0x30;
	s29 =	simm.s32 $0xF00  }
0x18: {  	[tilespmem:s29], [sflag:$0x1] =	stream.indirect.gather [hbm4b:s3+s8], $0x40, s28, s8, $0xb8;
	[tilespmem:$0xCB00] =	vst v63  }
0x19: {  	s28 =	simm.s32 $0x48;
	s29 =	simm.s32 $0x1500  }
0x1a: {  	[tilespmem:s29], [sflag:$0x1] =	stream.indirect.gather [hbm4b:s3+s8], $0x40, s28, s8, $0xb8;
	[tilespmem:$0xCB00] =	vst v63  }
0x1b: {  	s28 =	simm.s32 $0x60;
	s29 =	simm.s32 $0x1B00  }
0x1c: {  	[tilespmem:s29], [sflag:$0x1] =	stream.indirect.gather [hbm4b:s3+s8], $0x40, s28, s8, $0xb8;
	[tilespmem:$0xCB00] =	vst v63  }
0x1d: {  	s28 =	simm.s32 $0x78;
	s29 =	simm.s32 $0x2100  }
0x1e: {  	[tilespmem:s29], [sflag:$0x1] =	stream.indirect.gather [hbm4b:s3+s8], $0x40, s28, s8, $0xb8;
	[tilespmem:$0xCB00] =	vst v63  }
0x1f: {  	s28 =	simm.s32 $0x90;
	s29 =	simm.s32 $0x2700  }
0x20: {  	[tilespmem:s29], [sflag:$0x1] =	stream.indirect.gather [hbm4b:s3+s8], $0x40, s28, s8, $0xb8;
	[tilespmem:$0xCB00] =	vst v63  }
0x21: {  	s28 =	simm.s32 $0xA8;
	s29 =	simm.s32 $0x2D00  }
0x22: {  	[tilespmem:s29], [sflag:$0x1] =	stream.indirect.gather [hbm4b:s3+s8], $0x40, s28, s8, $0xb8;
	[tilespmem:$0xCB00] =	vst v63  }
0x23: {  	s28 =	simm.s32 $0xC0;
	s29 =	simm.s32 $0x3300  }
0x24: {  	[tilespmem:s29], [sflag:$0x1] =	stream.indirect.gather [hbm4b:s3+s8], $0x40, s28, s8, $0xb8;
	[tilespmem:$0xCB00] =	vst v63  }
0x25: {  	s28 =	simm.s32 $0xD8;
	s29 =	simm.s32 $0x3900  }
0x26: {  	[tilespmem:s29], [sflag:$0x1] =	stream.indirect.gather [hbm4b:s3+s8], $0x40, s28, s8, $0xb8;
	[tilespmem:$0xCB00] =	vst v63  }
0x27: {  	s28 =	simm.s32 $0xF0;
	s29 =	simm.s32 $0x3F00  }
0x28: {  	[tilespmem:s29], [sflag:$0x1] =	stream.indirect.gather [hbm4b:s3+s8], $0x40, s28, s8, $0xb8;
	[tilespmem:$0xCB00] =	vst v63  }
0x29: {  	s28 =	simm.s32 $0x108;
	s29 =	simm.s32 $0x4500  }
0x2a: {  	[tilespmem:s29], [sflag:$0x1] =	stream.indirect.gather [hbm4b:s3+s8], $0x40, s28, s8, $0xb8;
	[tilespmem:$0xCB00] =	vst v63  }
0x2b: {  	s28 =	simm.s32 $0x120;
	s29 =	simm.s32 $0x4B00  }
0x2c: {  	[tilespmem:s29], [sflag:$0x1] =	stream.indirect.gather [hbm4b:s3+s8], $0x40, s28, s8, $0xb8;
	[tilespmem:$0xCB00] =	vst v63  }
0x2d: {  	s28 =	simm.s32 $0x138;
	s29 =	simm.s32 $0x5100  }
0x2e: {  	[tilespmem:s29], [sflag:$0x1] =	stream.indirect.gather [hbm4b:s3+s8], $0x40, s28, s8, $0xb8;
	[tilespmem:$0xCB00] =	vst v63  }
0x2f: {  	s28 =	simm.s32 $0x150;
	s29 =	simm.s32 $0x5700  }
0x30: {  	[tilespmem:s29], [sflag:$0x1] =	stream.indirect.gather [hbm4b:s3+s8], $0x40, s28, s8, $0xb8;
	[tilespmem:$0xCB00] =	vst v63  }
0x31: {  	s28 =	simm.s32 $0x168;
	s29 =	simm.s32 $0x5D00  }
0x32: {  	[tilespmem:s29], [sflag:$0x1] =	stream.indirect.gather [hbm4b:s3+s8], $0x40, s28, s8, $0xb8;
	[tilespmem:$0xCB00] =	vst v63  }
0x33: {  	s28 =	simm.s32 $0x180;
	s29 =	simm.s32 $0x6300  }
0x34: {  	[tilespmem:s29], [sflag:$0x1] =	stream.indirect.gather [hbm4b:s3+s8], $0x40, s28, s8, $0xb8;
	[tilespmem:$0xCB00] =	vst v63  }
0x35: {  	s28 =	simm.s32 $0x198;
	s29 =	simm.s32 $0x6900  }
0x36: {  	[tilespmem:s29], [sflag:$0x1] =	stream.indirect.gather [hbm4b:s3+s8], $0x40, s28, s8, $0xb8;
	[tilespmem:$0xCB00] =	vst v63  }
0x37: {  	s28 =	simm.s32 $0x1B0;
	s29 =	simm.s32 $0x6F00  }
0x38: {  	[tilespmem:s29], [sflag:$0x1] =	stream.indirect.gather [hbm4b:s3+s8], $0x40, s28, s8, $0xb8;
	[tilespmem:$0xCB00] =	vst v63  }
0x39: {  	s28 =	simm.s32 $0x1C8;
	s29 =	simm.s32 $0x7500  }
0x3a: {  	[tilespmem:s29], [sflag:$0x1] =	stream.indirect.gather [hbm4b:s3+s8], $0x40, s28, s8, $0xb8;
	[tilespmem:$0xCB00] =	vst v63  }
0x3b: {  	s28 =	simm.s32 $0x1E0;
	s29 =	simm.s32 $0x7B00  }
0x3c: {  	[tilespmem:s29], [sflag:$0x1] =	stream.indirect.gather [hbm4b:s3+s8], $0x40, s28, s8, $0xb8;
	[tilespmem:$0xCB00] =	vst v63  }
0x3d: {  	s28 =	simm.s32 $0x1F8;
	s29 =	simm.s32 $0x8100  }
0x3e: {  	[tilespmem:s29], [sflag:$0x1] =	stream.indirect.gather [hbm4b:s3+s8], $0x40, s28, s8, $0xb8;
	[tilespmem:$0xCB00] =	vst v63  }
0x3f: {  	s28 =	simm.s32 $0x210;
	s29 =	simm.s32 $0x8700  }
0x40: {  	[tilespmem:s29], [sflag:$0x1] =	stream.indirect.gather [hbm4b:s3+s8], $0x40, s28, s8, $0xb8;
	[tilespmem:$0xCB00] =	vst v63  }
0x41: {  	s28 =	simm.s32 $0x228  }
0x42: {  	[tilespmem:s1], [sflag:$0x1] =	stream.indirect.gather [hbm4b:s3+s8], $0x40, s28, s8, $0xb8;
	[tilespmem:$0xCB00] =	vst v63  }
0x43: {  	_ = 	snop  }
0x44: {  	[tilespmem:s9], [sflag:$0x1] =	stream.indirect.gather [hbm4b:s3+s8], $0x40, s0, s8, $0xb8;
	[tilespmem:$0xCB00] =	vst v63  }
0x45: {  	_ = 	snop  }
0x46: {  	[tilespmem:s11], [sflag:$0x1] =	stream.indirect.gather [hbm4b:s3+s8], $0x40, s10, s8, $0xb8;
	[tilespmem:$0xCB00] =	vst v63  }
0x47: {  	_ = 	snop  }
0x48: {  	[tilespmem:s13], [sflag:$0x1] =	stream.indirect.gather [hbm4b:s3+s8], $0x40, s12, s8, $0xb8;
	[tilespmem:$0xCB00] =	vst v63  }
0x49: {  	_ = 	snop  }
0x4a: {  	[tilespmem:s15], [sflag:$0x1] =	stream.indirect.gather [hbm4b:s3+s8], $0x40, s14, s8, $0xb8;
	[tilespmem:$0xCB00] =	vst v63  }
0x4b: {  	_ = 	snop  }
0x4c: {  	[tilespmem:s17], [sflag:$0x1] =	stream.indirect.gather [hbm4b:s3+s8], $0x40, s16, s8, $0xb8;
	[tilespmem:$0xCB00] =	vst v63  }
0x4d: {  	_ = 	snop  }
0x4e: {  	[tilespmem:s19], [sflag:$0x1] =	stream.indirect.gather [hbm4b:s3+s8], $0x40, s18, s8, $0xb8;
	[tilespmem:$0xCB00] =	vst v63  }
0x4f: {  	_ = 	snop  }
0x50: {  	[tilespmem:s21], [sflag:$0x1] =	stream.indirect.gather [hbm4b:s3+s8], $0x40, s20, s8, $0xb8;
	[tilespmem:$0xCB00] =	vst v63  }
0x51: {  	_ = 	snop  }
0x52: {  	[tilespmem:s23], [sflag:$0x1] =	stream.indirect.gather [hbm4b:s3+s8], $0x40, s22, s8, $0xb8;
	[tilespmem:$0xCB00] =	vst v63  }
0x53: {  	_ =	swait.ge [sflag:s24], $0x500  }
0x54: {  	[sflag:s24] =	ssyncset.done $0x0  }
0x55: {  	[sflag:s24] =	ssyncadd.s32 $0xFFFFFB00  }
0x56: {  	_ =	swait.ge [sflag:s24], $0x500  }
0x57: {  	[sflag:s24] =	ssyncset.done $0x0  }
0x58: {  	[sflag:s24] =	ssyncadd.s32 $0xFFFFFB00  }
0x59: {  	_ =	swait.ge [sflag:s24], $0x500  }
0x5a: {  	[sflag:s24] =	ssyncset.done $0x0  }
0x5b: {  	[sflag:s24] =	ssyncadd.s32 $0xFFFFFB00  }
0x5c: {  	_ =	swait.ge [sflag:s24], $0x500  }
0x5d: {  	[sflag:s24] =	ssyncset.done $0x0  }
0x5e: {  	[sflag:s24] =	ssyncadd.s32 $0xFFFFFB00  }
0x5f: {  	_ =	swait.ge [sflag:s24], $0x500  }
0x60: {  	[sflag:s24] =	ssyncset.done $0x0  }
0x61: {  	[sflag:s24] =	ssyncadd.s32 $0xFFFFFB00  }
0x62: {  	_ =	swait.ge [sflag:s24], $0x500  }
0x63: {  	[sflag:s24] =	ssyncset.done $0x0  }
0x64: {  	[sflag:s24] =	ssyncadd.s32 $0xFFFFFB00  }
0x65: {  	_ =	swait.ge [sflag:s24], $0x500  }
0x66: {  	[sflag:s24] =	ssyncset.done $0x0  }
0x67: {  	[sflag:s24] =	ssyncadd.s32 $0xFFFFFB00  }
0x68: {  	_ =	swait.ge [sflag:s24], $0x500  }
0x69: {  	[sflag:s24] =	ssyncset.done $0x0  }
0x6a: {  	[sflag:s24] =	ssyncadd.s32 $0xFFFFFB00  }
0x6b: {  	_ =	swait.ge [sflag:s24], $0x500  }
0x6c: {  	[sflag:s24] =	ssyncset.done $0x0  }
0x6d: {  	[sflag:s24] =	ssyncadd.s32 $0xFFFFFB00  }
0x6e: {  	_ =	swait.ge [sflag:s24], $0x500  }
0x6f: {  	[sflag:s24] =	ssyncset.done $0x0  }
0x70: {  	[sflag:s24] =	ssyncadd.s32 $0xFFFFFB00  }
0x71: {  	_ =	swait.ge [sflag:s24], $0x500  }
0x72: {  	[sflag:s24] =	ssyncset.done $0x0  }
0x73: {  	[sflag:s24] =	ssyncadd.s32 $0xFFFFFB00  }
0x74: {  	_ =	swait.ge [sflag:s24], $0x500  }
0x75: {  	[sflag:s24] =	ssyncset.done $0x0  }
0x76: {  	[sflag:s24] =	ssyncadd.s32 $0xFFFFFB00  }
0x77: {  	_ =	swait.ge [sflag:s24], $0x500  }
0x78: {  	[sflag:s24] =	ssyncset.done $0x0  }
0x79: {  	[sflag:s24] =	ssyncadd.s32 $0xFFFFFB00  }
0x7a: {  	_ =	swait.ge [sflag:s24], $0x500  }
0x7b: {  	[sflag:s24] =	ssyncset.done $0x0  }
0x7c: {  	[sflag:s24] =	ssyncadd.s32 $0xFFFFFB00  }
0x7d: {  	_ =	swait.ge [sflag:s24], $0x500  }
0x7e: {  	[sflag:s24] =	ssyncset.done $0x0  }
0x7f: {  	[sflag:s24] =	ssyncadd.s32 $0xFFFFFB00  }
0x80: {  	_ =	swait.ge [sflag:s24], $0x500  }
0x81: {  	[sflag:s24] =	ssyncset.done $0x0  }
0x82: {  	[sflag:s24] =	ssyncadd.s32 $0xFFFFFB00  }
0x83: {  	_ =	swait.ge [sflag:s24], $0x500  }
0x84: {  	[sflag:s24] =	ssyncset.done $0x0  }
0x85: {  	[sflag:s24] =	ssyncadd.s32 $0xFFFFFB00  }
0x86: {  	_ =	swait.ge [sflag:s24], $0x500  }
0x87: {  	[sflag:s24] =	ssyncset.done $0x0  }
0x88: {  	[sflag:s24] =	ssyncadd.s32 $0xFFFFFB00  }
0x89: {  	_ =	swait.ge [sflag:s24], $0x500  }
0x8a: {  	[sflag:s24] =	ssyncset.done $0x0  }
0x8b: {  	[sflag:s24] =	ssyncadd.s32 $0xFFFFFB00  }
0x8c: {  	_ =	swait.ge [sflag:s24], $0x500  }
0x8d: {  	[sflag:s24] =	ssyncset.done $0x0  }
0x8e: {  	[sflag:s24] =	ssyncadd.s32 $0xFFFFFB00  }
0x8f: {  	_ =	swait.ge [sflag:s24], $0x500  }
0x90: {  	[sflag:s24] =	ssyncset.done $0x0  }
0x91: {  	[sflag:s24] =	ssyncadd.s32 $0xFFFFFB00  }
0x92: {  	_ =	swait.ge [sflag:s24], $0x500  }
0x93: {  	[sflag:s24] =	ssyncset.done $0x0  }
0x94: {  	[sflag:s24] =	ssyncadd.s32 $0xFFFFFB00  }
0x95: {  	_ =	swait.ge [sflag:s24], $0x500  }
0x96: {  	[sflag:s24] =	ssyncset.done $0x0  }
0x97: {  	[sflag:s24] =	ssyncadd.s32 $0xFFFFFB00  }
0x98: {  	_ =	swait.ge [sflag:s24], $0x500  }
0x99: {  	[sflag:s24] =	ssyncset.done $0x0  }
0x9a: {  	[sflag:s24] =	ssyncadd.s32 $0xFFFFFB00  }
0x9b: {  	_ =	swait.ge [sflag:s24], $0x500  }
0x9c: {  	[sflag:s24] =	ssyncset.done $0x0  }
0x9d: {  	[sflag:s24] =	ssyncadd.s32 $0xFFFFFB00  }
0x9e: {  	_ =	swait.ge [sflag:s24], $0x500  }
0x9f: {  	[sflag:s24] =	ssyncset.done $0x0  }
0xa0: {  	[sflag:s24] =	ssyncadd.s32 $0xFFFFFB00  }
0xa1: {  	_ =	swait.ge [sflag:s24], $0x500  }
0xa2: {  	[sflag:s24] =	ssyncset.done $0x0  }
0xa3: {  	[sflag:s24] =	ssyncadd.s32 $0xFFFFFB00  }
0xa4: {  	_ =	swait.ge [sflag:s24], $0x500  }
0xa5: {  	[sflag:s24] =	ssyncset.done $0x0  }
0xa6: {  	[sflag:s24] =	ssyncadd.s32 $0xFFFFFB00  }
0xa7: {  	_ =	swait.ge [sflag:s24], $0x500  }
0xa8: {  	[sflag:s24] =	ssyncset.done $0x0  }
0xa9: {  	[sflag:s24] =	ssyncadd.s32 $0xFFFFFB00  }
0xaa: {  	_ =	swait.ge [sflag:s24], $0x500  }
0xab: {  	[sflag:s24] =	ssyncset.done $0x0  }
0xac: {  	[sflag:s24] =	ssyncadd.s32 $0xFFFFFB00  }
0xad: {  	_ =	swait.ge [sflag:s24], $0x500  }
0xae: {  	[sflag:s24] =	ssyncset.done $0x0  }
0xaf: {  	[sflag:s24] =	ssyncadd.s32 $0xFFFFFB00  }
0xb0: {  	_ =	swait.ge [sflag:s24], $0x500  }
0xb1: {  	[sflag:s24] =	ssyncset.done $0x0  }
0xb2: {  	s28 =	simm.s32 $0x580;
	[sflag:s24] =	ssyncadd.s32 $0xFFFFFB00  }
0xb3: {  	v0 =	vld [tilespmem:s28+$0xFFFFFDC0]  }
0xb4: {  	v1 =	vld [tilespmem:s28+$0xFFFFFD80];
	_ =	sdelay $0x1  }
0xb5: {  	v2 =	vld [tilespmem:s28+$0xFFFFFE00];
	_ =	sdelay $0x1  }
0xb6: {  	v3 =	vld [tilespmem:s28+$0xFFFFFE40]  }
0xb7: {  	v0 =	vadd.f32 v0, v1  }
0xb8: {  	v1 =	vld [tilespmem:s28+$0xFFFFFE80]  }
0xb9: {  	v0 =	vadd.f32 v2, v0  }
0xba: {  	v2 =	vld [tilespmem:s28+$0xFFFFFEC0]  }
0xbb: {  	v0 =	vadd.f32 v3, v0  }
0xbc: {  	v3 =	vld [tilespmem:s28+$0xFFFFFF00]  }
0xbd: {  	v0 =	vadd.f32 v1, v0  }
0xbe: {  	v1 =	vld [tilespmem:s28+$0xFFFFFF40]  }
0xbf: {  	v0 =	vadd.f32 v2, v0  }
0xc0: {  	v2 =	vld [tilespmem:s28+$0xFFFFFF80]  }
0xc1: {  	v0 =	vadd.f32 v3, v0  }
0xc2: {  	v3 =	vld [tilespmem:s28+$0xFFFFFFC0]  }
0xc3: {  	v0 =	vadd.f32 v1, v0  }
0xc4: {  	v1 =	vld [tilespmem:s28+$0x0]  }
0xc5: {  	v0 =	vadd.f32 v2, v0  }
0xc6: {  	v2 =	vld [tilespmem:s28+$0x40]  }
0xc7: {  	v0 =	vadd.f32 v3, v0  }
0xc8: {  	v3 =	vld [tilespmem:s28+$0x80]  }
0xc9: {  	v0 =	vadd.f32 v1, v0  }
0xca: {  	v1 =	vld [tilespmem:s28+$0xC0]  }
0xcb: {  	v0 =	vadd.f32 v2, v0  }
0xcc: {  	v2 =	vld [tilespmem:s28+$0x100]  }
0xcd: {  	v0 =	vadd.f32 v3, v0  }
0xce: {  	v3 =	vld [tilespmem:s28+$0x140]  }
0xcf: {  	v0 =	vadd.f32 v1, v0  }
0xd0: {  	v1 =	vld [tilespmem:s28+$0x180]  }
0xd1: {  	v0 =	vadd.f32 v2, v0  }
0xd2: {  	v2 =	vld [tilespmem:s28+$0x1C0]  }
0xd3: {  	v0 =	vadd.f32 v3, v0  }
0xd4: {  	v3 =	vld [tilespmem:s28+$0x200]  }
0xd5: {  	v0 =	vadd.f32 v1, v0  }
0xd6: {  	v1 =	vld [tilespmem:s28+$0x240]  }
0xd7: {  	v0 =	vadd.f32 v2, v0;
	_ =	sdelay $0x1  }
0xd8: {  	v0 =	vadd.f32 v3, v0;
	_ =	sdelay $0x1  }
0xd9: {  	v0 =	vadd.f32 v1, v0;
	_ =	sdelay $0x1  }
0xda: {  	v0 =	vmul.f32 $5.000000070e-02, v0  }
0xdb: {  	s29 =	simm.s32 $0x0  }
0xdc: {  	[tilespmem:s29+$0xC300] =	vst v0  }
0xdd: {  	v0 =	vld [tilespmem:s28+$0xFFFFFD90]  }
0xde: {  	v1 =	vld [tilespmem:s28+$0xFFFFFDD0];
	_ =	sdelay $0x1  }
0xdf: {  	v2 =	vld [tilespmem:s28+$0xFFFFFE10];
	_ =	sdelay $0x1  }
0xe0: {  	v3 =	vld [tilespmem:s28+$0xFFFFFE50]  }
0xe1: {  	v0 =	vadd.f32 v1, v0  }
0xe2: {  	v1 =	vld [tilespmem:s28+$0xFFFFFE90]  }
0xe3: {  	v0 =	vadd.f32 v2, v0  }
0xe4: {  	v2 =	vld [tilespmem:s28+$0xFFFFFED0]  }
0xe5: {  	v0 =	vadd.f32 v3, v0  }
0xe6: {  	v3 =	vld [tilespmem:s28+$0xFFFFFF10]  }
0xe7: {  	v0 =	vadd.f32 v1, v0  }
0xe8: {  	v1 =	vld [tilespmem:s28+$0xFFFFFF50]  }
0xe9: {  	v0 =	vadd.f32 v2, v0  }
0xea: {  	v2 =	vld [tilespmem:s28+$0xFFFFFF90]  }
0xeb: {  	v0 =	vadd.f32 v3, v0  }
0xec: {  	v3 =	vld [tilespmem:s28+$0xFFFFFFD0]  }
0xed: {  	v0 =	vadd.f32 v1, v0  }
0xee: {  	v1 =	vld [tilespmem:s28+$0x10]  }
0xef: {  	v0 =	vadd.f32 v2, v0  }
0xf0: {  	v2 =	vld [tilespmem:s28+$0x50]  }
0xf1: {  	v0 =	vadd.f32 v3, v0  }
0xf2: {  	v3 =	vld [tilespmem:s28+$0x90]  }
0xf3: {  	v0 =	vadd.f32 v1, v0  }
0xf4: {  	v1 =	vld [tilespmem:s28+$0xD0]  }
0xf5: {  	v0 =	vadd.f32 v2, v0  }
0xf6: {  	v2 =	vld [tilespmem:s28+$0x110]  }
0xf7: {  	v0 =	vadd.f32 v3, v0  }
0xf8: {  	v3 =	vld [tilespmem:s28+$0x150]  }
0xf9: {  	v0 =	vadd.f32 v1, v0  }
0xfa: {  	v1 =	vld [tilespmem:s28+$0x190]  }
0xfb: {  	v0 =	vadd.f32 v2, v0  }
0xfc: {  	v2 =	vld [tilespmem:s28+$0x1D0]  }
0xfd: {  	v0 =	vadd.f32 v3, v0  }
0xfe: {  	v3 =	vld [tilespmem:s28+$0x210]  }
0xff: {  	v0 =	vadd.f32 v1, v0  }
0x100: {  	v1 =	vld [tilespmem:s28+$0x250]  }
0x101: {  	v0 =	vadd.f32 v2, v0;
	_ =	sdelay $0x1  }
0x102: {  	v0 =	vadd.f32 v3, v0;
	_ =	sdelay $0x1  }
0x103: {  	v0 =	vadd.f32 v1, v0;
	_ =	sdelay $0x1  }
0x104: {  	v0 =	vmul.f32 $5.000000070e-02, v0;
	_ =	sdelay $0x1  }
0x105: {  	[tilespmem:s29+$0xC310] =	vst v0  }
0x106: {  	v0 =	vld [tilespmem:s28+$0xFFFFFDA0]  }
0x107: {  	v1 =	vld [tilespmem:s28+$0xFFFFFDE0];
	_ =	sdelay $0x1  }
0x108: {  	v2 =	vld [tilespmem:s28+$0xFFFFFE20];
	_ =	sdelay $0x1  }
0x109: {  	v3 =	vld [tilespmem:s28+$0xFFFFFE60]  }
0x10a: {  	v0 =	vadd.f32 v1, v0  }
0x10b: {  	v1 =	vld [tilespmem:s28+$0xFFFFFEA0]  }
0x10c: {  	v0 =	vadd.f32 v2, v0  }
0x10d: {  	v2 =	vld [tilespmem:s28+$0xFFFFFEE0]  }
0x10e: {  	v0 =	vadd.f32 v3, v0  }
0x10f: {  	v3 =	vld [tilespmem:s28+$0xFFFFFF20]  }
0x110: {  	v0 =	vadd.f32 v1, v0  }
0x111: {  	v1 =	vld [tilespmem:s28+$0xFFFFFF60]  }
0x112: {  	v0 =	vadd.f32 v2, v0  }
0x113: {  	v2 =	vld [tilespmem:s28+$0xFFFFFFA0]  }
0x114: {  	v0 =	vadd.f32 v3, v0  }
0x115: {  	v3 =	vld [tilespmem:s28+$0xFFFFFFE0]  }
0x116: {  	v0 =	vadd.f32 v1, v0  }
0x117: {  	v1 =	vld [tilespmem:s28+$0x20]  }
0x118: {  	v0 =	vadd.f32 v2, v0  }
0x119: {  	v2 =	vld [tilespmem:s28+$0x60]  }
0x11a: {  	v0 =	vadd.f32 v3, v0  }
0x11b: {  	v3 =	vld [tilespmem:s28+$0xA0]  }
0x11c: {  	v0 =	vadd.f32 v1, v0  }
0x11d: {  	v1 =	vld [tilespmem:s28+$0xE0]  }
0x11e: {  	v0 =	vadd.f32 v2, v0  }
0x11f: {  	v2 =	vld [tilespmem:s28+$0x120]  }
0x120: {  	v0 =	vadd.f32 v3, v0  }
0x121: {  	v3 =	vld [tilespmem:s28+$0x160]  }
0x122: {  	v0 =	vadd.f32 v1, v0  }
0x123: {  	v1 =	vld [tilespmem:s28+$0x1A0]  }
0x124: {  	v0 =	vadd.f32 v2, v0  }
0x125: {  	v2 =	vld [tilespmem:s28+$0x1E0]  }
0x126: {  	v0 =	vadd.f32 v3, v0  }
0x127: {  	v3 =	vld [tilespmem:s28+$0x220]  }
0x128: {  	v0 =	vadd.f32 v1, v0  }
0x129: {  	v1 =	vld [tilespmem:s28+$0x260]  }
0x12a: {  	v0 =	vadd.f32 v2, v0;
	_ =	sdelay $0x1  }
0x12b: {  	v0 =	vadd.f32 v3, v0;
	_ =	sdelay $0x1  }
0x12c: {  	v0 =	vadd.f32 v1, v0;
	_ =	sdelay $0x1  }
0x12d: {  	v0 =	vmul.f32 $5.000000070e-02, v0;
	_ =	sdelay $0x1  }
0x12e: {  	[tilespmem:s29+$0xC320] =	vst v0  }
0x12f: {  	v0 =	vld [tilespmem:s28+$0xFFFFFDB0]  }
0x130: {  	v1 =	vld [tilespmem:s28+$0xFFFFFDF0];
	_ =	sdelay $0x1  }
0x131: {  	v2 =	vld [tilespmem:s28+$0xFFFFFE30];
	_ =	sdelay $0x1  }
0x132: {  	v3 =	vld [tilespmem:s28+$0xFFFFFE70]  }
0x133: {  	v0 =	vadd.f32 v1, v0  }
0x134: {  	v1 =	vld [tilespmem:s28+$0xFFFFFEB0]  }
0x135: {  	v0 =	vadd.f32 v2, v0  }
0x136: {  	v2 =	vld [tilespmem:s28+$0xFFFFFEF0]  }
0x137: {  	v0 =	vadd.f32 v3, v0  }
0x138: {  	v3 =	vld [tilespmem:s28+$0xFFFFFF30]  }
0x139: {  	v0 =	vadd.f32 v1, v0  }
0x13a: {  	v1 =	vld [tilespmem:s28+$0xFFFFFF70]  }
0x13b: {  	v0 =	vadd.f32 v2, v0  }
0x13c: {  	v2 =	vld [tilespmem:s28+$0xFFFFFFB0]  }
0x13d: {  	v0 =	vadd.f32 v3, v0  }
0x13e: {  	v3 =	vld [tilespmem:s28+$0xFFFFFFF0]  }
0x13f: {  	v0 =	vadd.f32 v1, v0  }
0x140: {  	v1 =	vld [tilespmem:s28+$0x30]  }
0x141: {  	v0 =	vadd.f32 v2, v0  }
0x142: {  	v2 =	vld [tilespmem:s28+$0x70]  }
0x143: {  	v0 =	vadd.f32 v3, v0  }
0x144: {  	v3 =	vld [tilespmem:s28+$0xB0]  }
0x145: {  	v0 =	vadd.f32 v1, v0  }
0x146: {  	v1 =	vld [tilespmem:s28+$0xF0]  }
0x147: {  	v0 =	vadd.f32 v2, v0  }
0x148: {  	v2 =	vld [tilespmem:s28+$0x130]  }
0x149: {  	v0 =	vadd.f32 v3, v0  }
0x14a: {  	v3 =	vld [tilespmem:s28+$0x170]  }
0x14b: {  	v0 =	vadd.f32 v1, v0  }
0x14c: {  	v1 =	vld [tilespmem:s28+$0x1B0]  }
0x14d: {  	v0 =	vadd.f32 v2, v0  }
0x14e: {  	v2 =	vld [tilespmem:s28+$0x1F0]  }
0x14f: {  	v0 =	vadd.f32 v3, v0;
	_ =	sdelay $0x1  }
0x150: {  	v3 =	vld [tilespmem:s28+$0x230];
	v0 =	vadd.f32 v1, v0;
	_ =	sdelay $0x1  }
0x151: {  	v1 =	vadd.f32 v2, v0;
	v0 =	vld [tilespmem:s28+$0x270];
	_ =	sdelay $0x2  }
0x152: {  	s30 =	simm.s32 $0x100;
	v1 =	vadd.f32 v3, v1  }
.LBB2_2:
0x153: {  	p0 =	sne.s32 s30, $0x1F00  }
0x154: {  	s28 =	sadd.s32 $0x600, s28;
	s31 =	smov.u32 s30;
	s30 =	sadd.s32 $0x100, s30;
	v0 =	vadd.f32 v0, v1  }
0x155: {  	_ = 	snop  }
0x156: {  	v0 =	vmul.f32 $5.000000070e-02, v0;
	_ =	sdelay $0x1  }
0x157: {  	[tilespmem:s29+$0xC330] =	vst v0  }
0x158: {  	v0 =	vld [tilespmem:s28+$0xFFFFFDC0]  }
0x159: {  	v1 =	vld [tilespmem:s28+$0xFFFFFD80];
	_ =	sdelay $0x1  }
0x15a: {  	v2 =	vld [tilespmem:s28+$0xFFFFFE00];
	_ =	sdelay $0x1  }
0x15b: {  	v3 =	vld [tilespmem:s28+$0xFFFFFE40]  }
0x15c: {  	v0 =	vadd.f32 v0, v1  }
0x15d: {  	v1 =	vld [tilespmem:s28+$0xFFFFFE80]  }
0x15e: {  	v0 =	vadd.f32 v2, v0  }
0x15f: {  	v2 =	vld [tilespmem:s28+$0xFFFFFEC0]  }
0x160: {  	v0 =	vadd.f32 v3, v0  }
0x161: {  	v3 =	vld [tilespmem:s28+$0xFFFFFF00]  }
0x162: {  	v0 =	vadd.f32 v1, v0  }
0x163: {  	v1 =	vld [tilespmem:s28+$0xFFFFFF40]  }
0x164: {  	v0 =	vadd.f32 v2, v0  }
0x165: {  	v2 =	vld [tilespmem:s28+$0xFFFFFF80]  }
0x166: {  	v0 =	vadd.f32 v3, v0  }
0x167: {  	v3 =	vld [tilespmem:s28+$0xFFFFFFC0]  }
0x168: {  	v0 =	vadd.f32 v1, v0  }
0x169: {  	v1 =	vld [tilespmem:s28+$0x0]  }
0x16a: {  	v0 =	vadd.f32 v2, v0  }
0x16b: {  	v2 =	vld [tilespmem:s28+$0x40]  }
0x16c: {  	v0 =	vadd.f32 v3, v0  }
0x16d: {  	v3 =	vld [tilespmem:s28+$0x80]  }
0x16e: {  	v0 =	vadd.f32 v1, v0  }
0x16f: {  	v1 =	vld [tilespmem:s28+$0xC0]  }
0x170: {  	v0 =	vadd.f32 v2, v0  }
0x171: {  	v2 =	vld [tilespmem:s28+$0x100]  }
0x172: {  	v0 =	vadd.f32 v3, v0  }
0x173: {  	v3 =	vld [tilespmem:s28+$0x140]  }
0x174: {  	v0 =	vadd.f32 v1, v0  }
0x175: {  	v1 =	vld [tilespmem:s28+$0x180]  }
0x176: {  	v0 =	vadd.f32 v2, v0  }
0x177: {  	v2 =	vld [tilespmem:s28+$0x1C0]  }
0x178: {  	v0 =	vadd.f32 v3, v0  }
0x179: {  	v3 =	vld [tilespmem:s28+$0x200]  }
0x17a: {  	v0 =	vadd.f32 v1, v0  }
0x17b: {  	v1 =	vld [tilespmem:s28+$0x240]  }
0x17c: {  	v0 =	vadd.f32 v2, v0;
	_ =	sdelay $0x1  }
0x17d: {  	v0 =	vadd.f32 v3, v0;
	_ =	sdelay $0x1  }
0x17e: {  	v0 =	vadd.f32 v1, v0;
	_ =	sdelay $0x1  }
0x17f: {  	v0 =	vmul.f32 $5.000000070e-02, v0  }
0x180: {  	s29 =	sshra.s32 s31, $0x2  }
0x181: {  	[tilespmem:s29+$0xC300] =	vst v0  }
0x182: {  	v0 =	vld [tilespmem:s28+$0xFFFFFD90]  }
0x183: {  	v1 =	vld [tilespmem:s28+$0xFFFFFDD0];
	_ =	sdelay $0x1  }
0x184: {  	v2 =	vld [tilespmem:s28+$0xFFFFFE10];
	_ =	sdelay $0x1  }
0x185: {  	v3 =	vld [tilespmem:s28+$0xFFFFFE50]  }
0x186: {  	v0 =	vadd.f32 v1, v0  }
0x187: {  	v1 =	vld [tilespmem:s28+$0xFFFFFE90]  }
0x188: {  	v0 =	vadd.f32 v2, v0  }
0x189: {  	v2 =	vld [tilespmem:s28+$0xFFFFFED0]  }
0x18a: {  	v0 =	vadd.f32 v3, v0  }
0x18b: {  	v3 =	vld [tilespmem:s28+$0xFFFFFF10]  }
0x18c: {  	v0 =	vadd.f32 v1, v0  }
0x18d: {  	v1 =	vld [tilespmem:s28+$0xFFFFFF50]  }
0x18e: {  	v0 =	vadd.f32 v2, v0  }
0x18f: {  	v2 =	vld [tilespmem:s28+$0xFFFFFF90]  }
0x190: {  	v0 =	vadd.f32 v3, v0  }
0x191: {  	v3 =	vld [tilespmem:s28+$0xFFFFFFD0]  }
0x192: {  	v0 =	vadd.f32 v1, v0  }
0x193: {  	v1 =	vld [tilespmem:s28+$0x10]  }
0x194: {  	v0 =	vadd.f32 v2, v0  }
0x195: {  	v2 =	vld [tilespmem:s28+$0x50]  }
0x196: {  	v0 =	vadd.f32 v3, v0  }
0x197: {  	v3 =	vld [tilespmem:s28+$0x90]  }
0x198: {  	v0 =	vadd.f32 v1, v0  }
0x199: {  	v1 =	vld [tilespmem:s28+$0xD0]  }
0x19a: {  	v0 =	vadd.f32 v2, v0  }
0x19b: {  	v2 =	vld [tilespmem:s28+$0x110]  }
0x19c: {  	v0 =	vadd.f32 v3, v0  }
0x19d: {  	v3 =	vld [tilespmem:s28+$0x150]  }
0x19e: {  	v0 =	vadd.f32 v1, v0  }
0x19f: {  	v1 =	vld [tilespmem:s28+$0x190]  }
0x1a0: {  	v0 =	vadd.f32 v2, v0  }
0x1a1: {  	v2 =	vld [tilespmem:s28+$0x1D0]  }
0x1a2: {  	v0 =	vadd.f32 v3, v0  }
0x1a3: {  	v3 =	vld [tilespmem:s28+$0x210]  }
0x1a4: {  	v0 =	vadd.f32 v1, v0  }
0x1a5: {  	v1 =	vld [tilespmem:s28+$0x250]  }
0x1a6: {  	v0 =	vadd.f32 v2, v0;
	_ =	sdelay $0x1  }
0x1a7: {  	v0 =	vadd.f32 v3, v0;
	_ =	sdelay $0x1  }
0x1a8: {  	v0 =	vadd.f32 v1, v0;
	_ =	sdelay $0x1  }
0x1a9: {  	v0 =	vmul.f32 $5.000000070e-02, v0;
	_ =	sdelay $0x1  }
0x1aa: {  	[tilespmem:s29+$0xC310] =	vst v0  }
0x1ab: {  	v0 =	vld [tilespmem:s28+$0xFFFFFDA0]  }
0x1ac: {  	v1 =	vld [tilespmem:s28+$0xFFFFFDE0];
	_ =	sdelay $0x1  }
0x1ad: {  	v2 =	vld [tilespmem:s28+$0xFFFFFE20];
	_ =	sdelay $0x1  }
0x1ae: {  	v3 =	vld [tilespmem:s28+$0xFFFFFE60]  }
0x1af: {  	v0 =	vadd.f32 v1, v0  }
0x1b0: {  	v1 =	vld [tilespmem:s28+$0xFFFFFEA0]  }
0x1b1: {  	v0 =	vadd.f32 v2, v0  }
0x1b2: {  	v2 =	vld [tilespmem:s28+$0xFFFFFEE0]  }
0x1b3: {  	v0 =	vadd.f32 v3, v0  }
0x1b4: {  	v3 =	vld [tilespmem:s28+$0xFFFFFF20]  }
0x1b5: {  	v0 =	vadd.f32 v1, v0  }
0x1b6: {  	v1 =	vld [tilespmem:s28+$0xFFFFFF60]  }
0x1b7: {  	v0 =	vadd.f32 v2, v0  }
0x1b8: {  	v2 =	vld [tilespmem:s28+$0xFFFFFFA0]  }
0x1b9: {  	v0 =	vadd.f32 v3, v0  }
0x1ba: {  	v3 =	vld [tilespmem:s28+$0xFFFFFFE0]  }
0x1bb: {  	v0 =	vadd.f32 v1, v0  }
0x1bc: {  	v1 =	vld [tilespmem:s28+$0x20]  }
0x1bd: {  	v0 =	vadd.f32 v2, v0  }
0x1be: {  	v2 =	vld [tilespmem:s28+$0x60]  }
0x1bf: {  	v0 =	vadd.f32 v3, v0  }
0x1c0: {  	v3 =	vld [tilespmem:s28+$0xA0]  }
0x1c1: {  	v0 =	vadd.f32 v1, v0  }
0x1c2: {  	v1 =	vld [tilespmem:s28+$0xE0]  }
0x1c3: {  	v0 =	vadd.f32 v2, v0  }
0x1c4: {  	v2 =	vld [tilespmem:s28+$0x120]  }
0x1c5: {  	v0 =	vadd.f32 v3, v0  }
0x1c6: {  	v3 =	vld [tilespmem:s28+$0x160]  }
0x1c7: {  	v0 =	vadd.f32 v1, v0  }
0x1c8: {  	v1 =	vld [tilespmem:s28+$0x1A0]  }
0x1c9: {  	v0 =	vadd.f32 v2, v0  }
0x1ca: {  	v2 =	vld [tilespmem:s28+$0x1E0]  }
0x1cb: {  	v0 =	vadd.f32 v3, v0  }
0x1cc: {  	v3 =	vld [tilespmem:s28+$0x220]  }
0x1cd: {  	v0 =	vadd.f32 v1, v0  }
0x1ce: {  	v1 =	vld [tilespmem:s28+$0x260]  }
0x1cf: {  	v0 =	vadd.f32 v2, v0;
	_ =	sdelay $0x1  }
0x1d0: {  	v0 =	vadd.f32 v3, v0;
	_ =	sdelay $0x1  }
0x1d1: {  	v0 =	vadd.f32 v1, v0;
	_ =	sdelay $0x1  }
0x1d2: {  	v0 =	vmul.f32 $5.000000070e-02, v0;
	_ =	sdelay $0x1  }
0x1d3: {  	[tilespmem:s29+$0xC320] =	vst v0  }
0x1d4: {  	v0 =	vld [tilespmem:s28+$0xFFFFFDB0]  }
0x1d5: {  	v1 =	vld [tilespmem:s28+$0xFFFFFDF0]  }
0x1d6: {  	v2 =	vld [tilespmem:s28+$0xFFFFFE30]  }
0x1d7: {  	v3 =	vld [tilespmem:s28+$0xFFFFFE70]  }
0x1d8: {  	v4 =	vld [tilespmem:s28+$0xFFFFFEB0]  }
0x1d9: {  	v5 =	vld [tilespmem:s28+$0xFFFFFEF0]  }
0x1da: {  	v0 =	vadd.f32 v1, v0;
	v1 =	vld [tilespmem:s28+$0xFFFFFF30]  }
0x1db: {  	v6 =	vld [tilespmem:s28+$0xFFFFFF70]  }
0x1dc: {  	v0 =	vadd.f32 v2, v0;
	v2 =	vld [tilespmem:s28+$0xFFFFFFB0]  }
0x1dd: {  	v7 =	vld [tilespmem:s28+$0xFFFFFFF0]  }
0x1de: {  	v0 =	vadd.f32 v3, v0;
	v3 =	vld [tilespmem:s28+$0x30]  }
0x1df: {  	v8 =	vld [tilespmem:s28+$0x70]  }
0x1e0: {  	v0 =	vadd.f32 v4, v0;
	v4 =	vld [tilespmem:s28+$0xB0]  }
0x1e1: {  	v9 =	vld [tilespmem:s28+$0xF0]  }
0x1e2: {  	v0 =	vadd.f32 v5, v0;
	v5 =	vld [tilespmem:s28+$0x130]  }
0x1e3: {  	v10 =	vld [tilespmem:s28+$0x170]  }
0x1e4: {  	v0 =	vadd.f32 v1, v0;
	v1 =	vld [tilespmem:s28+$0x1B0]  }
0x1e5: {  	v11 =	vld [tilespmem:s28+$0x1F0]  }
0x1e6: {  	v6 =	vadd.f32 v6, v0;
	v12 =	vld [tilespmem:s28+$0x230]  }
0x1e7: {  	v0 =	vld [tilespmem:s28+$0x270]  }
0x1e8: {  	v2 =	vadd.f32 v2, v6;
	_ =	sdelay $0x1  }
0x1e9: {  	v2 =	vadd.f32 v7, v2;
	_ =	sdelay $0x1  }
0x1ea: {  	v2 =	vadd.f32 v3, v2;
	_ =	sdelay $0x1  }
0x1eb: {  	v2 =	vadd.f32 v8, v2;
	_ =	sdelay $0x1  }
0x1ec: {  	v2 =	vadd.f32 v4, v2;
	_ =	sdelay $0x1  }
0x1ed: {  	v2 =	vadd.f32 v9, v2;
	_ =	sdelay $0x1  }
0x1ee: {  	v2 =	vadd.f32 v5, v2;
	_ =	sdelay $0x1  }
0x1ef: {  	v2 =	vadd.f32 v10, v2;
	_ =	sdelay $0x1  }
.Ltmp0:
0x1f0: {  	v1 =	vadd.f32 v1, v2;
	(pc) =	sbr.rel @p0 .LBB2_2-.Ltmp0, $3  }
0x1f1: {  	_ = 	snop  }
0x1f2: {  	v1 =	vadd.f32 v11, v1;
	_ =	sdelay $0x1  }
0x1f3: {  	v1 =	vadd.f32 v12, v1  }
0x1f4: {  	_ = 	snop  }
0x1f5: {  	v0 =	vadd.f32 v0, v1;
	_ =	sdelay $0x1  }
0x1f6: {  	s26 =	sadd.s32 $0x1, s26;
	v0 =	vmul.f32 $5.000000070e-02, v0  }
0x1f7: {  	p0 =	sne.s32 s26, s6  }
.Ltmp1:
0x1f8: {  	[tilespmem:s29+$0xC330] =	vst v0;
	(pc) =	sbr.rel @p0 .LBB2_1-.Ltmp1, $4  }
0x1f9: {  	[hbm4b:s5+s2] =	stream.linear.scatter [tilespmem:s25], [sflag:$0x2], $0x800, $0x38;
	[tilespmem:$0xCB00] =	vst v63  }
0x1fa: {  	_ =	swait.ge [sflag:s7], $0x800  }
0x1fb: {  	[sflag:s7] =	ssyncset.done $0x0  }
0x1fc: {  	[sflag:s7] =	ssyncadd.s32 $0xFFFFF800  }
0x1fd: {  	_ =	sfence.sel $0x180000  }
0x1fe: {  	[bflag:$0x0] =	sbarrier.arrive $0xFFFF  }
0x1ff: {  	_ =	strace $0x90000047  }
0x200: {  	s0 =	stileid.u32;
	[bflag:$0x2] =	sbarrier.arrive $0xFFFF  }
0x201: {  	p0 =	sne.s32 s0, $0x0;
	s0 =	rddreg [dreg:$0x2]  }
0x202: {  	s0 =	sadd.s32 @!p0 $0x100000, s0  }
0x203: {  	[sflag:s0] =	ssyncadd.tile.s32 @!p0 $0x1;
	_ =	shalt  }
.Lfunc_end2:
_tile_overlayer_lowered:
.L_overlay_start_2:
0x204: {  	(tag) =	ssettag $0x2  }
0x205: {  	s0 =	rddreg [dreg:$0x0];
	s2 =	stileid.u32  }
0x206: {  	s1 =	rddreg [dreg:$0x1];
	p0 =	sne.s32 s2, $0x0  }
0x207: {  	s3 =	rddreg [dreg:$0x2];
	[bflag:$0x3] =	sbarrier.arrive $0xFFFF;
	s2 =	simm.s32 @!p0 $0x1C02  }
0x208: {  	[timem:s3], [sflag:s2] =	dma.local @!p0 [hbm:s0], s1  }
0x209: {  	s0 =	simm.s32 @!p0 $0x2  }
0x20a: {  	_ =	swait.ge @!p0 [sflag:s0], s1  }
0x20b: {  	s1 =	ssub.s32 @!p0 $0x0, s1;
	[sflag:s0] =	ssyncset.done @!p0 $0x0  }
0x20c: {  	[sflag:s0] =	ssyncadd.s32 @!p0 s1  }
0x20d: {  	[bflag:$0x3] =	sbarrier.arrive $0xFFFF  }
0x20e: {  	_ =	shalt  }

</sc_bundles>
